<compile_context>
chip_gen: v7x
topology: tpu7x:2x2x1
jax: 0.10.2.dev20260603
libtpu: 0.0.44.dev20260713+nightly
codegen_flags: <defaults>
</compile_context>

<pallas_src>
import functools

import jax
import jax.numpy as jnp
from jax import lax
from jax.experimental import pallas as pl
from jax.experimental.pallas import tpu as pltpu
from jax.experimental.pallas import tpu_sc as plsc

_B, _C, _K = 4096, 1000, 10
_EPS = 1e-7

_NC, _NS, _L = 2, 16, 16
_NW = _NC * _NS
_SPW = _B // _NW

_BLOCK_B = 1024


_CCHUNK = 256
_CHUNKS = (128, 256, 256, 256, 104)


def _sc_gather_body(xt_hbm, labt_hbm, out_hbm, x0_v, x1_v, lab_v, g_v,
                    sem0, sem1):
    wid = lax.axis_index("c") * _NS + lax.axis_index("s")
    i0 = wid * _SPW

    bufs = (x0_v, x1_v)
    sems = (sem0, sem1)
    starts = [sum(_CHUNKS[:p]) for p in range(len(_CHUNKS))]
    copies = [None] * len(_CHUNKS)
    copies[0] = pltpu.async_copy(
        xt_hbm.at[pl.ds(0, _CHUNKS[0]), pl.ds(i0, _SPW)],
        x0_v.at[pl.ds(0, _CHUNKS[0])], sems[0])
    pltpu.sync_copy(labt_hbm.at[:, pl.ds(i0, _SPW)], lab_v)

    iota = lax.iota(jnp.int32, _L)

    for p, csz in enumerate(_CHUNKS):
        if p + 1 < len(_CHUNKS):
            nxt = (p + 1) % 2
            copies[p + 1] = pltpu.async_copy(
                xt_hbm.at[pl.ds(starts[p + 1], _CHUNKS[p + 1]),
                          pl.ds(i0, _SPW)],
                bufs[nxt].at[pl.ds(0, _CHUNKS[p + 1])], sems[nxt])
        copies[p].wait()
        xs = bufs[p % 2]
        c0 = starts[p]

        def _chunk(c, carry, *, xs=xs, c0=c0, csz=csz, p=p):
            ivec = c * _L + iota
            for k in range(_K):
                lab = lab_v[k, pl.ds(c * _L, _L)] - c0
                idx = jnp.minimum(jnp.maximum(lab, 0), csz - 1)
                g = plsc.load_gather(xs, [idx, ivec])
                hit = (lab >= 0) & (lab < csz)
                if p == 0:
                    g_v[k, pl.ds(c * _L, _L)] = jnp.where(hit, g, 0.0)
                else:
                    prev = g_v[k, pl.ds(c * _L, _L)]
                    g_v[k, pl.ds(c * _L, _L)] = jnp.where(hit, g, prev)
            return carry

        lax.fori_loop(0, _SPW // _L, _chunk, 0)

    pltpu.sync_copy(g_v, out_hbm.at[:, pl.ds(i0, _SPW)])


@functools.cache
def _sc_gather():
    return pl.kernel(
        _sc_gather_body,
        out_type=jax.ShapeDtypeStruct((_K, _B), jnp.float32),
        mesh=plsc.VectorSubcoreMesh(core_axis_name="c", subcore_axis_name="s"),
        compiler_params=pltpu.CompilerParams(needs_layout_passes=False),
        scratch_types=[
            pltpu.VMEM((_CCHUNK, _SPW), jnp.float32),
            pltpu.VMEM((_CCHUNK, _SPW), jnp.float32),
            pltpu.VMEM((_K, _SPW), jnp.int32),
            pltpu.VMEM((_K, _SPW), jnp.float32),
            pltpu.SemaphoreType.DMA,
            pltpu.SemaphoreType.DMA,
        ],
    )


def _lse_kernel(xt_ref, lse_ref):
    x = xt_ref[:]
    m = jnp.max(x, axis=0)
    z = jnp.sum(jnp.exp(x - m[None, :]), axis=0)
    lse_ref[0, :] = m + jnp.log(z)


def _combine_kernel(g_ref, lab_ref, lse_ref, out_ref):
    probs = jnp.exp(g_ref[:] - lse_ref[:])
    lab = lab_ref[:]
    s = probs[0:1, :]
    for k in range(1, _K):
        dup = lab[k : k + 1, :] == lab[0:1, :]
        for j in range(1, k):
            dup = dup | (lab[k : k + 1, :] == lab[j : j + 1, :])
        s = s + jnp.where(dup, 0.0, probs[k : k + 1, :])
    loss = -jnp.log(1.0 - s + _EPS)
    out_ref[:, :] = (jnp.sum(loss) * (1.0 / _B)).reshape(1, 1)


@jax.jit
def kernel(outputs, complementary_labels):
    xt = pltpu.with_memory_space_constraint(outputs.T, pltpu.MemorySpace.HBM)
    labt = complementary_labels.T

    lse = pl.pallas_call(
        _lse_kernel,
        grid=(_B // _BLOCK_B,),
        in_specs=[pl.BlockSpec((_C, _BLOCK_B), lambda i: (0, i))],
        out_specs=pl.BlockSpec((1, _BLOCK_B), lambda i: (0, i)),
        out_shape=jax.ShapeDtypeStruct((1, _B), jnp.float32),
    )(xt)

    g = _sc_gather()(xt, labt)

    out = pl.pallas_call(
        _combine_kernel,
        in_specs=[
            pl.BlockSpec((_K, _B), lambda: (0, 0)),
            pl.BlockSpec((_K, _B), lambda: (0, 0)),
            pl.BlockSpec((1, _B), lambda: (0, 0)),
        ],
        out_specs=pl.BlockSpec((1, 1), lambda: (0, 0)),
        out_shape=jax.ShapeDtypeStruct((1, 1), jnp.float32),
    )(g, labt, lse)
    return out[0, 0]

# --- scband reference (transcript-rebuilt; emitter-appended) ---
"""Pipeline reference for scband-mcl-log-21835613732941 (READ-ONLY COPY).

The authoritative reference and input builder live on the scoring server;
editing this copy changes nothing except your own understanding.
"""

import jax, jax.numpy as jnp
import numpy as np

B, C, K = 4096, 1000, 10

def setup_inputs(seed: int = 0) -> dict:
    key = jax.random.key(seed)
    k1, k2 = jax.random.split(key)
    outputs = jax.random.normal(k1, (B, C), dtype=jnp.float32)
    complementary_labels = jax.random.randint(k2, (B, K), 0, C, dtype=jnp.int32)
    return {"outputs": outputs, "complementary_labels": complementary_labels}

def reference(outputs, complementary_labels):
    # valid labels are those != -1
    valid = complementary_labels != -1
    probs_all = jax.nn.softmax(outputs, axis=1)
    num_classes = outputs.shape[1]
    # build complementary mask: True at (i, c) if c is a valid complementary label of sample i
    # equivalent to per-row scatter_(0, valid_labels, True) in the torch code
    hits = (complementary_labels[:, :, None] == jnp.arange(num_classes, dtype=complementary_labels.dtype)[None, None, :]) & valid[:, :, None]
    mask_complementary = jnp.any(hits, axis=1)
    mask_non_complementary = ~mask_complementary
    sum_probs_not_in_complementary_set = (probs_all * mask_non_complementary.astype(jnp.float32)).sum(axis=1)
    epsilon = 1e-07
    sample_loss = -jnp.log(sum_probs_not_in_complementary_set + epsilon)
    return sample_loss.mean()

if __name__ == "__main__":
    import jax
    _d = setup_inputs()
    print(jax.jit(kernel)(*tuple(_d.values())))

</pallas_src>

<mosaic_0001>
#map = affine_map<(d0, d1) -> (0, 0)>
module attributes {stable_mosaic.version = 14 : i64} {
  func.func @_sc_gather_body(%arg0: i32, %arg1: i32, %arg2: memref<1000x4096xf32, #tpu.memory_space<hbm>>, %arg3: memref<10x4096xi32, #tpu.memory_space<hbm>>, %arg4: memref<10x4096xf32, #tpu.memory_space<hbm>>, %arg5: memref<256x128xf32, #tpu.memory_space<vmem>>, %arg6: memref<256x128xf32, #tpu.memory_space<vmem>>, %arg7: memref<10x128xi32, #tpu.memory_space<vmem>>, %arg8: memref<10x128xf32, #tpu.memory_space<vmem>>, %arg9: memref<!tpu.dma_semaphore, #tpu.memory_space<semaphore_mem>>, %arg10: memref<!tpu.dma_semaphore, #tpu.memory_space<semaphore_mem>>) attributes {dimension_semantics = [#tpu.dimension_semantics<core_parallel>, #tpu.dimension_semantics<subcore_parallel>], iteration_bounds = array<i64: 2, 16>, scalar_prefetch = 0 : i64, scratch_operands = 6 : i64, tpu.core_type = #tpu.core_type<sc_vector_subcore>, window_params = [{transform_indices = #map}, {transform_indices = #map}, {transform_indices = #map}]} {
    %mul3A = arith.constant 16 : i32
    %mul3A_0 = arith.muli %arg0, %mul3A : i32
    %add3A = arith.addi %mul3A_0, %arg1 : i32
    %mul3A_1 = arith.constant 128 : i32
    %mul3A_2 = arith.muli %add3A, %mul3A_1 : i32
    %dma_start3A = arith.constant 0 : i32
    %dma_start3A_3 = arith.constant 0 : i32
    %dma_start3A_4 = tpu.memref_slice %arg5[%dma_start3A, %dma_start3A_3] : memref<256x128xf32, #tpu.memory_space<vmem>> -> memref<128x128xf32, #tpu.memory_space<vmem>>
    %dma_start3A_5 = arith.constant 0 : i32
    %dma_start3A_6 = tpu.memref_slice %arg2[%dma_start3A_5, %mul3A_2] : memref<1000x4096xf32, #tpu.memory_space<hbm>> -> memref<128x128xf32, #tpu.memory_space<hbm>>
    %dma_start3A_7 = arith.constant 0 : i32
    %dma_start3A_8 = arith.constant 0 : i32
    %dma_start3A_9 = tpu.memref_slice %arg5[%dma_start3A_7, %dma_start3A_8] : memref<256x128xf32, #tpu.memory_space<vmem>> -> memref<128x128xf32, #tpu.memory_space<vmem>>
    %dma_start3A_10 = arith.constant 0 : i32
    %dma_start3A_11 = tpu.memref_slice %arg2[%dma_start3A_10, %mul3A_2] : memref<1000x4096xf32, #tpu.memory_space<hbm>> -> memref<128x128xf32, #tpu.memory_space<hbm>>
    tpu.enqueue_dma source(%dma_start3A_11 : memref<128x128xf32, #tpu.memory_space<hbm>>) target(%dma_start3A_9 : memref<128x128xf32, #tpu.memory_space<vmem>>) target_semaphore(%arg9 : memref<!tpu.dma_semaphore, #tpu.memory_space<semaphore_mem>>)
    "tpu.region"() ({
      %run_scoped3A = tpu.sem_alloc : memref<!tpu.dma_semaphore, #tpu.memory_space<semaphore_mem>>
      %dma_start3A_130 = arith.constant 0 : i32
      %dma_start3A_131 = tpu.memref_slice %arg3[%dma_start3A_130, %mul3A_2] : memref<10x4096xi32, #tpu.memory_space<hbm>> -> memref<10x128xi32, #tpu.memory_space<hbm>>
      %dma_start3A_132 = arith.constant 0 : i32
      %dma_start3A_133 = tpu.memref_slice %arg3[%dma_start3A_132, %mul3A_2] : memref<10x4096xi32, #tpu.memory_space<hbm>> -> memref<10x128xi32, #tpu.memory_space<hbm>>
      tpu.enqueue_dma source(%dma_start3A_133 : memref<10x128xi32, #tpu.memory_space<hbm>>) target(%arg7 : memref<10x128xi32, #tpu.memory_space<vmem>>) target_semaphore(%run_scoped3A : memref<!tpu.dma_semaphore, #tpu.memory_space<semaphore_mem>>)
      %dma_wait3A_134 = arith.constant 0 : i32
      %dma_wait3A_135 = tpu.memref_slice %arg3[%dma_wait3A_134, %mul3A_2] : memref<10x4096xi32, #tpu.memory_space<hbm>> -> memref<10x128xi32, #tpu.memory_space<hbm>>
      %dma_wait3A_136 = arith.constant 0 : i32
      %dma_wait3A_137 = tpu.memref_slice %arg3[%dma_wait3A_136, %mul3A_2] : memref<10x4096xi32, #tpu.memory_space<hbm>> -> memref<10x128xi32, #tpu.memory_space<hbm>>
      tpu.wait_dma2 semaphore(%run_scoped3A : memref<!tpu.dma_semaphore, #tpu.memory_space<semaphore_mem>>) src(%dma_wait3A_137 : memref<10x128xi32, #tpu.memory_space<hbm>>) dst(%arg7 : memref<10x128xi32, #tpu.memory_space<vmem>>)
      tpu.yield
    }) : () -> ()
    %iota3A = tpu.iota {dimensions = array<i32: 0>} : vector<16xi32>
    %dma_start3A_12 = arith.constant 0 : i32
    %dma_start3A_13 = arith.constant 0 : i32
    %dma_start3A_14 = tpu.memref_slice %arg6[%dma_start3A_12, %dma_start3A_13] : memref<256x128xf32, #tpu.memory_space<vmem>> -> memref<256x128xf32, #tpu.memory_space<vmem>>
    %dma_start3A_15 = arith.constant 128 : i32
    %dma_start3A_16 = tpu.memref_slice %arg2[%dma_start3A_15, %mul3A_2] : memref<1000x4096xf32, #tpu.memory_space<hbm>> -> memref<256x128xf32, #tpu.memory_space<hbm>>
    %dma_start3A_17 = arith.constant 0 : i32
    %dma_start3A_18 = arith.constant 0 : i32
    %dma_start3A_19 = tpu.memref_slice %arg6[%dma_start3A_17, %dma_start3A_18] : memref<256x128xf32, #tpu.memory_space<vmem>> -> memref<256x128xf32, #tpu.memory_space<vmem>>
    %dma_start3A_20 = arith.constant 128 : i32
    %dma_start3A_21 = tpu.memref_slice %arg2[%dma_start3A_20, %mul3A_2] : memref<1000x4096xf32, #tpu.memory_space<hbm>> -> memref<256x128xf32, #tpu.memory_space<hbm>>
    tpu.enqueue_dma source(%dma_start3A_21 : memref<256x128xf32, #tpu.memory_space<hbm>>) target(%dma_start3A_19 : memref<256x128xf32, #tpu.memory_space<vmem>>) target_semaphore(%arg10 : memref<!tpu.dma_semaphore, #tpu.memory_space<semaphore_mem>>)
    %dma_wait3A = arith.constant 0 : i32
    %dma_wait3A_22 = arith.constant 0 : i32
    %dma_wait3A_23 = tpu.memref_slice %arg5[%dma_wait3A, %dma_wait3A_22] : memref<256x128xf32, #tpu.memory_space<vmem>> -> memref<128x128xf32, #tpu.memory_space<vmem>>
    %dma_wait3A_24 = arith.constant 0 : i32
    %dma_wait3A_25 = tpu.memref_slice %arg2[%dma_wait3A_24, %mul3A_2] : memref<1000x4096xf32, #tpu.memory_space<hbm>> -> memref<128x128xf32, #tpu.memory_space<hbm>>
    %dma_wait3A_26 = arith.constant 0 : i32
    %dma_wait3A_27 = arith.constant 0 : i32
    %dma_wait3A_28 = tpu.memref_slice %arg5[%dma_wait3A_26, %dma_wait3A_27] : memref<256x128xf32, #tpu.memory_space<vmem>> -> memref<128x128xf32, #tpu.memory_space<vmem>>
    %dma_wait3A_29 = arith.constant 0 : i32
    %dma_wait3A_30 = tpu.memref_slice %arg2[%dma_wait3A_29, %mul3A_2] : memref<1000x4096xf32, #tpu.memory_space<hbm>> -> memref<128x128xf32, #tpu.memory_space<hbm>>
    tpu.wait_dma2 semaphore(%arg9 : memref<!tpu.dma_semaphore, #tpu.memory_space<semaphore_mem>>) src(%dma_wait3A_30 : memref<128x128xf32, #tpu.memory_space<hbm>>) dst(%dma_wait3A_28 : memref<128x128xf32, #tpu.memory_space<vmem>>)
    %scan3A = arith.constant 0 : i32
    %scan3A_31 = arith.constant 0 : i32
    %scan3A_32 = arith.constant 8 : i32
    %scan3A_33 = arith.addi %scan3A_31, %scan3A_32 : i32
    %scan3A_34 = arith.constant 1 : i32
    scf.for %scan3A_130 = %scan3A_31 to %scan3A_33 step %scan3A_34  : i32 {
      %mul3A_131 = arith.constant 16 : i32
      %mul3A_132 = arith.muli %scan3A_130, %mul3A_131 : i32
      %add3A_133 = vector.broadcast %mul3A_132 : i32 to vector<16xi32>
      %add3A_134 = arith.addi %add3A_133, %iota3A : vector<16xi32>
      %mul3A_135 = arith.constant 16 : i32
      %mul3A_136 = arith.muli %scan3A_130, %mul3A_135 : i32
      %get3A = arith.constant 0 : i32
      %get3A_137 = arith.index_cast %get3A : i32 to index
      %get3A_138 = arith.index_cast %mul3A_136 : i32 to index
      %get3A_139 = tpu.vector_load %arg7[%get3A_137, %get3A_138] {strides = array<i32>} : memref<10x128xi32, #tpu.memory_space<vmem>>, vector<16xi32>,
      %sub3A = arith.constant 0 : i32
      %sub3A_140 = vector.broadcast %sub3A : i32 to vector<16xi32>
      %sub3A_141 = arith.subi %get3A_139, %sub3A_140 : vector<16xi32>
      %max3A = arith.constant 0 : i32
      %max3A_142 = vector.broadcast %max3A : i32 to vector<16xi32>
      %max3A_143 = arith.maxsi %sub3A_141, %max3A_142 : vector<16xi32>
      %min3A = arith.constant 127 : i32
      %min3A_144 = vector.broadcast %min3A : i32 to vector<16xi32>
      %min3A_145 = arith.minsi %max3A_143, %min3A_144 : vector<16xi32>
      %gather3A = tpu.vector_load_idx %arg5[%min3A_145, %add3A_134] : memref<256x128xf32, #tpu.memory_space<vmem>>[vector<16xi32>, vector<16xi32>], vector<16xf32>,
      %ge3A = arith.constant 0 : i32
      %ge3A_146 = vector.broadcast %ge3A : i32 to vector<16xi32>
      %ge3A_147 = arith.cmpi sge, %sub3A_141, %ge3A_146 : vector<16xi32>
      %lt3A = arith.constant 128 : i32
      %lt3A_148 = vector.broadcast %lt3A : i32 to vector<16xi32>
      %lt3A_149 = arith.cmpi slt, %sub3A_141, %lt3A_148 : vector<16xi32>
      %and3A = arith.andi %ge3A_147, %lt3A_149 : vector<16xi1>
      %jit3A = arith.constant 0.000000e+00 : f32
      %broadcast_in_dim3A = vector.broadcast %jit3A : f32 to vector<16xf32>
      %select_n3A = arith.select %and3A, %gather3A, %broadcast_in_dim3A : vector<16xi1>, vector<16xf32>
      %mul3A_150 = arith.constant 16 : i32
      %mul3A_151 = arith.muli %scan3A_130, %mul3A_150 : i32
      %swap3A = arith.constant 0 : i32
      %swap3A_152 = arith.index_cast %swap3A : i32 to index
      %swap3A_153 = arith.index_cast %mul3A_151 : i32 to index
      %swap3A_154 = tpu.vector_load %arg8[%swap3A_152, %swap3A_153] {strides = array<i32>} : memref<10x128xf32, #tpu.memory_space<vmem>>, vector<16xf32>,
      tpu.vector_store %arg8[%swap3A_152, %swap3A_153], %select_n3A {strides = array<i32>} : memref<10x128xf32, #tpu.memory_space<vmem>>, vector<16xf32>,
      %mul3A_155 = arith.constant 16 : i32
      %mul3A_156 = arith.muli %scan3A_130, %mul3A_155 : i32
      %get3A_157 = arith.constant 1 : i32
      %get3A_158 = arith.index_cast %get3A_157 : i32 to index
      %get3A_159 = arith.index_cast %mul3A_156 : i32 to index
      %get3A_160 = tpu.vector_load %arg7[%get3A_158, %get3A_159] {strides = array<i32>} : memref<10x128xi32, #tpu.memory_space<vmem>>, vector<16xi32>,
      %sub3A_161 = arith.constant 0 : i32
      %sub3A_162 = vector.broadcast %sub3A_161 : i32 to vector<16xi32>
      %sub3A_163 = arith.subi %get3A_160, %sub3A_162 : vector<16xi32>
      %max3A_164 = arith.constant 0 : i32
      %max3A_165 = vector.broadcast %max3A_164 : i32 to vector<16xi32>
      %max3A_166 = arith.maxsi %sub3A_163, %max3A_165 : vector<16xi32>
      %min3A_167 = arith.constant 127 : i32
      %min3A_168 = vector.broadcast %min3A_167 : i32 to vector<16xi32>
      %min3A_169 = arith.minsi %max3A_166, %min3A_168 : vector<16xi32>
      %gather3A_170 = tpu.vector_load_idx %arg5[%min3A_169, %add3A_134] : memref<256x128xf32, #tpu.memory_space<vmem>>[vector<16xi32>, vector<16xi32>], vector<16xf32>,
      %ge3A_171 = arith.constant 0 : i32
      %ge3A_172 = vector.broadcast %ge3A_171 : i32 to vector<16xi32>
      %ge3A_173 = arith.cmpi sge, %sub3A_163, %ge3A_172 : vector<16xi32>
      %lt3A_174 = arith.constant 128 : i32
      %lt3A_175 = vector.broadcast %lt3A_174 : i32 to vector<16xi32>
      %lt3A_176 = arith.cmpi slt, %sub3A_163, %lt3A_175 : vector<16xi32>
      %and3A_177 = arith.andi %ge3A_173, %lt3A_176 : vector<16xi1>
      %jit3A_178 = arith.constant 0.000000e+00 : f32
      %broadcast_in_dim3A_179 = vector.broadcast %jit3A_178 : f32 to vector<16xf32>
      %select_n3A_180 = arith.select %and3A_177, %gather3A_170, %broadcast_in_dim3A_179 : vector<16xi1>, vector<16xf32>
      %mul3A_181 = arith.constant 16 : i32
      %mul3A_182 = arith.muli %scan3A_130, %mul3A_181 : i32
      %swap3A_183 = arith.constant 1 : i32
      %swap3A_184 = arith.index_cast %swap3A_183 : i32 to index
      %swap3A_185 = arith.index_cast %mul3A_182 : i32 to index
      %swap3A_186 = tpu.vector_load %arg8[%swap3A_184, %swap3A_185] {strides = array<i32>} : memref<10x128xf32, #tpu.memory_space<vmem>>, vector<16xf32>,
      tpu.vector_store %arg8[%swap3A_184, %swap3A_185], %select_n3A_180 {strides = array<i32>} : memref<10x128xf32, #tpu.memory_space<vmem>>, vector<16xf32>,
      %mul3A_187 = arith.constant 16 : i32
      %mul3A_188 = arith.muli %scan3A_130, %mul3A_187 : i32
      %get3A_189 = arith.constant 2 : i32
      %get3A_190 = arith.index_cast %get3A_189 : i32 to index
      %get3A_191 = arith.index_cast %mul3A_188 : i32 to index
      %get3A_192 = tpu.vector_load %arg7[%get3A_190, %get3A_191] {strides = array<i32>} : memref<10x128xi32, #tpu.memory_space<vmem>>, vector<16xi32>,
      %sub3A_193 = arith.constant 0 : i32
      %sub3A_194 = vector.broadcast %sub3A_193 : i32 to vector<16xi32>
      %sub3A_195 = arith.subi %get3A_192, %sub3A_194 : vector<16xi32>
      %max3A_196 = arith.constant 0 : i32
      %max3A_197 = vector.broadcast %max3A_196 : i32 to vector<16xi32>
      %max3A_198 = arith.maxsi %sub3A_195, %max3A_197 : vector<16xi32>
      %min3A_199 = arith.constant 127 : i32
      %min3A_200 = vector.broadcast %min3A_199 : i32 to vector<16xi32>
      %min3A_201 = arith.minsi %max3A_198, %min3A_200 : vector<16xi32>
      %gather3A_202 = tpu.vector_load_idx %arg5[%min3A_201, %add3A_134] : memref<256x128xf32, #tpu.memory_space<vmem>>[vector<16xi32>, vector<16xi32>], vector<16xf32>,
      %ge3A_203 = arith.constant 0 : i32
      %ge3A_204 = vector.broadcast %ge3A_203 : i32 to vector<16xi32>
      %ge3A_205 = arith.cmpi sge, %sub3A_195, %ge3A_204 : vector<16xi32>
      %lt3A_206 = arith.constant 128 : i32
      %lt3A_207 = vector.broadcast %lt3A_206 : i32 to vector<16xi32>
      %lt3A_208 = arith.cmpi slt, %sub3A_195, %lt3A_207 : vector<16xi32>
      %and3A_209 = arith.andi %ge3A_205, %lt3A_208 : vector<16xi1>
      %jit3A_210 = arith.constant 0.000000e+00 : f32
      %broadcast_in_dim3A_211 = vector.broadcast %jit3A_210 : f32 to vector<16xf32>
      %select_n3A_212 = arith.select %and3A_209, %gather3A_202, %broadcast_in_dim3A_211 : vector<16xi1>, vector<16xf32>
      %mul3A_213 = arith.constant 16 : i32
      %mul3A_214 = arith.muli %scan3A_130, %mul3A_213 : i32
      %swap3A_215 = arith.constant 2 : i32
      %swap3A_216 = arith.index_cast %swap3A_215 : i32 to index
      %swap3A_217 = arith.index_cast %mul3A_214 : i32 to index
      %swap3A_218 = tpu.vector_load %arg8[%swap3A_216, %swap3A_217] {strides = array<i32>} : memref<10x128xf32, #tpu.memory_space<vmem>>, vector<16xf32>,
      tpu.vector_store %arg8[%swap3A_216, %swap3A_217], %select_n3A_212 {strides = array<i32>} : memref<10x128xf32, #tpu.memory_space<vmem>>, vector<16xf32>,
      %mul3A_219 = arith.constant 16 : i32
      %mul3A_220 = arith.muli %scan3A_130, %mul3A_219 : i32
      %get3A_221 = arith.constant 3 : i32
      %get3A_222 = arith.index_cast %get3A_221 : i32 to index
      %get3A_223 = arith.index_cast %mul3A_220 : i32 to index
      %get3A_224 = tpu.vector_load %arg7[%get3A_222, %get3A_223] {strides = array<i32>} : memref<10x128xi32, #tpu.memory_space<vmem>>, vector<16xi32>,
      %sub3A_225 = arith.constant 0 : i32
      %sub3A_226 = vector.broadcast %sub3A_225 : i32 to vector<16xi32>
      %sub3A_227 = arith.subi %get3A_224, %sub3A_226 : vector<16xi32>
      %max3A_228 = arith.constant 0 : i32
      %max3A_229 = vector.broadcast %max3A_228 : i32 to vector<16xi32>
      %max3A_230 = arith.maxsi %sub3A_227, %max3A_229 : vector<16xi32>
      %min3A_231 = arith.constant 127 : i32
      %min3A_232 = vector.broadcast %min3A_231 : i32 to vector<16xi32>
      %min3A_233 = arith.minsi %max3A_230, %min3A_232 : vector<16xi32>
      %gather3A_234 = tpu.vector_load_idx %arg5[%min3A_233, %add3A_134] : memref<256x128xf32, #tpu.memory_space<vmem>>[vector<16xi32>, vector<16xi32>], vector<16xf32>,
      %ge3A_235 = arith.constant 0 : i32
      %ge3A_236 = vector.broadcast %ge3A_235 : i32 to vector<16xi32>
      %ge3A_237 = arith.cmpi sge, %sub3A_227, %ge3A_236 : vector<16xi32>
      %lt3A_238 = arith.constant 128 : i32
      %lt3A_239 = vector.broadcast %lt3A_238 : i32 to vector<16xi32>
      %lt3A_240 = arith.cmpi slt, %sub3A_227, %lt3A_239 : vector<16xi32>
      %and3A_241 = arith.andi %ge3A_237, %lt3A_240 : vector<16xi1>
      %jit3A_242 = arith.constant 0.000000e+00 : f32
      %broadcast_in_dim3A_243 = vector.broadcast %jit3A_242 : f32 to vector<16xf32>
      %select_n3A_244 = arith.select %and3A_241, %gather3A_234, %broadcast_in_dim3A_243 : vector<16xi1>, vector<16xf32>
      %mul3A_245 = arith.constant 16 : i32
      %mul3A_246 = arith.muli %scan3A_130, %mul3A_245 : i32
      %swap3A_247 = arith.constant 3 : i32
      %swap3A_248 = arith.index_cast %swap3A_247 : i32 to index
      %swap3A_249 = arith.index_cast %mul3A_246 : i32 to index
      %swap3A_250 = tpu.vector_load %arg8[%swap3A_248, %swap3A_249] {strides = array<i32>} : memref<10x128xf32, #tpu.memory_space<vmem>>, vector<16xf32>,
      tpu.vector_store %arg8[%swap3A_248, %swap3A_249], %select_n3A_244 {strides = array<i32>} : memref<10x128xf32, #tpu.memory_space<vmem>>, vector<16xf32>,
      %mul3A_251 = arith.constant 16 : i32
      %mul3A_252 = arith.muli %scan3A_130, %mul3A_251 : i32
      %get3A_253 = arith.constant 4 : i32
      %get3A_254 = arith.index_cast %get3A_253 : i32 to index
      %get3A_255 = arith.index_cast %mul3A_252 : i32 to index
      %get3A_256 = tpu.vector_load %arg7[%get3A_254, %get3A_255] {strides = array<i32>} : memref<10x128xi32, #tpu.memory_space<vmem>>, vector<16xi32>,
      %sub3A_257 = arith.constant 0 : i32
      %sub3A_258 = vector.broadcast %sub3A_257 : i32 to vector<16xi32>
      %sub3A_259 = arith.subi %get3A_256, %sub3A_258 : vector<16xi32>
      %max3A_260 = arith.constant 0 : i32
      %max3A_261 = vector.broadcast %max3A_260 : i32 to vector<16xi32>
      %max3A_262 = arith.maxsi %sub3A_259, %max3A_261 : vector<16xi32>
      %min3A_263 = arith.constant 127 : i32
      %min3A_264 = vector.broadcast %min3A_263 : i32 to vector<16xi32>
      %min3A_265 = arith.minsi %max3A_262, %min3A_264 : vector<16xi32>
      %gather3A_266 = tpu.vector_load_idx %arg5[%min3A_265, %add3A_134] : memref<256x128xf32, #tpu.memory_space<vmem>>[vector<16xi32>, vector<16xi32>], vector<16xf32>,
      %ge3A_267 = arith.constant 0 : i32
      %ge3A_268 = vector.broadcast %ge3A_267 : i32 to vector<16xi32>
      %ge3A_269 = arith.cmpi sge, %sub3A_259, %ge3A_268 : vector<16xi32>
      %lt3A_270 = arith.constant 128 : i32
      %lt3A_271 = vector.broadcast %lt3A_270 : i32 to vector<16xi32>
      %lt3A_272 = arith.cmpi slt, %sub3A_259, %lt3A_271 : vector<16xi32>
      %and3A_273 = arith.andi %ge3A_269, %lt3A_272 : vector<16xi1>
      %jit3A_274 = arith.constant 0.000000e+00 : f32
      %broadcast_in_dim3A_275 = vector.broadcast %jit3A_274 : f32 to vector<16xf32>
      %select_n3A_276 = arith.select %and3A_273, %gather3A_266, %broadcast_in_dim3A_275 : vector<16xi1>, vector<16xf32>
      %mul3A_277 = arith.constant 16 : i32
      %mul3A_278 = arith.muli %scan3A_130, %mul3A_277 : i32
      %swap3A_279 = arith.constant 4 : i32
      %swap3A_280 = arith.index_cast %swap3A_279 : i32 to index
      %swap3A_281 = arith.index_cast %mul3A_278 : i32 to index
      %swap3A_282 = tpu.vector_load %arg8[%swap3A_280, %swap3A_281] {strides = array<i32>} : memref<10x128xf32, #tpu.memory_space<vmem>>, vector<16xf32>,
      tpu.vector_store %arg8[%swap3A_280, %swap3A_281], %select_n3A_276 {strides = array<i32>} : memref<10x128xf32, #tpu.memory_space<vmem>>, vector<16xf32>,
      %mul3A_283 = arith.constant 16 : i32
      %mul3A_284 = arith.muli %scan3A_130, %mul3A_283 : i32
      %get3A_285 = arith.constant 5 : i32
      %get3A_286 = arith.index_cast %get3A_285 : i32 to index
      %get3A_287 = arith.index_cast %mul3A_284 : i32 to index
      %get3A_288 = tpu.vector_load %arg7[%get3A_286, %get3A_287] {strides = array<i32>} : memref<10x128xi32, #tpu.memory_space<vmem>>, vector<16xi32>,
      %sub3A_289 = arith.constant 0 : i32
      %sub3A_290 = vector.broadcast %sub3A_289 : i32 to vector<16xi32>
      %sub3A_291 = arith.subi %get3A_288, %sub3A_290 : vector<16xi32>
      %max3A_292 = arith.constant 0 : i32
      %max3A_293 = vector.broadcast %max3A_292 : i32 to vector<16xi32>
      %max3A_294 = arith.maxsi %sub3A_291, %max3A_293 : vector<16xi32>
      %min3A_295 = arith.constant 127 : i32
      %min3A_296 = vector.broadcast %min3A_295 : i32 to vector<16xi32>
      %min3A_297 = arith.minsi %max3A_294, %min3A_296 : vector<16xi32>
      %gather3A_298 = tpu.vector_load_idx %arg5[%min3A_297, %add3A_134] : memref<256x128xf32, #tpu.memory_space<vmem>>[vector<16xi32>, vector<16xi32>], vector<16xf32>,
      %ge3A_299 = arith.constant 0 : i32
      %ge3A_300 = vector.broadcast %ge3A_299 : i32 to vector<16xi32>
      %ge3A_301 = arith.cmpi sge, %sub3A_291, %ge3A_300 : vector<16xi32>
      %lt3A_302 = arith.constant 128 : i32
      %lt3A_303 = vector.broadcast %lt3A_302 : i32 to vector<16xi32>
      %lt3A_304 = arith.cmpi slt, %sub3A_291, %lt3A_303 : vector<16xi32>
      %and3A_305 = arith.andi %ge3A_301, %lt3A_304 : vector<16xi1>
      %jit3A_306 = arith.constant 0.000000e+00 : f32
      %broadcast_in_dim3A_307 = vector.broadcast %jit3A_306 : f32 to vector<16xf32>
      %select_n3A_308 = arith.select %and3A_305, %gather3A_298, %broadcast_in_dim3A_307 : vector<16xi1>, vector<16xf32>
      %mul3A_309 = arith.constant 16 : i32
      %mul3A_310 = arith.muli %scan3A_130, %mul3A_309 : i32
      %swap3A_311 = arith.constant 5 : i32
      %swap3A_312 = arith.index_cast %swap3A_311 : i32 to index
      %swap3A_313 = arith.index_cast %mul3A_310 : i32 to index
      %swap3A_314 = tpu.vector_load %arg8[%swap3A_312, %swap3A_313] {strides = array<i32>} : memref<10x128xf32, #tpu.memory_space<vmem>>, vector<16xf32>,
      tpu.vector_store %arg8[%swap3A_312, %swap3A_313], %select_n3A_308 {strides = array<i32>} : memref<10x128xf32, #tpu.memory_space<vmem>>, vector<16xf32>,
      %mul3A_315 = arith.constant 16 : i32
      %mul3A_316 = arith.muli %scan3A_130, %mul3A_315 : i32
      %get3A_317 = arith.constant 6 : i32
      %get3A_318 = arith.index_cast %get3A_317 : i32 to index
      %get3A_319 = arith.index_cast %mul3A_316 : i32 to index
      %get3A_320 = tpu.vector_load %arg7[%get3A_318, %get3A_319] {strides = array<i32>} : memref<10x128xi32, #tpu.memory_space<vmem>>, vector<16xi32>,
      %sub3A_321 = arith.constant 0 : i32
      %sub3A_322 = vector.broadcast %sub3A_321 : i32 to vector<16xi32>
      %sub3A_323 = arith.subi %get3A_320, %sub3A_322 : vector<16xi32>
      %max3A_324 = arith.constant 0 : i32
      %max3A_325 = vector.broadcast %max3A_324 : i32 to vector<16xi32>
      %max3A_326 = arith.maxsi %sub3A_323, %max3A_325 : vector<16xi32>
      %min3A_327 = arith.constant 127 : i32
      %min3A_328 = vector.broadcast %min3A_327 : i32 to vector<16xi32>
      %min3A_329 = arith.minsi %max3A_326, %min3A_328 : vector<16xi32>
      %gather3A_330 = tpu.vector_load_idx %arg5[%min3A_329, %add3A_134] : memref<256x128xf32, #tpu.memory_space<vmem>>[vector<16xi32>, vector<16xi32>], vector<16xf32>,
      %ge3A_331 = arith.constant 0 : i32
      %ge3A_332 = vector.broadcast %ge3A_331 : i32 to vector<16xi32>
      %ge3A_333 = arith.cmpi sge, %sub3A_323, %ge3A_332 : vector<16xi32>
      %lt3A_334 = arith.constant 128 : i32
      %lt3A_335 = vector.broadcast %lt3A_334 : i32 to vector<16xi32>
      %lt3A_336 = arith.cmpi slt, %sub3A_323, %lt3A_335 : vector<16xi32>
      %and3A_337 = arith.andi %ge3A_333, %lt3A_336 : vector<16xi1>
      %jit3A_338 = arith.constant 0.000000e+00 : f32
      %broadcast_in_dim3A_339 = vector.broadcast %jit3A_338 : f32 to vector<16xf32>
      %select_n3A_340 = arith.select %and3A_337, %gather3A_330, %broadcast_in_dim3A_339 : vector<16xi1>, vector<16xf32>
      %mul3A_341 = arith.constant 16 : i32
      %mul3A_342 = arith.muli %scan3A_130, %mul3A_341 : i32
      %swap3A_343 = arith.constant 6 : i32
      %swap3A_344 = arith.index_cast %swap3A_343 : i32 to index
      %swap3A_345 = arith.index_cast %mul3A_342 : i32 to index
      %swap3A_346 = tpu.vector_load %arg8[%swap3A_344, %swap3A_345] {strides = array<i32>} : memref<10x128xf32, #tpu.memory_space<vmem>>, vector<16xf32>,
      tpu.vector_store %arg8[%swap3A_344, %swap3A_345], %select_n3A_340 {strides = array<i32>} : memref<10x128xf32, #tpu.memory_space<vmem>>, vector<16xf32>,
      %mul3A_347 = arith.constant 16 : i32
      %mul3A_348 = arith.muli %scan3A_130, %mul3A_347 : i32
      %get3A_349 = arith.constant 7 : i32
      %get3A_350 = arith.index_cast %get3A_349 : i32 to index
      %get3A_351 = arith.index_cast %mul3A_348 : i32 to index
      %get3A_352 = tpu.vector_load %arg7[%get3A_350, %get3A_351] {strides = array<i32>} : memref<10x128xi32, #tpu.memory_space<vmem>>, vector<16xi32>,
      %sub3A_353 = arith.constant 0 : i32
      %sub3A_354 = vector.broadcast %sub3A_353 : i32 to vector<16xi32>
      %sub3A_355 = arith.subi %get3A_352, %sub3A_354 : vector<16xi32>
      %max3A_356 = arith.constant 0 : i32
      %max3A_357 = vector.broadcast %max3A_356 : i32 to vector<16xi32>
      %max3A_358 = arith.maxsi %sub3A_355, %max3A_357 : vector<16xi32>
      %min3A_359 = arith.constant 127 : i32
      %min3A_360 = vector.broadcast %min3A_359 : i32 to vector<16xi32>
      %min3A_361 = arith.minsi %max3A_358, %min3A_360 : vector<16xi32>
      %gather3A_362 = tpu.vector_load_idx %arg5[%min3A_361, %add3A_134] : memref<256x128xf32, #tpu.memory_space<vmem>>[vector<16xi32>, vector<16xi32>], vector<16xf32>,
      %ge3A_363 = arith.constant 0 : i32
      %ge3A_364 = vector.broadcast %ge3A_363 : i32 to vector<16xi32>
      %ge3A_365 = arith.cmpi sge, %sub3A_355, %ge3A_364 : vector<16xi32>
      %lt3A_366 = arith.constant 128 : i32
      %lt3A_367 = vector.broadcast %lt3A_366 : i32 to vector<16xi32>
      %lt3A_368 = arith.cmpi slt, %sub3A_355, %lt3A_367 : vector<16xi32>
      %and3A_369 = arith.andi %ge3A_365, %lt3A_368 : vector<16xi1>
      %jit3A_370 = arith.constant 0.000000e+00 : f32
      %broadcast_in_dim3A_371 = vector.broadcast %jit3A_370 : f32 to vector<16xf32>
      %select_n3A_372 = arith.select %and3A_369, %gather3A_362, %broadcast_in_dim3A_371 : vector<16xi1>, vector<16xf32>
      %mul3A_373 = arith.constant 16 : i32
      %mul3A_374 = arith.muli %scan3A_130, %mul3A_373 : i32
      %swap3A_375 = arith.constant 7 : i32
      %swap3A_376 = arith.index_cast %swap3A_375 : i32 to index
      %swap3A_377 = arith.index_cast %mul3A_374 : i32 to index
      %swap3A_378 = tpu.vector_load %arg8[%swap3A_376, %swap3A_377] {strides = array<i32>} : memref<10x128xf32, #tpu.memory_space<vmem>>, vector<16xf32>,
      tpu.vector_store %arg8[%swap3A_376, %swap3A_377], %select_n3A_372 {strides = array<i32>} : memref<10x128xf32, #tpu.memory_space<vmem>>, vector<16xf32>,
      %mul3A_379 = arith.constant 16 : i32
      %mul3A_380 = arith.muli %scan3A_130, %mul3A_379 : i32
      %get3A_381 = arith.constant 8 : i32
      %get3A_382 = arith.index_cast %get3A_381 : i32 to index
      %get3A_383 = arith.index_cast %mul3A_380 : i32 to index
      %get3A_384 = tpu.vector_load %arg7[%get3A_382, %get3A_383] {strides = array<i32>} : memref<10x128xi32, #tpu.memory_space<vmem>>, vector<16xi32>,
      %sub3A_385 = arith.constant 0 : i32
      %sub3A_386 = vector.broadcast %sub3A_385 : i32 to vector<16xi32>
      %sub3A_387 = arith.subi %get3A_384, %sub3A_386 : vector<16xi32>
      %max3A_388 = arith.constant 0 : i32
      %max3A_389 = vector.broadcast %max3A_388 : i32 to vector<16xi32>
      %max3A_390 = arith.maxsi %sub3A_387, %max3A_389 : vector<16xi32>
      %min3A_391 = arith.constant 127 : i32
      %min3A_392 = vector.broadcast %min3A_391 : i32 to vector<16xi32>
      %min3A_393 = arith.minsi %max3A_390, %min3A_392 : vector<16xi32>
      %gather3A_394 = tpu.vector_load_idx %arg5[%min3A_393, %add3A_134] : memref<256x128xf32, #tpu.memory_space<vmem>>[vector<16xi32>, vector<16xi32>], vector<16xf32>,
      %ge3A_395 = arith.constant 0 : i32
      %ge3A_396 = vector.broadcast %ge3A_395 : i32 to vector<16xi32>
      %ge3A_397 = arith.cmpi sge, %sub3A_387, %ge3A_396 : vector<16xi32>
      %lt3A_398 = arith.constant 128 : i32
      %lt3A_399 = vector.broadcast %lt3A_398 : i32 to vector<16xi32>
      %lt3A_400 = arith.cmpi slt, %sub3A_387, %lt3A_399 : vector<16xi32>
      %and3A_401 = arith.andi %ge3A_397, %lt3A_400 : vector<16xi1>
      %jit3A_402 = arith.constant 0.000000e+00 : f32
      %broadcast_in_dim3A_403 = vector.broadcast %jit3A_402 : f32 to vector<16xf32>
      %select_n3A_404 = arith.select %and3A_401, %gather3A_394, %broadcast_in_dim3A_403 : vector<16xi1>, vector<16xf32>
      %mul3A_405 = arith.constant 16 : i32
      %mul3A_406 = arith.muli %scan3A_130, %mul3A_405 : i32
      %swap3A_407 = arith.constant 8 : i32
      %swap3A_408 = arith.index_cast %swap3A_407 : i32 to index
      %swap3A_409 = arith.index_cast %mul3A_406 : i32 to index
      %swap3A_410 = tpu.vector_load %arg8[%swap3A_408, %swap3A_409] {strides = array<i32>} : memref<10x128xf32, #tpu.memory_space<vmem>>, vector<16xf32>,
      tpu.vector_store %arg8[%swap3A_408, %swap3A_409], %select_n3A_404 {strides = array<i32>} : memref<10x128xf32, #tpu.memory_space<vmem>>, vector<16xf32>,
      %mul3A_411 = arith.constant 16 : i32
      %mul3A_412 = arith.muli %scan3A_130, %mul3A_411 : i32
      %get3A_413 = arith.constant 9 : i32
      %get3A_414 = arith.index_cast %get3A_413 : i32 to index
      %get3A_415 = arith.index_cast %mul3A_412 : i32 to index
      %get3A_416 = tpu.vector_load %arg7[%get3A_414, %get3A_415] {strides = array<i32>} : memref<10x128xi32, #tpu.memory_space<vmem>>, vector<16xi32>,
      %sub3A_417 = arith.constant 0 : i32
      %sub3A_418 = vector.broadcast %sub3A_417 : i32 to vector<16xi32>
      %sub3A_419 = arith.subi %get3A_416, %sub3A_418 : vector<16xi32>
      %max3A_420 = arith.constant 0 : i32
      %max3A_421 = vector.broadcast %max3A_420 : i32 to vector<16xi32>
      %max3A_422 = arith.maxsi %sub3A_419, %max3A_421 : vector<16xi32>
      %min3A_423 = arith.constant 127 : i32
      %min3A_424 = vector.broadcast %min3A_423 : i32 to vector<16xi32>
      %min3A_425 = arith.minsi %max3A_422, %min3A_424 : vector<16xi32>
      %gather3A_426 = tpu.vector_load_idx %arg5[%min3A_425, %add3A_134] : memref<256x128xf32, #tpu.memory_space<vmem>>[vector<16xi32>, vector<16xi32>], vector<16xf32>,
      %ge3A_427 = arith.constant 0 : i32
      %ge3A_428 = vector.broadcast %ge3A_427 : i32 to vector<16xi32>
      %ge3A_429 = arith.cmpi sge, %sub3A_419, %ge3A_428 : vector<16xi32>
      %lt3A_430 = arith.constant 128 : i32
      %lt3A_431 = vector.broadcast %lt3A_430 : i32 to vector<16xi32>
      %lt3A_432 = arith.cmpi slt, %sub3A_419, %lt3A_431 : vector<16xi32>
      %and3A_433 = arith.andi %ge3A_429, %lt3A_432 : vector<16xi1>
      %jit3A_434 = arith.constant 0.000000e+00 : f32
      %broadcast_in_dim3A_435 = vector.broadcast %jit3A_434 : f32 to vector<16xf32>
      %select_n3A_436 = arith.select %and3A_433, %gather3A_426, %broadcast_in_dim3A_435 : vector<16xi1>, vector<16xf32>
      %mul3A_437 = arith.constant 16 : i32
      %mul3A_438 = arith.muli %scan3A_130, %mul3A_437 : i32
      %swap3A_439 = arith.constant 9 : i32
      %swap3A_440 = arith.index_cast %swap3A_439 : i32 to index
      %swap3A_441 = arith.index_cast %mul3A_438 : i32 to index
      %swap3A_442 = tpu.vector_load %arg8[%swap3A_440, %swap3A_441] {strides = array<i32>} : memref<10x128xf32, #tpu.memory_space<vmem>>, vector<16xf32>,
      tpu.vector_store %arg8[%swap3A_440, %swap3A_441], %select_n3A_436 {strides = array<i32>} : memref<10x128xf32, #tpu.memory_space<vmem>>, vector<16xf32>,
    }
    %scan3A_35 = arith.constant 8 : i32
    %dma_start3A_36 = arith.constant 0 : i32
    %dma_start3A_37 = arith.constant 0 : i32
    %dma_start3A_38 = tpu.memref_slice %arg5[%dma_start3A_36, %dma_start3A_37] : memref<256x128xf32, #tpu.memory_space<vmem>> -> memref<256x128xf32, #tpu.memory_space<vmem>>
    %dma_start3A_39 = arith.constant 384 : i32
    %dma_start3A_40 = tpu.memref_slice %arg2[%dma_start3A_39, %mul3A_2] : memref<1000x4096xf32, #tpu.memory_space<hbm>> -> memref<256x128xf32, #tpu.memory_space<hbm>>
    %dma_start3A_41 = arith.constant 0 : i32
    %dma_start3A_42 = arith.constant 0 : i32
    %dma_start3A_43 = tpu.memref_slice %arg5[%dma_start3A_41, %dma_start3A_42] : memref<256x128xf32, #tpu.memory_space<vmem>> -> memref<256x128xf32, #tpu.memory_space<vmem>>
    %dma_start3A_44 = arith.constant 384 : i32
    %dma_start3A_45 = tpu.memref_slice %arg2[%dma_start3A_44, %mul3A_2] : memref<1000x4096xf32, #tpu.memory_space<hbm>> -> memref<256x128xf32, #tpu.memory_space<hbm>>
    tpu.enqueue_dma source(%dma_start3A_45 : memref<256x128xf32, #tpu.memory_space<hbm>>) target(%dma_start3A_43 : memref<256x128xf32, #tpu.memory_space<vmem>>) target_semaphore(%arg9 : memref<!tpu.dma_semaphore, #tpu.memory_space<semaphore_mem>>)
    %dma_wait3A_46 = arith.constant 0 : i32
    %dma_wait3A_47 = arith.constant 0 : i32
    %dma_wait3A_48 = tpu.memref_slice %arg6[%dma_wait3A_46, %dma_wait3A_47] : memref<256x128xf32, #tpu.memory_space<vmem>> -> memref<256x128xf32, #tpu.memory_space<vmem>>
    %dma_wait3A_49 = arith.constant 128 : i32
    %dma_wait3A_50 = tpu.memref_slice %arg2[%dma_wait3A_49, %mul3A_2] : memref<1000x4096xf32, #tpu.memory_space<hbm>> -> memref<256x128xf32, #tpu.memory_space<hbm>>
    %dma_wait3A_51 = arith.constant 0 : i32
    %dma_wait3A_52 = arith.constant 0 : i32
    %dma_wait3A_53 = tpu.memref_slice %arg6[%dma_wait3A_51, %dma_wait3A_52] : memref<256x128xf32, #tpu.memory_space<vmem>> -> memref<256x128xf32, #tpu.memory_space<vmem>>
    %dma_wait3A_54 = arith.constant 128 : i32
    %dma_wait3A_55 = tpu.memref_slice %arg2[%dma_wait3A_54, %mul3A_2] : memref<1000x4096xf32, #tpu.memory_space<hbm>> -> memref<256x128xf32, #tpu.memory_space<hbm>>
    tpu.wait_dma2 semaphore(%arg10 : memref<!tpu.dma_semaphore, #tpu.memory_space<semaphore_mem>>) src(%dma_wait3A_55 : memref<256x128xf32, #tpu.memory_space<hbm>>) dst(%dma_wait3A_53 : memref<256x128xf32, #tpu.memory_space<vmem>>)
    %scan3A_56 = arith.constant 0 : i32
    %scan3A_57 = arith.constant 0 : i32
    %scan3A_58 = arith.constant 8 : i32
    %scan3A_59 = arith.addi %scan3A_57, %scan3A_58 : i32
    %scan3A_60 = arith.constant 1 : i32
    scf.for %scan3A_130 = %scan3A_57 to %scan3A_59 step %scan3A_60  : i32 {
      %mul3A_131 = arith.constant 16 : i32
      %mul3A_132 = arith.muli %scan3A_130, %mul3A_131 : i32
      %add3A_133 = vector.broadcast %mul3A_132 : i32 to vector<16xi32>
      %add3A_134 = arith.addi %add3A_133, %iota3A : vector<16xi32>
      %mul3A_135 = arith.constant 16 : i32
      %mul3A_136 = arith.muli %scan3A_130, %mul3A_135 : i32
      %get3A = arith.constant 0 : i32
      %get3A_137 = arith.index_cast %get3A : i32 to index
      %get3A_138 = arith.index_cast %mul3A_136 : i32 to index
      %get3A_139 = tpu.vector_load %arg7[%get3A_137, %get3A_138] {strides = array<i32>} : memref<10x128xi32, #tpu.memory_space<vmem>>, vector<16xi32>,
      %sub3A = arith.constant 128 : i32
      %sub3A_140 = vector.broadcast %sub3A : i32 to vector<16xi32>
      %sub3A_141 = arith.subi %get3A_139, %sub3A_140 : vector<16xi32>
      %max3A = arith.constant 0 : i32
      %max3A_142 = vector.broadcast %max3A : i32 to vector<16xi32>
      %max3A_143 = arith.maxsi %sub3A_141, %max3A_142 : vector<16xi32>
      %min3A = arith.constant 255 : i32
      %min3A_144 = vector.broadcast %min3A : i32 to vector<16xi32>
      %min3A_145 = arith.minsi %max3A_143, %min3A_144 : vector<16xi32>
      %gather3A = tpu.vector_load_idx %arg6[%min3A_145, %add3A_134] : memref<256x128xf32, #tpu.memory_space<vmem>>[vector<16xi32>, vector<16xi32>], vector<16xf32>,
      %ge3A = arith.constant 0 : i32
      %ge3A_146 = vector.broadcast %ge3A : i32 to vector<16xi32>
      %ge3A_147 = arith.cmpi sge, %sub3A_141, %ge3A_146 : vector<16xi32>
      %lt3A = arith.constant 256 : i32
      %lt3A_148 = vector.broadcast %lt3A : i32 to vector<16xi32>
      %lt3A_149 = arith.cmpi slt, %sub3A_141, %lt3A_148 : vector<16xi32>
      %and3A = arith.andi %ge3A_147, %lt3A_149 : vector<16xi1>
      %mul3A_150 = arith.constant 16 : i32
      %mul3A_151 = arith.muli %scan3A_130, %mul3A_150 : i32
      %get3A_152 = arith.constant 0 : i32
      %get3A_153 = arith.index_cast %get3A_152 : i32 to index
      %get3A_154 = arith.index_cast %mul3A_151 : i32 to index
      %get3A_155 = tpu.vector_load %arg8[%get3A_153, %get3A_154] {strides = array<i32>} : memref<10x128xf32, #tpu.memory_space<vmem>>, vector<16xf32>,
      %select_n3A = arith.select %and3A, %gather3A, %get3A_155 : vector<16xi1>, vector<16xf32>
      %mul3A_156 = arith.constant 16 : i32
      %mul3A_157 = arith.muli %scan3A_130, %mul3A_156 : i32
      %swap3A = arith.constant 0 : i32
      %swap3A_158 = arith.index_cast %swap3A : i32 to index
      %swap3A_159 = arith.index_cast %mul3A_157 : i32 to index
      %swap3A_160 = tpu.vector_load %arg8[%swap3A_158, %swap3A_159] {strides = array<i32>} : memref<10x128xf32, #tpu.memory_space<vmem>>, vector<16xf32>,
      tpu.vector_store %arg8[%swap3A_158, %swap3A_159], %select_n3A {strides = array<i32>} : memref<10x128xf32, #tpu.memory_space<vmem>>, vector<16xf32>,
      %mul3A_161 = arith.constant 16 : i32
      %mul3A_162 = arith.muli %scan3A_130, %mul3A_161 : i32
      %get3A_163 = arith.constant 1 : i32
      %get3A_164 = arith.index_cast %get3A_163 : i32 to index
      %get3A_165 = arith.index_cast %mul3A_162 : i32 to index
      %get3A_166 = tpu.vector_load %arg7[%get3A_164, %get3A_165] {strides = array<i32>} : memref<10x128xi32, #tpu.memory_space<vmem>>, vector<16xi32>,
      %sub3A_167 = arith.constant 128 : i32
      %sub3A_168 = vector.broadcast %sub3A_167 : i32 to vector<16xi32>
      %sub3A_169 = arith.subi %get3A_166, %sub3A_168 : vector<16xi32>
      %max3A_170 = arith.constant 0 : i32
      %max3A_171 = vector.broadcast %max3A_170 : i32 to vector<16xi32>
      %max3A_172 = arith.maxsi %sub3A_169, %max3A_171 : vector<16xi32>
      %min3A_173 = arith.constant 255 : i32
      %min3A_174 = vector.broadcast %min3A_173 : i32 to vector<16xi32>
      %min3A_175 = arith.minsi %max3A_172, %min3A_174 : vector<16xi32>
      %gather3A_176 = tpu.vector_load_idx %arg6[%min3A_175, %add3A_134] : memref<256x128xf32, #tpu.memory_space<vmem>>[vector<16xi32>, vector<16xi32>], vector<16xf32>,
      %ge3A_177 = arith.constant 0 : i32
      %ge3A_178 = vector.broadcast %ge3A_177 : i32 to vector<16xi32>
      %ge3A_179 = arith.cmpi sge, %sub3A_169, %ge3A_178 : vector<16xi32>
      %lt3A_180 = arith.constant 256 : i32
      %lt3A_181 = vector.broadcast %lt3A_180 : i32 to vector<16xi32>
      %lt3A_182 = arith.cmpi slt, %sub3A_169, %lt3A_181 : vector<16xi32>
      %and3A_183 = arith.andi %ge3A_179, %lt3A_182 : vector<16xi1>
      %mul3A_184 = arith.constant 16 : i32
      %mul3A_185 = arith.muli %scan3A_130, %mul3A_184 : i32
      %get3A_186 = arith.constant 1 : i32
      %get3A_187 = arith.index_cast %get3A_186 : i32 to index
      %get3A_188 = arith.index_cast %mul3A_185 : i32 to index
      %get3A_189 = tpu.vector_load %arg8[%get3A_187, %get3A_188] {strides = array<i32>} : memref<10x128xf32, #tpu.memory_space<vmem>>, vector<16xf32>,
      %select_n3A_190 = arith.select %and3A_183, %gather3A_176, %get3A_189 : vector<16xi1>, vector<16xf32>
      %mul3A_191 = arith.constant 16 : i32
      %mul3A_192 = arith.muli %scan3A_130, %mul3A_191 : i32
      %swap3A_193 = arith.constant 1 : i32
      %swap3A_194 = arith.index_cast %swap3A_193 : i32 to index
      %swap3A_195 = arith.index_cast %mul3A_192 : i32 to index
      %swap3A_196 = tpu.vector_load %arg8[%swap3A_194, %swap3A_195] {strides = array<i32>} : memref<10x128xf32, #tpu.memory_space<vmem>>, vector<16xf32>,
      tpu.vector_store %arg8[%swap3A_194, %swap3A_195], %select_n3A_190 {strides = array<i32>} : memref<10x128xf32, #tpu.memory_space<vmem>>, vector<16xf32>,
      %mul3A_197 = arith.constant 16 : i32
      %mul3A_198 = arith.muli %scan3A_130, %mul3A_197 : i32
      %get3A_199 = arith.constant 2 : i32
      %get3A_200 = arith.index_cast %get3A_199 : i32 to index
      %get3A_201 = arith.index_cast %mul3A_198 : i32 to index
      %get3A_202 = tpu.vector_load %arg7[%get3A_200, %get3A_201] {strides = array<i32>} : memref<10x128xi32, #tpu.memory_space<vmem>>, vector<16xi32>,
      %sub3A_203 = arith.constant 128 : i32
      %sub3A_204 = vector.broadcast %sub3A_203 : i32 to vector<16xi32>
      %sub3A_205 = arith.subi %get3A_202, %sub3A_204 : vector<16xi32>
      %max3A_206 = arith.constant 0 : i32
      %max3A_207 = vector.broadcast %max3A_206 : i32 to vector<16xi32>
      %max3A_208 = arith.maxsi %sub3A_205, %max3A_207 : vector<16xi32>
      %min3A_209 = arith.constant 255 : i32
      %min3A_210 = vector.broadcast %min3A_209 : i32 to vector<16xi32>
      %min3A_211 = arith.minsi %max3A_208, %min3A_210 : vector<16xi32>
      %gather3A_212 = tpu.vector_load_idx %arg6[%min3A_211, %add3A_134] : memref<256x128xf32, #tpu.memory_space<vmem>>[vector<16xi32>, vector<16xi32>], vector<16xf32>,
      %ge3A_213 = arith.constant 0 : i32
      %ge3A_214 = vector.broadcast %ge3A_213 : i32 to vector<16xi32>
      %ge3A_215 = arith.cmpi sge, %sub3A_205, %ge3A_214 : vector<16xi32>
      %lt3A_216 = arith.constant 256 : i32
      %lt3A_217 = vector.broadcast %lt3A_216 : i32 to vector<16xi32>
      %lt3A_218 = arith.cmpi slt, %sub3A_205, %lt3A_217 : vector<16xi32>
      %and3A_219 = arith.andi %ge3A_215, %lt3A_218 : vector<16xi1>
      %mul3A_220 = arith.constant 16 : i32
      %mul3A_221 = arith.muli %scan3A_130, %mul3A_220 : i32
      %get3A_222 = arith.constant 2 : i32
      %get3A_223 = arith.index_cast %get3A_222 : i32 to index
      %get3A_224 = arith.index_cast %mul3A_221 : i32 to index
      %get3A_225 = tpu.vector_load %arg8[%get3A_223, %get3A_224] {strides = array<i32>} : memref<10x128xf32, #tpu.memory_space<vmem>>, vector<16xf32>,
      %select_n3A_226 = arith.select %and3A_219, %gather3A_212, %get3A_225 : vector<16xi1>, vector<16xf32>
      %mul3A_227 = arith.constant 16 : i32
      %mul3A_228 = arith.muli %scan3A_130, %mul3A_227 : i32
      %swap3A_229 = arith.constant 2 : i32
      %swap3A_230 = arith.index_cast %swap3A_229 : i32 to index
      %swap3A_231 = arith.index_cast %mul3A_228 : i32 to index
      %swap3A_232 = tpu.vector_load %arg8[%swap3A_230, %swap3A_231] {strides = array<i32>} : memref<10x128xf32, #tpu.memory_space<vmem>>, vector<16xf32>,
      tpu.vector_store %arg8[%swap3A_230, %swap3A_231], %select_n3A_226 {strides = array<i32>} : memref<10x128xf32, #tpu.memory_space<vmem>>, vector<16xf32>,
      %mul3A_233 = arith.constant 16 : i32
      %mul3A_234 = arith.muli %scan3A_130, %mul3A_233 : i32
      %get3A_235 = arith.constant 3 : i32
      %get3A_236 = arith.index_cast %get3A_235 : i32 to index
      %get3A_237 = arith.index_cast %mul3A_234 : i32 to index
      %get3A_238 = tpu.vector_load %arg7[%get3A_236, %get3A_237] {strides = array<i32>} : memref<10x128xi32, #tpu.memory_space<vmem>>, vector<16xi32>,
      %sub3A_239 = arith.constant 128 : i32
      %sub3A_240 = vector.broadcast %sub3A_239 : i32 to vector<16xi32>
      %sub3A_241 = arith.subi %get3A_238, %sub3A_240 : vector<16xi32>
      %max3A_242 = arith.constant 0 : i32
      %max3A_243 = vector.broadcast %max3A_242 : i32 to vector<16xi32>
      %max3A_244 = arith.maxsi %sub3A_241, %max3A_243 : vector<16xi32>
      %min3A_245 = arith.constant 255 : i32
      %min3A_246 = vector.broadcast %min3A_245 : i32 to vector<16xi32>
      %min3A_247 = arith.minsi %max3A_244, %min3A_246 : vector<16xi32>
      %gather3A_248 = tpu.vector_load_idx %arg6[%min3A_247, %add3A_134] : memref<256x128xf32, #tpu.memory_space<vmem>>[vector<16xi32>, vector<16xi32>], vector<16xf32>,
      %ge3A_249 = arith.constant 0 : i32
      %ge3A_250 = vector.broadcast %ge3A_249 : i32 to vector<16xi32>
      %ge3A_251 = arith.cmpi sge, %sub3A_241, %ge3A_250 : vector<16xi32>
      %lt3A_252 = arith.constant 256 : i32
      %lt3A_253 = vector.broadcast %lt3A_252 : i32 to vector<16xi32>
      %lt3A_254 = arith.cmpi slt, %sub3A_241, %lt3A_253 : vector<16xi32>
      %and3A_255 = arith.andi %ge3A_251, %lt3A_254 : vector<16xi1>
      %mul3A_256 = arith.constant 16 : i32
      %mul3A_257 = arith.muli %scan3A_130, %mul3A_256 : i32
      %get3A_258 = arith.constant 3 : i32
      %get3A_259 = arith.index_cast %get3A_258 : i32 to index
      %get3A_260 = arith.index_cast %mul3A_257 : i32 to index
      %get3A_261 = tpu.vector_load %arg8[%get3A_259, %get3A_260] {strides = array<i32>} : memref<10x128xf32, #tpu.memory_space<vmem>>, vector<16xf32>,
      %select_n3A_262 = arith.select %and3A_255, %gather3A_248, %get3A_261 : vector<16xi1>, vector<16xf32>
      %mul3A_263 = arith.constant 16 : i32
      %mul3A_264 = arith.muli %scan3A_130, %mul3A_263 : i32
      %swap3A_265 = arith.constant 3 : i32
      %swap3A_266 = arith.index_cast %swap3A_265 : i32 to index
      %swap3A_267 = arith.index_cast %mul3A_264 : i32 to index
      %swap3A_268 = tpu.vector_load %arg8[%swap3A_266, %swap3A_267] {strides = array<i32>} : memref<10x128xf32, #tpu.memory_space<vmem>>, vector<16xf32>,
      tpu.vector_store %arg8[%swap3A_266, %swap3A_267], %select_n3A_262 {strides = array<i32>} : memref<10x128xf32, #tpu.memory_space<vmem>>, vector<16xf32>,
      %mul3A_269 = arith.constant 16 : i32
      %mul3A_270 = arith.muli %scan3A_130, %mul3A_269 : i32
      %get3A_271 = arith.constant 4 : i32
      %get3A_272 = arith.index_cast %get3A_271 : i32 to index
      %get3A_273 = arith.index_cast %mul3A_270 : i32 to index
      %get3A_274 = tpu.vector_load %arg7[%get3A_272, %get3A_273] {strides = array<i32>} : memref<10x128xi32, #tpu.memory_space<vmem>>, vector<16xi32>,
      %sub3A_275 = arith.constant 128 : i32
      %sub3A_276 = vector.broadcast %sub3A_275 : i32 to vector<16xi32>
      %sub3A_277 = arith.subi %get3A_274, %sub3A_276 : vector<16xi32>
      %max3A_278 = arith.constant 0 : i32
      %max3A_279 = vector.broadcast %max3A_278 : i32 to vector<16xi32>
      %max3A_280 = arith.maxsi %sub3A_277, %max3A_279 : vector<16xi32>
      %min3A_281 = arith.constant 255 : i32
      %min3A_282 = vector.broadcast %min3A_281 : i32 to vector<16xi32>
      %min3A_283 = arith.minsi %max3A_280, %min3A_282 : vector<16xi32>
      %gather3A_284 = tpu.vector_load_idx %arg6[%min3A_283, %add3A_134] : memref<256x128xf32, #tpu.memory_space<vmem>>[vector<16xi32>, vector<16xi32>], vector<16xf32>,
      %ge3A_285 = arith.constant 0 : i32
      %ge3A_286 = vector.broadcast %ge3A_285 : i32 to vector<16xi32>
      %ge3A_287 = arith.cmpi sge, %sub3A_277, %ge3A_286 : vector<16xi32>
      %lt3A_288 = arith.constant 256 : i32
      %lt3A_289 = vector.broadcast %lt3A_288 : i32 to vector<16xi32>
      %lt3A_290 = arith.cmpi slt, %sub3A_277, %lt3A_289 : vector<16xi32>
      %and3A_291 = arith.andi %ge3A_287, %lt3A_290 : vector<16xi1>
      %mul3A_292 = arith.constant 16 : i32
      %mul3A_293 = arith.muli %scan3A_130, %mul3A_292 : i32
      %get3A_294 = arith.constant 4 : i32
      %get3A_295 = arith.index_cast %get3A_294 : i32 to index
      %get3A_296 = arith.index_cast %mul3A_293 : i32 to index
      %get3A_297 = tpu.vector_load %arg8[%get3A_295, %get3A_296] {strides = array<i32>} : memref<10x128xf32, #tpu.memory_space<vmem>>, vector<16xf32>,
      %select_n3A_298 = arith.select %and3A_291, %gather3A_284, %get3A_297 : vector<16xi1>, vector<16xf32>
      %mul3A_299 = arith.constant 16 : i32
      %mul3A_300 = arith.muli %scan3A_130, %mul3A_299 : i32
      %swap3A_301 = arith.constant 4 : i32
      %swap3A_302 = arith.index_cast %swap3A_301 : i32 to index
      %swap3A_303 = arith.index_cast %mul3A_300 : i32 to index
      %swap3A_304 = tpu.vector_load %arg8[%swap3A_302, %swap3A_303] {strides = array<i32>} : memref<10x128xf32, #tpu.memory_space<vmem>>, vector<16xf32>,
      tpu.vector_store %arg8[%swap3A_302, %swap3A_303], %select_n3A_298 {strides = array<i32>} : memref<10x128xf32, #tpu.memory_space<vmem>>, vector<16xf32>,
      %mul3A_305 = arith.constant 16 : i32
      %mul3A_306 = arith.muli %scan3A_130, %mul3A_305 : i32
      %get3A_307 = arith.constant 5 : i32
      %get3A_308 = arith.index_cast %get3A_307 : i32 to index
      %get3A_309 = arith.index_cast %mul3A_306 : i32 to index
      %get3A_310 = tpu.vector_load %arg7[%get3A_308, %get3A_309] {strides = array<i32>} : memref<10x128xi32, #tpu.memory_space<vmem>>, vector<16xi32>,
      %sub3A_311 = arith.constant 128 : i32
      %sub3A_312 = vector.broadcast %sub3A_311 : i32 to vector<16xi32>
      %sub3A_313 = arith.subi %get3A_310, %sub3A_312 : vector<16xi32>
      %max3A_314 = arith.constant 0 : i32
      %max3A_315 = vector.broadcast %max3A_314 : i32 to vector<16xi32>
      %max3A_316 = arith.maxsi %sub3A_313, %max3A_315 : vector<16xi32>
      %min3A_317 = arith.constant 255 : i32
      %min3A_318 = vector.broadcast %min3A_317 : i32 to vector<16xi32>
      %min3A_319 = arith.minsi %max3A_316, %min3A_318 : vector<16xi32>
      %gather3A_320 = tpu.vector_load_idx %arg6[%min3A_319, %add3A_134] : memref<256x128xf32, #tpu.memory_space<vmem>>[vector<16xi32>, vector<16xi32>], vector<16xf32>,
      %ge3A_321 = arith.constant 0 : i32
      %ge3A_322 = vector.broadcast %ge3A_321 : i32 to vector<16xi32>
      %ge3A_323 = arith.cmpi sge, %sub3A_313, %ge3A_322 : vector<16xi32>
      %lt3A_324 = arith.constant 256 : i32
      %lt3A_325 = vector.broadcast %lt3A_324 : i32 to vector<16xi32>
      %lt3A_326 = arith.cmpi slt, %sub3A_313, %lt3A_325 : vector<16xi32>
      %and3A_327 = arith.andi %ge3A_323, %lt3A_326 : vector<16xi1>
      %mul3A_328 = arith.constant 16 : i32
      %mul3A_329 = arith.muli %scan3A_130, %mul3A_328 : i32
      %get3A_330 = arith.constant 5 : i32
      %get3A_331 = arith.index_cast %get3A_330 : i32 to index
      %get3A_332 = arith.index_cast %mul3A_329 : i32 to index
      %get3A_333 = tpu.vector_load %arg8[%get3A_331, %get3A_332] {strides = array<i32>} : memref<10x128xf32, #tpu.memory_space<vmem>>, vector<16xf32>,
      %select_n3A_334 = arith.select %and3A_327, %gather3A_320, %get3A_333 : vector<16xi1>, vector<16xf32>
      %mul3A_335 = arith.constant 16 : i32
      %mul3A_336 = arith.muli %scan3A_130, %mul3A_335 : i32
      %swap3A_337 = arith.constant 5 : i32
      %swap3A_338 = arith.index_cast %swap3A_337 : i32 to index
      %swap3A_339 = arith.index_cast %mul3A_336 : i32 to index
      %swap3A_340 = tpu.vector_load %arg8[%swap3A_338, %swap3A_339] {strides = array<i32>} : memref<10x128xf32, #tpu.memory_space<vmem>>, vector<16xf32>,
      tpu.vector_store %arg8[%swap3A_338, %swap3A_339], %select_n3A_334 {strides = array<i32>} : memref<10x128xf32, #tpu.memory_space<vmem>>, vector<16xf32>,
      %mul3A_341 = arith.constant 16 : i32
      %mul3A_342 = arith.muli %scan3A_130, %mul3A_341 : i32
      %get3A_343 = arith.constant 6 : i32
      %get3A_344 = arith.index_cast %get3A_343 : i32 to index
      %get3A_345 = arith.index_cast %mul3A_342 : i32 to index
      %get3A_346 = tpu.vector_load %arg7[%get3A_344, %get3A_345] {strides = array<i32>} : memref<10x128xi32, #tpu.memory_space<vmem>>, vector<16xi32>,
      %sub3A_347 = arith.constant 128 : i32
      %sub3A_348 = vector.broadcast %sub3A_347 : i32 to vector<16xi32>
      %sub3A_349 = arith.subi %get3A_346, %sub3A_348 : vector<16xi32>
      %max3A_350 = arith.constant 0 : i32
      %max3A_351 = vector.broadcast %max3A_350 : i32 to vector<16xi32>
      %max3A_352 = arith.maxsi %sub3A_349, %max3A_351 : vector<16xi32>
      %min3A_353 = arith.constant 255 : i32
      %min3A_354 = vector.broadcast %min3A_353 : i32 to vector<16xi32>
      %min3A_355 = arith.minsi %max3A_352, %min3A_354 : vector<16xi32>
      %gather3A_356 = tpu.vector_load_idx %arg6[%min3A_355, %add3A_134] : memref<256x128xf32, #tpu.memory_space<vmem>>[vector<16xi32>, vector<16xi32>], vector<16xf32>,
      %ge3A_357 = arith.constant 0 : i32
      %ge3A_358 = vector.broadcast %ge3A_357 : i32 to vector<16xi32>
      %ge3A_359 = arith.cmpi sge, %sub3A_349, %ge3A_358 : vector<16xi32>
      %lt3A_360 = arith.constant 256 : i32
      %lt3A_361 = vector.broadcast %lt3A_360 : i32 to vector<16xi32>
      %lt3A_362 = arith.cmpi slt, %sub3A_349, %lt3A_361 : vector<16xi32>
      %and3A_363 = arith.andi %ge3A_359, %lt3A_362 : vector<16xi1>
      %mul3A_364 = arith.constant 16 : i32
      %mul3A_365 = arith.muli %scan3A_130, %mul3A_364 : i32
      %get3A_366 = arith.constant 6 : i32
      %get3A_367 = arith.index_cast %get3A_366 : i32 to index
      %get3A_368 = arith.index_cast %mul3A_365 : i32 to index
      %get3A_369 = tpu.vector_load %arg8[%get3A_367, %get3A_368] {strides = array<i32>} : memref<10x128xf32, #tpu.memory_space<vmem>>, vector<16xf32>,
      %select_n3A_370 = arith.select %and3A_363, %gather3A_356, %get3A_369 : vector<16xi1>, vector<16xf32>
      %mul3A_371 = arith.constant 16 : i32
      %mul3A_372 = arith.muli %scan3A_130, %mul3A_371 : i32
      %swap3A_373 = arith.constant 6 : i32
      %swap3A_374 = arith.index_cast %swap3A_373 : i32 to index
      %swap3A_375 = arith.index_cast %mul3A_372 : i32 to index
      %swap3A_376 = tpu.vector_load %arg8[%swap3A_374, %swap3A_375] {strides = array<i32>} : memref<10x128xf32, #tpu.memory_space<vmem>>, vector<16xf32>,
      tpu.vector_store %arg8[%swap3A_374, %swap3A_375], %select_n3A_370 {strides = array<i32>} : memref<10x128xf32, #tpu.memory_space<vmem>>, vector<16xf32>,
      %mul3A_377 = arith.constant 16 : i32
      %mul3A_378 = arith.muli %scan3A_130, %mul3A_377 : i32
      %get3A_379 = arith.constant 7 : i32
      %get3A_380 = arith.index_cast %get3A_379 : i32 to index
      %get3A_381 = arith.index_cast %mul3A_378 : i32 to index
      %get3A_382 = tpu.vector_load %arg7[%get3A_380, %get3A_381] {strides = array<i32>} : memref<10x128xi32, #tpu.memory_space<vmem>>, vector<16xi32>,
      %sub3A_383 = arith.constant 128 : i32
      %sub3A_384 = vector.broadcast %sub3A_383 : i32 to vector<16xi32>
      %sub3A_385 = arith.subi %get3A_382, %sub3A_384 : vector<16xi32>
      %max3A_386 = arith.constant 0 : i32
      %max3A_387 = vector.broadcast %max3A_386 : i32 to vector<16xi32>
      %max3A_388 = arith.maxsi %sub3A_385, %max3A_387 : vector<16xi32>
      %min3A_389 = arith.constant 255 : i32
      %min3A_390 = vector.broadcast %min3A_389 : i32 to vector<16xi32>
      %min3A_391 = arith.minsi %max3A_388, %min3A_390 : vector<16xi32>
      %gather3A_392 = tpu.vector_load_idx %arg6[%min3A_391, %add3A_134] : memref<256x128xf32, #tpu.memory_space<vmem>>[vector<16xi32>, vector<16xi32>], vector<16xf32>,
      %ge3A_393 = arith.constant 0 : i32
      %ge3A_394 = vector.broadcast %ge3A_393 : i32 to vector<16xi32>
      %ge3A_395 = arith.cmpi sge, %sub3A_385, %ge3A_394 : vector<16xi32>
      %lt3A_396 = arith.constant 256 : i32
      %lt3A_397 = vector.broadcast %lt3A_396 : i32 to vector<16xi32>
      %lt3A_398 = arith.cmpi slt, %sub3A_385, %lt3A_397 : vector<16xi32>
      %and3A_399 = arith.andi %ge3A_395, %lt3A_398 : vector<16xi1>
      %mul3A_400 = arith.constant 16 : i32
      %mul3A_401 = arith.muli %scan3A_130, %mul3A_400 : i32
      %get3A_402 = arith.constant 7 : i32
      %get3A_403 = arith.index_cast %get3A_402 : i32 to index
      %get3A_404 = arith.index_cast %mul3A_401 : i32 to index
      %get3A_405 = tpu.vector_load %arg8[%get3A_403, %get3A_404] {strides = array<i32>} : memref<10x128xf32, #tpu.memory_space<vmem>>, vector<16xf32>,
      %select_n3A_406 = arith.select %and3A_399, %gather3A_392, %get3A_405 : vector<16xi1>, vector<16xf32>
      %mul3A_407 = arith.constant 16 : i32
      %mul3A_408 = arith.muli %scan3A_130, %mul3A_407 : i32
      %swap3A_409 = arith.constant 7 : i32
      %swap3A_410 = arith.index_cast %swap3A_409 : i32 to index
      %swap3A_411 = arith.index_cast %mul3A_408 : i32 to index
      %swap3A_412 = tpu.vector_load %arg8[%swap3A_410, %swap3A_411] {strides = array<i32>} : memref<10x128xf32, #tpu.memory_space<vmem>>, vector<16xf32>,
      tpu.vector_store %arg8[%swap3A_410, %swap3A_411], %select_n3A_406 {strides = array<i32>} : memref<10x128xf32, #tpu.memory_space<vmem>>, vector<16xf32>,
      %mul3A_413 = arith.constant 16 : i32
      %mul3A_414 = arith.muli %scan3A_130, %mul3A_413 : i32
      %get3A_415 = arith.constant 8 : i32
      %get3A_416 = arith.index_cast %get3A_415 : i32 to index
      %get3A_417 = arith.index_cast %mul3A_414 : i32 to index
      %get3A_418 = tpu.vector_load %arg7[%get3A_416, %get3A_417] {strides = array<i32>} : memref<10x128xi32, #tpu.memory_space<vmem>>, vector<16xi32>,
      %sub3A_419 = arith.constant 128 : i32
      %sub3A_420 = vector.broadcast %sub3A_419 : i32 to vector<16xi32>
      %sub3A_421 = arith.subi %get3A_418, %sub3A_420 : vector<16xi32>
      %max3A_422 = arith.constant 0 : i32
      %max3A_423 = vector.broadcast %max3A_422 : i32 to vector<16xi32>
      %max3A_424 = arith.maxsi %sub3A_421, %max3A_423 : vector<16xi32>
      %min3A_425 = arith.constant 255 : i32
      %min3A_426 = vector.broadcast %min3A_425 : i32 to vector<16xi32>
      %min3A_427 = arith.minsi %max3A_424, %min3A_426 : vector<16xi32>
      %gather3A_428 = tpu.vector_load_idx %arg6[%min3A_427, %add3A_134] : memref<256x128xf32, #tpu.memory_space<vmem>>[vector<16xi32>, vector<16xi32>], vector<16xf32>,
      %ge3A_429 = arith.constant 0 : i32
      %ge3A_430 = vector.broadcast %ge3A_429 : i32 to vector<16xi32>
      %ge3A_431 = arith.cmpi sge, %sub3A_421, %ge3A_430 : vector<16xi32>
      %lt3A_432 = arith.constant 256 : i32
      %lt3A_433 = vector.broadcast %lt3A_432 : i32 to vector<16xi32>
      %lt3A_434 = arith.cmpi slt, %sub3A_421, %lt3A_433 : vector<16xi32>
      %and3A_435 = arith.andi %ge3A_431, %lt3A_434 : vector<16xi1>
      %mul3A_436 = arith.constant 16 : i32
      %mul3A_437 = arith.muli %scan3A_130, %mul3A_436 : i32
      %get3A_438 = arith.constant 8 : i32
      %get3A_439 = arith.index_cast %get3A_438 : i32 to index
      %get3A_440 = arith.index_cast %mul3A_437 : i32 to index
      %get3A_441 = tpu.vector_load %arg8[%get3A_439, %get3A_440] {strides = array<i32>} : memref<10x128xf32, #tpu.memory_space<vmem>>, vector<16xf32>,
      %select_n3A_442 = arith.select %and3A_435, %gather3A_428, %get3A_441 : vector<16xi1>, vector<16xf32>
      %mul3A_443 = arith.constant 16 : i32
      %mul3A_444 = arith.muli %scan3A_130, %mul3A_443 : i32
      %swap3A_445 = arith.constant 8 : i32
      %swap3A_446 = arith.index_cast %swap3A_445 : i32 to index
      %swap3A_447 = arith.index_cast %mul3A_444 : i32 to index
      %swap3A_448 = tpu.vector_load %arg8[%swap3A_446, %swap3A_447] {strides = array<i32>} : memref<10x128xf32, #tpu.memory_space<vmem>>, vector<16xf32>,
      tpu.vector_store %arg8[%swap3A_446, %swap3A_447], %select_n3A_442 {strides = array<i32>} : memref<10x128xf32, #tpu.memory_space<vmem>>, vector<16xf32>,
      %mul3A_449 = arith.constant 16 : i32
      %mul3A_450 = arith.muli %scan3A_130, %mul3A_449 : i32
      %get3A_451 = arith.constant 9 : i32
      %get3A_452 = arith.index_cast %get3A_451 : i32 to index
      %get3A_453 = arith.index_cast %mul3A_450 : i32 to index
      %get3A_454 = tpu.vector_load %arg7[%get3A_452, %get3A_453] {strides = array<i32>} : memref<10x128xi32, #tpu.memory_space<vmem>>, vector<16xi32>,
      %sub3A_455 = arith.constant 128 : i32
      %sub3A_456 = vector.broadcast %sub3A_455 : i32 to vector<16xi32>
      %sub3A_457 = arith.subi %get3A_454, %sub3A_456 : vector<16xi32>
      %max3A_458 = arith.constant 0 : i32
      %max3A_459 = vector.broadcast %max3A_458 : i32 to vector<16xi32>
      %max3A_460 = arith.maxsi %sub3A_457, %max3A_459 : vector<16xi32>
      %min3A_461 = arith.constant 255 : i32
      %min3A_462 = vector.broadcast %min3A_461 : i32 to vector<16xi32>
      %min3A_463 = arith.minsi %max3A_460, %min3A_462 : vector<16xi32>
      %gather3A_464 = tpu.vector_load_idx %arg6[%min3A_463, %add3A_134] : memref<256x128xf32, #tpu.memory_space<vmem>>[vector<16xi32>, vector<16xi32>], vector<16xf32>,
      %ge3A_465 = arith.constant 0 : i32
      %ge3A_466 = vector.broadcast %ge3A_465 : i32 to vector<16xi32>
      %ge3A_467 = arith.cmpi sge, %sub3A_457, %ge3A_466 : vector<16xi32>
      %lt3A_468 = arith.constant 256 : i32
      %lt3A_469 = vector.broadcast %lt3A_468 : i32 to vector<16xi32>
      %lt3A_470 = arith.cmpi slt, %sub3A_457, %lt3A_469 : vector<16xi32>
      %and3A_471 = arith.andi %ge3A_467, %lt3A_470 : vector<16xi1>
      %mul3A_472 = arith.constant 16 : i32
      %mul3A_473 = arith.muli %scan3A_130, %mul3A_472 : i32
      %get3A_474 = arith.constant 9 : i32
      %get3A_475 = arith.index_cast %get3A_474 : i32 to index
      %get3A_476 = arith.index_cast %mul3A_473 : i32 to index
      %get3A_477 = tpu.vector_load %arg8[%get3A_475, %get3A_476] {strides = array<i32>} : memref<10x128xf32, #tpu.memory_space<vmem>>, vector<16xf32>,
      %select_n3A_478 = arith.select %and3A_471, %gather3A_464, %get3A_477 : vector<16xi1>, vector<16xf32>
      %mul3A_479 = arith.constant 16 : i32
      %mul3A_480 = arith.muli %scan3A_130, %mul3A_479 : i32
      %swap3A_481 = arith.constant 9 : i32
      %swap3A_482 = arith.index_cast %swap3A_481 : i32 to index
      %swap3A_483 = arith.index_cast %mul3A_480 : i32 to index
      %swap3A_484 = tpu.vector_load %arg8[%swap3A_482, %swap3A_483] {strides = array<i32>} : memref<10x128xf32, #tpu.memory_space<vmem>>, vector<16xf32>,
      tpu.vector_store %arg8[%swap3A_482, %swap3A_483], %select_n3A_478 {strides = array<i32>} : memref<10x128xf32, #tpu.memory_space<vmem>>, vector<16xf32>,
    }
    %scan3A_61 = arith.constant 8 : i32
    %dma_start3A_62 = arith.constant 0 : i32
    %dma_start3A_63 = arith.constant 0 : i32
    %dma_start3A_64 = tpu.memref_slice %arg6[%dma_start3A_62, %dma_start3A_63] : memref<256x128xf32, #tpu.memory_space<vmem>> -> memref<256x128xf32, #tpu.memory_space<vmem>>
    %dma_start3A_65 = arith.constant 640 : i32
    %dma_start3A_66 = tpu.memref_slice %arg2[%dma_start3A_65, %mul3A_2] : memref<1000x4096xf32, #tpu.memory_space<hbm>> -> memref<256x128xf32, #tpu.memory_space<hbm>>
    %dma_start3A_67 = arith.constant 0 : i32
    %dma_start3A_68 = arith.constant 0 : i32
    %dma_start3A_69 = tpu.memref_slice %arg6[%dma_start3A_67, %dma_start3A_68] : memref<256x128xf32, #tpu.memory_space<vmem>> -> memref<256x128xf32, #tpu.memory_space<vmem>>
    %dma_start3A_70 = arith.constant 640 : i32
    %dma_start3A_71 = tpu.memref_slice %arg2[%dma_start3A_70, %mul3A_2] : memref<1000x4096xf32, #tpu.memory_space<hbm>> -> memref<256x128xf32, #tpu.memory_space<hbm>>
    tpu.enqueue_dma source(%dma_start3A_71 : memref<256x128xf32, #tpu.memory_space<hbm>>) target(%dma_start3A_69 : memref<256x128xf32, #tpu.memory_space<vmem>>) target_semaphore(%arg10 : memref<!tpu.dma_semaphore, #tpu.memory_space<semaphore_mem>>)
    %dma_wait3A_72 = arith.constant 0 : i32
    %dma_wait3A_73 = arith.constant 0 : i32
    %dma_wait3A_74 = tpu.memref_slice %arg5[%dma_wait3A_72, %dma_wait3A_73] : memref<256x128xf32, #tpu.memory_space<vmem>> -> memref<256x128xf32, #tpu.memory_space<vmem>>
    %dma_wait3A_75 = arith.constant 384 : i32
    %dma_wait3A_76 = tpu.memref_slice %arg2[%dma_wait3A_75, %mul3A_2] : memref<1000x4096xf32, #tpu.memory_space<hbm>> -> memref<256x128xf32, #tpu.memory_space<hbm>>
    %dma_wait3A_77 = arith.constant 0 : i32
    %dma_wait3A_78 = arith.constant 0 : i32
    %dma_wait3A_79 = tpu.memref_slice %arg5[%dma_wait3A_77, %dma_wait3A_78] : memref<256x128xf32, #tpu.memory_space<vmem>> -> memref<256x128xf32, #tpu.memory_space<vmem>>
    %dma_wait3A_80 = arith.constant 384 : i32
    %dma_wait3A_81 = tpu.memref_slice %arg2[%dma_wait3A_80, %mul3A_2] : memref<1000x4096xf32, #tpu.memory_space<hbm>> -> memref<256x128xf32, #tpu.memory_space<hbm>>
    tpu.wait_dma2 semaphore(%arg9 : memref<!tpu.dma_semaphore, #tpu.memory_space<semaphore_mem>>) src(%dma_wait3A_81 : memref<256x128xf32, #tpu.memory_space<hbm>>) dst(%dma_wait3A_79 : memref<256x128xf32, #tpu.memory_space<vmem>>)
    %scan3A_82 = arith.constant 0 : i32
    %scan3A_83 = arith.constant 0 : i32
    %scan3A_84 = arith.constant 8 : i32
    %scan3A_85 = arith.addi %scan3A_83, %scan3A_84 : i32
    %scan3A_86 = arith.constant 1 : i32
    scf.for %scan3A_130 = %scan3A_83 to %scan3A_85 step %scan3A_86  : i32 {
      %mul3A_131 = arith.constant 16 : i32
      %mul3A_132 = arith.muli %scan3A_130, %mul3A_131 : i32
      %add3A_133 = vector.broadcast %mul3A_132 : i32 to vector<16xi32>
      %add3A_134 = arith.addi %add3A_133, %iota3A : vector<16xi32>
      %mul3A_135 = arith.constant 16 : i32
      %mul3A_136 = arith.muli %scan3A_130, %mul3A_135 : i32
      %get3A = arith.constant 0 : i32
      %get3A_137 = arith.index_cast %get3A : i32 to index
      %get3A_138 = arith.index_cast %mul3A_136 : i32 to index
      %get3A_139 = tpu.vector_load %arg7[%get3A_137, %get3A_138] {strides = array<i32>} : memref<10x128xi32, #tpu.memory_space<vmem>>, vector<16xi32>,
      %sub3A = arith.constant 384 : i32
      %sub3A_140 = vector.broadcast %sub3A : i32 to vector<16xi32>
      %sub3A_141 = arith.subi %get3A_139, %sub3A_140 : vector<16xi32>
      %max3A = arith.constant 0 : i32
      %max3A_142 = vector.broadcast %max3A : i32 to vector<16xi32>
      %max3A_143 = arith.maxsi %sub3A_141, %max3A_142 : vector<16xi32>
      %min3A = arith.constant 255 : i32
      %min3A_144 = vector.broadcast %min3A : i32 to vector<16xi32>
      %min3A_145 = arith.minsi %max3A_143, %min3A_144 : vector<16xi32>
      %gather3A = tpu.vector_load_idx %arg5[%min3A_145, %add3A_134] : memref<256x128xf32, #tpu.memory_space<vmem>>[vector<16xi32>, vector<16xi32>], vector<16xf32>,
      %ge3A = arith.constant 0 : i32
      %ge3A_146 = vector.broadcast %ge3A : i32 to vector<16xi32>
      %ge3A_147 = arith.cmpi sge, %sub3A_141, %ge3A_146 : vector<16xi32>
      %lt3A = arith.constant 256 : i32
      %lt3A_148 = vector.broadcast %lt3A : i32 to vector<16xi32>
      %lt3A_149 = arith.cmpi slt, %sub3A_141, %lt3A_148 : vector<16xi32>
      %and3A = arith.andi %ge3A_147, %lt3A_149 : vector<16xi1>
      %mul3A_150 = arith.constant 16 : i32
      %mul3A_151 = arith.muli %scan3A_130, %mul3A_150 : i32
      %get3A_152 = arith.constant 0 : i32
      %get3A_153 = arith.index_cast %get3A_152 : i32 to index
      %get3A_154 = arith.index_cast %mul3A_151 : i32 to index
      %get3A_155 = tpu.vector_load %arg8[%get3A_153, %get3A_154] {strides = array<i32>} : memref<10x128xf32, #tpu.memory_space<vmem>>, vector<16xf32>,
      %select_n3A = arith.select %and3A, %gather3A, %get3A_155 : vector<16xi1>, vector<16xf32>
      %mul3A_156 = arith.constant 16 : i32
      %mul3A_157 = arith.muli %scan3A_130, %mul3A_156 : i32
      %swap3A = arith.constant 0 : i32
      %swap3A_158 = arith.index_cast %swap3A : i32 to index
      %swap3A_159 = arith.index_cast %mul3A_157 : i32 to index
      %swap3A_160 = tpu.vector_load %arg8[%swap3A_158, %swap3A_159] {strides = array<i32>} : memref<10x128xf32, #tpu.memory_space<vmem>>, vector<16xf32>,
      tpu.vector_store %arg8[%swap3A_158, %swap3A_159], %select_n3A {strides = array<i32>} : memref<10x128xf32, #tpu.memory_space<vmem>>, vector<16xf32>,
      %mul3A_161 = arith.constant 16 : i32
      %mul3A_162 = arith.muli %scan3A_130, %mul3A_161 : i32
      %get3A_163 = arith.constant 1 : i32
      %get3A_164 = arith.index_cast %get3A_163 : i32 to index
      %get3A_165 = arith.index_cast %mul3A_162 : i32 to index
      %get3A_166 = tpu.vector_load %arg7[%get3A_164, %get3A_165] {strides = array<i32>} : memref<10x128xi32, #tpu.memory_space<vmem>>, vector<16xi32>,
      %sub3A_167 = arith.constant 384 : i32
      %sub3A_168 = vector.broadcast %sub3A_167 : i32 to vector<16xi32>
      %sub3A_169 = arith.subi %get3A_166, %sub3A_168 : vector<16xi32>
      %max3A_170 = arith.constant 0 : i32
      %max3A_171 = vector.broadcast %max3A_170 : i32 to vector<16xi32>
      %max3A_172 = arith.maxsi %sub3A_169, %max3A_171 : vector<16xi32>
      %min3A_173 = arith.constant 255 : i32
      %min3A_174 = vector.broadcast %min3A_173 : i32 to vector<16xi32>
      %min3A_175 = arith.minsi %max3A_172, %min3A_174 : vector<16xi32>
      %gather3A_176 = tpu.vector_load_idx %arg5[%min3A_175, %add3A_134] : memref<256x128xf32, #tpu.memory_space<vmem>>[vector<16xi32>, vector<16xi32>], vector<16xf32>,
      %ge3A_177 = arith.constant 0 : i32
      %ge3A_178 = vector.broadcast %ge3A_177 : i32 to vector<16xi32>
      %ge3A_179 = arith.cmpi sge, %sub3A_169, %ge3A_178 : vector<16xi32>
      %lt3A_180 = arith.constant 256 : i32
      %lt3A_181 = vector.broadcast %lt3A_180 : i32 to vector<16xi32>
      %lt3A_182 = arith.cmpi slt, %sub3A_169, %lt3A_181 : vector<16xi32>
      %and3A_183 = arith.andi %ge3A_179, %lt3A_182 : vector<16xi1>
      %mul3A_184 = arith.constant 16 : i32
      %mul3A_185 = arith.muli %scan3A_130, %mul3A_184 : i32
      %get3A_186 = arith.constant 1 : i32
      %get3A_187 = arith.index_cast %get3A_186 : i32 to index
      %get3A_188 = arith.index_cast %mul3A_185 : i32 to index
      %get3A_189 = tpu.vector_load %arg8[%get3A_187, %get3A_188] {strides = array<i32>} : memref<10x128xf32, #tpu.memory_space<vmem>>, vector<16xf32>,
      %select_n3A_190 = arith.select %and3A_183, %gather3A_176, %get3A_189 : vector<16xi1>, vector<16xf32>
      %mul3A_191 = arith.constant 16 : i32
      %mul3A_192 = arith.muli %scan3A_130, %mul3A_191 : i32
      %swap3A_193 = arith.constant 1 : i32
      %swap3A_194 = arith.index_cast %swap3A_193 : i32 to index
      %swap3A_195 = arith.index_cast %mul3A_192 : i32 to index
      %swap3A_196 = tpu.vector_load %arg8[%swap3A_194, %swap3A_195] {strides = array<i32>} : memref<10x128xf32, #tpu.memory_space<vmem>>, vector<16xf32>,
      tpu.vector_store %arg8[%swap3A_194, %swap3A_195], %select_n3A_190 {strides = array<i32>} : memref<10x128xf32, #tpu.memory_space<vmem>>, vector<16xf32>,
      %mul3A_197 = arith.constant 16 : i32
      %mul3A_198 = arith.muli %scan3A_130, %mul3A_197 : i32
      %get3A_199 = arith.constant 2 : i32
      %get3A_200 = arith.index_cast %get3A_199 : i32 to index
      %get3A_201 = arith.index_cast %mul3A_198 : i32 to index
      %get3A_202 = tpu.vector_load %arg7[%get3A_200, %get3A_201] {strides = array<i32>} : memref<10x128xi32, #tpu.memory_space<vmem>>, vector<16xi32>,
      %sub3A_203 = arith.constant 384 : i32
      %sub3A_204 = vector.broadcast %sub3A_203 : i32 to vector<16xi32>
      %sub3A_205 = arith.subi %get3A_202, %sub3A_204 : vector<16xi32>
      %max3A_206 = arith.constant 0 : i32
      %max3A_207 = vector.broadcast %max3A_206 : i32 to vector<16xi32>
      %max3A_208 = arith.maxsi %sub3A_205, %max3A_207 : vector<16xi32>
      %min3A_209 = arith.constant 255 : i32
      %min3A_210 = vector.broadcast %min3A_209 : i32 to vector<16xi32>
      %min3A_211 = arith.minsi %max3A_208, %min3A_210 : vector<16xi32>
      %gather3A_212 = tpu.vector_load_idx %arg5[%min3A_211, %add3A_134] : memref<256x128xf32, #tpu.memory_space<vmem>>[vector<16xi32>, vector<16xi32>], vector<16xf32>,
      %ge3A_213 = arith.constant 0 : i32
      %ge3A_214 = vector.broadcast %ge3A_213 : i32 to vector<16xi32>
      %ge3A_215 = arith.cmpi sge, %sub3A_205, %ge3A_214 : vector<16xi32>
      %lt3A_216 = arith.constant 256 : i32
      %lt3A_217 = vector.broadcast %lt3A_216 : i32 to vector<16xi32>
      %lt3A_218 = arith.cmpi slt, %sub3A_205, %lt3A_217 : vector<16xi32>
      %and3A_219 = arith.andi %ge3A_215, %lt3A_218 : vector<16xi1>
      %mul3A_220 = arith.constant 16 : i32
      %mul3A_221 = arith.muli %scan3A_130, %mul3A_220 : i32
      %get3A_222 = arith.constant 2 : i32
      %get3A_223 = arith.index_cast %get3A_222 : i32 to index
      %get3A_224 = arith.index_cast %mul3A_221 : i32 to index
      %get3A_225 = tpu.vector_load %arg8[%get3A_223, %get3A_224] {strides = array<i32>} : memref<10x128xf32, #tpu.memory_space<vmem>>, vector<16xf32>,
      %select_n3A_226 = arith.select %and3A_219, %gather3A_212, %get3A_225 : vector<16xi1>, vector<16xf32>
      %mul3A_227 = arith.constant 16 : i32
      %mul3A_228 = arith.muli %scan3A_130, %mul3A_227 : i32
      %swap3A_229 = arith.constant 2 : i32
      %swap3A_230 = arith.index_cast %swap3A_229 : i32 to index
      %swap3A_231 = arith.index_cast %mul3A_228 : i32 to index
      %swap3A_232 = tpu.vector_load %arg8[%swap3A_230, %swap3A_231] {strides = array<i32>} : memref<10x128xf32, #tpu.memory_space<vmem>>, vector<16xf32>,
      tpu.vector_store %arg8[%swap3A_230, %swap3A_231], %select_n3A_226 {strides = array<i32>} : memref<10x128xf32, #tpu.memory_space<vmem>>, vector<16xf32>,
      %mul3A_233 = arith.constant 16 : i32
      %mul3A_234 = arith.muli %scan3A_130, %mul3A_233 : i32
      %get3A_235 = arith.constant 3 : i32
      %get3A_236 = arith.index_cast %get3A_235 : i32 to index
      %get3A_237 = arith.index_cast %mul3A_234 : i32 to index
      %get3A_238 = tpu.vector_load %arg7[%get3A_236, %get3A_237] {strides = array<i32>} : memref<10x128xi32, #tpu.memory_space<vmem>>, vector<16xi32>,
      %sub3A_239 = arith.constant 384 : i32
      %sub3A_240 = vector.broadcast %sub3A_239 : i32 to vector<16xi32>
      %sub3A_241 = arith.subi %get3A_238, %sub3A_240 : vector<16xi32>
      %max3A_242 = arith.constant 0 : i32
      %max3A_243 = vector.broadcast %max3A_242 : i32 to vector<16xi32>
      %max3A_244 = arith.maxsi %sub3A_241, %max3A_243 : vector<16xi32>
      %min3A_245 = arith.constant 255 : i32
      %min3A_246 = vector.broadcast %min3A_245 : i32 to vector<16xi32>
      %min3A_247 = arith.minsi %max3A_244, %min3A_246 : vector<16xi32>
      %gather3A_248 = tpu.vector_load_idx %arg5[%min3A_247, %add3A_134] : memref<256x128xf32, #tpu.memory_space<vmem>>[vector<16xi32>, vector<16xi32>], vector<16xf32>,
      %ge3A_249 = arith.constant 0 : i32
      %ge3A_250 = vector.broadcast %ge3A_249 : i32 to vector<16xi32>
      %ge3A_251 = arith.cmpi sge, %sub3A_241, %ge3A_250 : vector<16xi32>
      %lt3A_252 = arith.constant 256 : i32
      %lt3A_253 = vector.broadcast %lt3A_252 : i32 to vector<16xi32>
      %lt3A_254 = arith.cmpi slt, %sub3A_241, %lt3A_253 : vector<16xi32>
      %and3A_255 = arith.andi %ge3A_251, %lt3A_254 : vector<16xi1>
      %mul3A_256 = arith.constant 16 : i32
      %mul3A_257 = arith.muli %scan3A_130, %mul3A_256 : i32
      %get3A_258 = arith.constant 3 : i32
      %get3A_259 = arith.index_cast %get3A_258 : i32 to index
      %get3A_260 = arith.index_cast %mul3A_257 : i32 to index
      %get3A_261 = tpu.vector_load %arg8[%get3A_259, %get3A_260] {strides = array<i32>} : memref<10x128xf32, #tpu.memory_space<vmem>>, vector<16xf32>,
      %select_n3A_262 = arith.select %and3A_255, %gather3A_248, %get3A_261 : vector<16xi1>, vector<16xf32>
      %mul3A_263 = arith.constant 16 : i32
      %mul3A_264 = arith.muli %scan3A_130, %mul3A_263 : i32
      %swap3A_265 = arith.constant 3 : i32
      %swap3A_266 = arith.index_cast %swap3A_265 : i32 to index
      %swap3A_267 = arith.index_cast %mul3A_264 : i32 to index
      %swap3A_268 = tpu.vector_load %arg8[%swap3A_266, %swap3A_267] {strides = array<i32>} : memref<10x128xf32, #tpu.memory_space<vmem>>, vector<16xf32>,
      tpu.vector_store %arg8[%swap3A_266, %swap3A_267], %select_n3A_262 {strides = array<i32>} : memref<10x128xf32, #tpu.memory_space<vmem>>, vector<16xf32>,
      %mul3A_269 = arith.constant 16 : i32
      %mul3A_270 = arith.muli %scan3A_130, %mul3A_269 : i32
      %get3A_271 = arith.constant 4 : i32
      %get3A_272 = arith.index_cast %get3A_271 : i32 to index
      %get3A_273 = arith.index_cast %mul3A_270 : i32 to index
      %get3A_274 = tpu.vector_load %arg7[%get3A_272, %get3A_273] {strides = array<i32>} : memref<10x128xi32, #tpu.memory_space<vmem>>, vector<16xi32>,
      %sub3A_275 = arith.constant 384 : i32
      %sub3A_276 = vector.broadcast %sub3A_275 : i32 to vector<16xi32>
      %sub3A_277 = arith.subi %get3A_274, %sub3A_276 : vector<16xi32>
      %max3A_278 = arith.constant 0 : i32
      %max3A_279 = vector.broadcast %max3A_278 : i32 to vector<16xi32>
      %max3A_280 = arith.maxsi %sub3A_277, %max3A_279 : vector<16xi32>
      %min3A_281 = arith.constant 255 : i32
      %min3A_282 = vector.broadcast %min3A_281 : i32 to vector<16xi32>
      %min3A_283 = arith.minsi %max3A_280, %min3A_282 : vector<16xi32>
      %gather3A_284 = tpu.vector_load_idx %arg5[%min3A_283, %add3A_134] : memref<256x128xf32, #tpu.memory_space<vmem>>[vector<16xi32>, vector<16xi32>], vector<16xf32>,
      %ge3A_285 = arith.constant 0 : i32
      %ge3A_286 = vector.broadcast %ge3A_285 : i32 to vector<16xi32>
      %ge3A_287 = arith.cmpi sge, %sub3A_277, %ge3A_286 : vector<16xi32>
      %lt3A_288 = arith.constant 256 : i32
      %lt3A_289 = vector.broadcast %lt3A_288 : i32 to vector<16xi32>
      %lt3A_290 = arith.cmpi slt, %sub3A_277, %lt3A_289 : vector<16xi32>
      %and3A_291 = arith.andi %ge3A_287, %lt3A_290 : vector<16xi1>
      %mul3A_292 = arith.constant 16 : i32
      %mul3A_293 = arith.muli %scan3A_130, %mul3A_292 : i32
      %get3A_294 = arith.constant 4 : i32
      %get3A_295 = arith.index_cast %get3A_294 : i32 to index
      %get3A_296 = arith.index_cast %mul3A_293 : i32 to index
      %get3A_297 = tpu.vector_load %arg8[%get3A_295, %get3A_296] {strides = array<i32>} : memref<10x128xf32, #tpu.memory_space<vmem>>, vector<16xf32>,
      %select_n3A_298 = arith.select %and3A_291, %gather3A_284, %get3A_297 : vector<16xi1>, vector<16xf32>
      %mul3A_299 = arith.constant 16 : i32
      %mul3A_300 = arith.muli %scan3A_130, %mul3A_299 : i32
      %swap3A_301 = arith.constant 4 : i32
      %swap3A_302 = arith.index_cast %swap3A_301 : i32 to index
      %swap3A_303 = arith.index_cast %mul3A_300 : i32 to index
      %swap3A_304 = tpu.vector_load %arg8[%swap3A_302, %swap3A_303] {strides = array<i32>} : memref<10x128xf32, #tpu.memory_space<vmem>>, vector<16xf32>,
      tpu.vector_store %arg8[%swap3A_302, %swap3A_303], %select_n3A_298 {strides = array<i32>} : memref<10x128xf32, #tpu.memory_space<vmem>>, vector<16xf32>,
      %mul3A_305 = arith.constant 16 : i32
      %mul3A_306 = arith.muli %scan3A_130, %mul3A_305 : i32
      %get3A_307 = arith.constant 5 : i32
      %get3A_308 = arith.index_cast %get3A_307 : i32 to index
      %get3A_309 = arith.index_cast %mul3A_306 : i32 to index
      %get3A_310 = tpu.vector_load %arg7[%get3A_308, %get3A_309] {strides = array<i32>} : memref<10x128xi32, #tpu.memory_space<vmem>>, vector<16xi32>,
      %sub3A_311 = arith.constant 384 : i32
      %sub3A_312 = vector.broadcast %sub3A_311 : i32 to vector<16xi32>
      %sub3A_313 = arith.subi %get3A_310, %sub3A_312 : vector<16xi32>
      %max3A_314 = arith.constant 0 : i32
      %max3A_315 = vector.broadcast %max3A_314 : i32 to vector<16xi32>
      %max3A_316 = arith.maxsi %sub3A_313, %max3A_315 : vector<16xi32>
      %min3A_317 = arith.constant 255 : i32
      %min3A_318 = vector.broadcast %min3A_317 : i32 to vector<16xi32>
      %min3A_319 = arith.minsi %max3A_316, %min3A_318 : vector<16xi32>
      %gather3A_320 = tpu.vector_load_idx %arg5[%min3A_319, %add3A_134] : memref<256x128xf32, #tpu.memory_space<vmem>>[vector<16xi32>, vector<16xi32>], vector<16xf32>,
      %ge3A_321 = arith.constant 0 : i32
      %ge3A_322 = vector.broadcast %ge3A_321 : i32 to vector<16xi32>
      %ge3A_323 = arith.cmpi sge, %sub3A_313, %ge3A_322 : vector<16xi32>
      %lt3A_324 = arith.constant 256 : i32
      %lt3A_325 = vector.broadcast %lt3A_324 : i32 to vector<16xi32>
      %lt3A_326 = arith.cmpi slt, %sub3A_313, %lt3A_325 : vector<16xi32>
      %and3A_327 = arith.andi %ge3A_323, %lt3A_326 : vector<16xi1>
      %mul3A_328 = arith.constant 16 : i32
      %mul3A_329 = arith.muli %scan3A_130, %mul3A_328 : i32
      %get3A_330 = arith.constant 5 : i32
      %get3A_331 = arith.index_cast %get3A_330 : i32 to index
      %get3A_332 = arith.index_cast %mul3A_329 : i32 to index
      %get3A_333 = tpu.vector_load %arg8[%get3A_331, %get3A_332] {strides = array<i32>} : memref<10x128xf32, #tpu.memory_space<vmem>>, vector<16xf32>,
      %select_n3A_334 = arith.select %and3A_327, %gather3A_320, %get3A_333 : vector<16xi1>, vector<16xf32>
      %mul3A_335 = arith.constant 16 : i32
      %mul3A_336 = arith.muli %scan3A_130, %mul3A_335 : i32
      %swap3A_337 = arith.constant 5 : i32
      %swap3A_338 = arith.index_cast %swap3A_337 : i32 to index
      %swap3A_339 = arith.index_cast %mul3A_336 : i32 to index
      %swap3A_340 = tpu.vector_load %arg8[%swap3A_338, %swap3A_339] {strides = array<i32>} : memref<10x128xf32, #tpu.memory_space<vmem>>, vector<16xf32>,
      tpu.vector_store %arg8[%swap3A_338, %swap3A_339], %select_n3A_334 {strides = array<i32>} : memref<10x128xf32, #tpu.memory_space<vmem>>, vector<16xf32>,
      %mul3A_341 = arith.constant 16 : i32
      %mul3A_342 = arith.muli %scan3A_130, %mul3A_341 : i32
      %get3A_343 = arith.constant 6 : i32
      %get3A_344 = arith.index_cast %get3A_343 : i32 to index
      %get3A_345 = arith.index_cast %mul3A_342 : i32 to index
      %get3A_346 = tpu.vector_load %arg7[%get3A_344, %get3A_345] {strides = array<i32>} : memref<10x128xi32, #tpu.memory_space<vmem>>, vector<16xi32>,
      %sub3A_347 = arith.constant 384 : i32
      %sub3A_348 = vector.broadcast %sub3A_347 : i32 to vector<16xi32>
      %sub3A_349 = arith.subi %get3A_346, %sub3A_348 : vector<16xi32>
      %max3A_350 = arith.constant 0 : i32
      %max3A_351 = vector.broadcast %max3A_350 : i32 to vector<16xi32>
      %max3A_352 = arith.maxsi %sub3A_349, %max3A_351 : vector<16xi32>
      %min3A_353 = arith.constant 255 : i32
      %min3A_354 = vector.broadcast %min3A_353 : i32 to vector<16xi32>
      %min3A_355 = arith.minsi %max3A_352, %min3A_354 : vector<16xi32>
      %gather3A_356 = tpu.vector_load_idx %arg5[%min3A_355, %add3A_134] : memref<256x128xf32, #tpu.memory_space<vmem>>[vector<16xi32>, vector<16xi32>], vector<16xf32>,
      %ge3A_357 = arith.constant 0 : i32
      %ge3A_358 = vector.broadcast %ge3A_357 : i32 to vector<16xi32>
      %ge3A_359 = arith.cmpi sge, %sub3A_349, %ge3A_358 : vector<16xi32>
      %lt3A_360 = arith.constant 256 : i32
      %lt3A_361 = vector.broadcast %lt3A_360 : i32 to vector<16xi32>
      %lt3A_362 = arith.cmpi slt, %sub3A_349, %lt3A_361 : vector<16xi32>
      %and3A_363 = arith.andi %ge3A_359, %lt3A_362 : vector<16xi1>
      %mul3A_364 = arith.constant 16 : i32
      %mul3A_365 = arith.muli %scan3A_130, %mul3A_364 : i32
      %get3A_366 = arith.constant 6 : i32
      %get3A_367 = arith.index_cast %get3A_366 : i32 to index
      %get3A_368 = arith.index_cast %mul3A_365 : i32 to index
      %get3A_369 = tpu.vector_load %arg8[%get3A_367, %get3A_368] {strides = array<i32>} : memref<10x128xf32, #tpu.memory_space<vmem>>, vector<16xf32>,
      %select_n3A_370 = arith.select %and3A_363, %gather3A_356, %get3A_369 : vector<16xi1>, vector<16xf32>
      %mul3A_371 = arith.constant 16 : i32
      %mul3A_372 = arith.muli %scan3A_130, %mul3A_371 : i32
      %swap3A_373 = arith.constant 6 : i32
      %swap3A_374 = arith.index_cast %swap3A_373 : i32 to index
      %swap3A_375 = arith.index_cast %mul3A_372 : i32 to index
      %swap3A_376 = tpu.vector_load %arg8[%swap3A_374, %swap3A_375] {strides = array<i32>} : memref<10x128xf32, #tpu.memory_space<vmem>>, vector<16xf32>,
      tpu.vector_store %arg8[%swap3A_374, %swap3A_375], %select_n3A_370 {strides = array<i32>} : memref<10x128xf32, #tpu.memory_space<vmem>>, vector<16xf32>,
      %mul3A_377 = arith.constant 16 : i32
      %mul3A_378 = arith.muli %scan3A_130, %mul3A_377 : i32
      %get3A_379 = arith.constant 7 : i32
      %get3A_380 = arith.index_cast %get3A_379 : i32 to index
      %get3A_381 = arith.index_cast %mul3A_378 : i32 to index
      %get3A_382 = tpu.vector_load %arg7[%get3A_380, %get3A_381] {strides = array<i32>} : memref<10x128xi32, #tpu.memory_space<vmem>>, vector<16xi32>,
      %sub3A_383 = arith.constant 384 : i32
      %sub3A_384 = vector.broadcast %sub3A_383 : i32 to vector<16xi32>
      %sub3A_385 = arith.subi %get3A_382, %sub3A_384 : vector<16xi32>
      %max3A_386 = arith.constant 0 : i32
      %max3A_387 = vector.broadcast %max3A_386 : i32 to vector<16xi32>
      %max3A_388 = arith.maxsi %sub3A_385, %max3A_387 : vector<16xi32>
      %min3A_389 = arith.constant 255 : i32
      %min3A_390 = vector.broadcast %min3A_389 : i32 to vector<16xi32>
      %min3A_391 = arith.minsi %max3A_388, %min3A_390 : vector<16xi32>
      %gather3A_392 = tpu.vector_load_idx %arg5[%min3A_391, %add3A_134] : memref<256x128xf32, #tpu.memory_space<vmem>>[vector<16xi32>, vector<16xi32>], vector<16xf32>,
      %ge3A_393 = arith.constant 0 : i32
      %ge3A_394 = vector.broadcast %ge3A_393 : i32 to vector<16xi32>
      %ge3A_395 = arith.cmpi sge, %sub3A_385, %ge3A_394 : vector<16xi32>
      %lt3A_396 = arith.constant 256 : i32
      %lt3A_397 = vector.broadcast %lt3A_396 : i32 to vector<16xi32>
      %lt3A_398 = arith.cmpi slt, %sub3A_385, %lt3A_397 : vector<16xi32>
      %and3A_399 = arith.andi %ge3A_395, %lt3A_398 : vector<16xi1>
      %mul3A_400 = arith.constant 16 : i32
      %mul3A_401 = arith.muli %scan3A_130, %mul3A_400 : i32
      %get3A_402 = arith.constant 7 : i32
      %get3A_403 = arith.index_cast %get3A_402 : i32 to index
      %get3A_404 = arith.index_cast %mul3A_401 : i32 to index
      %get3A_405 = tpu.vector_load %arg8[%get3A_403, %get3A_404] {strides = array<i32>} : memref<10x128xf32, #tpu.memory_space<vmem>>, vector<16xf32>,
      %select_n3A_406 = arith.select %and3A_399, %gather3A_392, %get3A_405 : vector<16xi1>, vector<16xf32>
      %mul3A_407 = arith.constant 16 : i32
      %mul3A_408 = arith.muli %scan3A_130, %mul3A_407 : i32
      %swap3A_409 = arith.constant 7 : i32
      %swap3A_410 = arith.index_cast %swap3A_409 : i32 to index
      %swap3A_411 = arith.index_cast %mul3A_408 : i32 to index
      %swap3A_412 = tpu.vector_load %arg8[%swap3A_410, %swap3A_411] {strides = array<i32>} : memref<10x128xf32, #tpu.memory_space<vmem>>, vector<16xf32>,
      tpu.vector_store %arg8[%swap3A_410, %swap3A_411], %select_n3A_406 {strides = array<i32>} : memref<10x128xf32, #tpu.memory_space<vmem>>, vector<16xf32>,
      %mul3A_413 = arith.constant 16 : i32
      %mul3A_414 = arith.muli %scan3A_130, %mul3A_413 : i32
      %get3A_415 = arith.constant 8 : i32
      %get3A_416 = arith.index_cast %get3A_415 : i32 to index
      %get3A_417 = arith.index_cast %mul3A_414 : i32 to index
      %get3A_418 = tpu.vector_load %arg7[%get3A_416, %get3A_417] {strides = array<i32>} : memref<10x128xi32, #tpu.memory_space<vmem>>, vector<16xi32>,
      %sub3A_419 = arith.constant 384 : i32
      %sub3A_420 = vector.broadcast %sub3A_419 : i32 to vector<16xi32>
      %sub3A_421 = arith.subi %get3A_418, %sub3A_420 : vector<16xi32>
      %max3A_422 = arith.constant 0 : i32
      %max3A_423 = vector.broadcast %max3A_422 : i32 to vector<16xi32>
      %max3A_424 = arith.maxsi %sub3A_421, %max3A_423 : vector<16xi32>
      %min3A_425 = arith.constant 255 : i32
      %min3A_426 = vector.broadcast %min3A_425 : i32 to vector<16xi32>
      %min3A_427 = arith.minsi %max3A_424, %min3A_426 : vector<16xi32>
      %gather3A_428 = tpu.vector_load_idx %arg5[%min3A_427, %add3A_134] : memref<256x128xf32, #tpu.memory_space<vmem>>[vector<16xi32>, vector<16xi32>], vector<16xf32>,
      %ge3A_429 = arith.constant 0 : i32
      %ge3A_430 = vector.broadcast %ge3A_429 : i32 to vector<16xi32>
      %ge3A_431 = arith.cmpi sge, %sub3A_421, %ge3A_430 : vector<16xi32>
      %lt3A_432 = arith.constant 256 : i32
      %lt3A_433 = vector.broadcast %lt3A_432 : i32 to vector<16xi32>
      %lt3A_434 = arith.cmpi slt, %sub3A_421, %lt3A_433 : vector<16xi32>
      %and3A_435 = arith.andi %ge3A_431, %lt3A_434 : vector<16xi1>
      %mul3A_436 = arith.constant 16 : i32
      %mul3A_437 = arith.muli %scan3A_130, %mul3A_436 : i32
      %get3A_438 = arith.constant 8 : i32
      %get3A_439 = arith.index_cast %get3A_438 : i32 to index
      %get3A_440 = arith.index_cast %mul3A_437 : i32 to index
      %get3A_441 = tpu.vector_load %arg8[%get3A_439, %get3A_440] {strides = array<i32>} : memref<10x128xf32, #tpu.memory_space<vmem>>, vector<16xf32>,
      %select_n3A_442 = arith.select %and3A_435, %gather3A_428, %get3A_441 : vector<16xi1>, vector<16xf32>
      %mul3A_443 = arith.constant 16 : i32
      %mul3A_444 = arith.muli %scan3A_130, %mul3A_443 : i32
      %swap3A_445 = arith.constant 8 : i32
      %swap3A_446 = arith.index_cast %swap3A_445 : i32 to index
      %swap3A_447 = arith.index_cast %mul3A_444 : i32 to index
      %swap3A_448 = tpu.vector_load %arg8[%swap3A_446, %swap3A_447] {strides = array<i32>} : memref<10x128xf32, #tpu.memory_space<vmem>>, vector<16xf32>,
      tpu.vector_store %arg8[%swap3A_446, %swap3A_447], %select_n3A_442 {strides = array<i32>} : memref<10x128xf32, #tpu.memory_space<vmem>>, vector<16xf32>,
      %mul3A_449 = arith.constant 16 : i32
      %mul3A_450 = arith.muli %scan3A_130, %mul3A_449 : i32
      %get3A_451 = arith.constant 9 : i32
      %get3A_452 = arith.index_cast %get3A_451 : i32 to index
      %get3A_453 = arith.index_cast %mul3A_450 : i32 to index
      %get3A_454 = tpu.vector_load %arg7[%get3A_452, %get3A_453] {strides = array<i32>} : memref<10x128xi32, #tpu.memory_space<vmem>>, vector<16xi32>,
      %sub3A_455 = arith.constant 384 : i32
      %sub3A_456 = vector.broadcast %sub3A_455 : i32 to vector<16xi32>
      %sub3A_457 = arith.subi %get3A_454, %sub3A_456 : vector<16xi32>
      %max3A_458 = arith.constant 0 : i32
      %max3A_459 = vector.broadcast %max3A_458 : i32 to vector<16xi32>
      %max3A_460 = arith.maxsi %sub3A_457, %max3A_459 : vector<16xi32>
      %min3A_461 = arith.constant 255 : i32
      %min3A_462 = vector.broadcast %min3A_461 : i32 to vector<16xi32>
      %min3A_463 = arith.minsi %max3A_460, %min3A_462 : vector<16xi32>
      %gather3A_464 = tpu.vector_load_idx %arg5[%min3A_463, %add3A_134] : memref<256x128xf32, #tpu.memory_space<vmem>>[vector<16xi32>, vector<16xi32>], vector<16xf32>,
      %ge3A_465 = arith.constant 0 : i32
      %ge3A_466 = vector.broadcast %ge3A_465 : i32 to vector<16xi32>
      %ge3A_467 = arith.cmpi sge, %sub3A_457, %ge3A_466 : vector<16xi32>
      %lt3A_468 = arith.constant 256 : i32
      %lt3A_469 = vector.broadcast %lt3A_468 : i32 to vector<16xi32>
      %lt3A_470 = arith.cmpi slt, %sub3A_457, %lt3A_469 : vector<16xi32>
      %and3A_471 = arith.andi %ge3A_467, %lt3A_470 : vector<16xi1>
      %mul3A_472 = arith.constant 16 : i32
      %mul3A_473 = arith.muli %scan3A_130, %mul3A_472 : i32
      %get3A_474 = arith.constant 9 : i32
      %get3A_475 = arith.index_cast %get3A_474 : i32 to index
      %get3A_476 = arith.index_cast %mul3A_473 : i32 to index
      %get3A_477 = tpu.vector_load %arg8[%get3A_475, %get3A_476] {strides = array<i32>} : memref<10x128xf32, #tpu.memory_space<vmem>>, vector<16xf32>,
      %select_n3A_478 = arith.select %and3A_471, %gather3A_464, %get3A_477 : vector<16xi1>, vector<16xf32>
      %mul3A_479 = arith.constant 16 : i32
      %mul3A_480 = arith.muli %scan3A_130, %mul3A_479 : i32
      %swap3A_481 = arith.constant 9 : i32
      %swap3A_482 = arith.index_cast %swap3A_481 : i32 to index
      %swap3A_483 = arith.index_cast %mul3A_480 : i32 to index
      %swap3A_484 = tpu.vector_load %arg8[%swap3A_482, %swap3A_483] {strides = array<i32>} : memref<10x128xf32, #tpu.memory_space<vmem>>, vector<16xf32>,
      tpu.vector_store %arg8[%swap3A_482, %swap3A_483], %select_n3A_478 {strides = array<i32>} : memref<10x128xf32, #tpu.memory_space<vmem>>, vector<16xf32>,
    }
    %scan3A_87 = arith.constant 8 : i32
    %dma_start3A_88 = arith.constant 0 : i32
    %dma_start3A_89 = arith.constant 0 : i32
    %dma_start3A_90 = tpu.memref_slice %arg5[%dma_start3A_88, %dma_start3A_89] : memref<256x128xf32, #tpu.memory_space<vmem>> -> memref<104x128xf32, #tpu.memory_space<vmem>>
    %dma_start3A_91 = arith.constant 896 : i32
    %dma_start3A_92 = tpu.memref_slice %arg2[%dma_start3A_91, %mul3A_2] : memref<1000x4096xf32, #tpu.memory_space<hbm>> -> memref<104x128xf32, #tpu.memory_space<hbm>>
    %dma_start3A_93 = arith.constant 0 : i32
    %dma_start3A_94 = arith.constant 0 : i32
    %dma_start3A_95 = tpu.memref_slice %arg5[%dma_start3A_93, %dma_start3A_94] : memref<256x128xf32, #tpu.memory_space<vmem>> -> memref<104x128xf32, #tpu.memory_space<vmem>>
    %dma_start3A_96 = arith.constant 896 : i32
    %dma_start3A_97 = tpu.memref_slice %arg2[%dma_start3A_96, %mul3A_2] : memref<1000x4096xf32, #tpu.memory_space<hbm>> -> memref<104x128xf32, #tpu.memory_space<hbm>>
    tpu.enqueue_dma source(%dma_start3A_97 : memref<104x128xf32, #tpu.memory_space<hbm>>) target(%dma_start3A_95 : memref<104x128xf32, #tpu.memory_space<vmem>>) target_semaphore(%arg9 : memref<!tpu.dma_semaphore, #tpu.memory_space<semaphore_mem>>)
    %dma_wait3A_98 = arith.constant 0 : i32
    %dma_wait3A_99 = arith.constant 0 : i32
    %dma_wait3A_100 = tpu.memref_slice %arg6[%dma_wait3A_98, %dma_wait3A_99] : memref<256x128xf32, #tpu.memory_space<vmem>> -> memref<256x128xf32, #tpu.memory_space<vmem>>
    %dma_wait3A_101 = arith.constant 640 : i32
    %dma_wait3A_102 = tpu.memref_slice %arg2[%dma_wait3A_101, %mul3A_2] : memref<1000x4096xf32, #tpu.memory_space<hbm>> -> memref<256x128xf32, #tpu.memory_space<hbm>>
    %dma_wait3A_103 = arith.constant 0 : i32
    %dma_wait3A_104 = arith.constant 0 : i32
    %dma_wait3A_105 = tpu.memref_slice %arg6[%dma_wait3A_103, %dma_wait3A_104] : memref<256x128xf32, #tpu.memory_space<vmem>> -> memref<256x128xf32, #tpu.memory_space<vmem>>
    %dma_wait3A_106 = arith.constant 640 : i32
    %dma_wait3A_107 = tpu.memref_slice %arg2[%dma_wait3A_106, %mul3A_2] : memref<1000x4096xf32, #tpu.memory_space<hbm>> -> memref<256x128xf32, #tpu.memory_space<hbm>>
    tpu.wait_dma2 semaphore(%arg10 : memref<!tpu.dma_semaphore, #tpu.memory_space<semaphore_mem>>) src(%dma_wait3A_107 : memref<256x128xf32, #tpu.memory_space<hbm>>) dst(%dma_wait3A_105 : memref<256x128xf32, #tpu.memory_space<vmem>>)
    %scan3A_108 = arith.constant 0 : i32
    %scan3A_109 = arith.constant 0 : i32
    %scan3A_110 = arith.constant 8 : i32
    %scan3A_111 = arith.addi %scan3A_109, %scan3A_110 : i32
    %scan3A_112 = arith.constant 1 : i32
    scf.for %scan3A_130 = %scan3A_109 to %scan3A_111 step %scan3A_112  : i32 {
      %mul3A_131 = arith.constant 16 : i32
      %mul3A_132 = arith.muli %scan3A_130, %mul3A_131 : i32
      %add3A_133 = vector.broadcast %mul3A_132 : i32 to vector<16xi32>
      %add3A_134 = arith.addi %add3A_133, %iota3A : vector<16xi32>
      %mul3A_135 = arith.constant 16 : i32
      %mul3A_136 = arith.muli %scan3A_130, %mul3A_135 : i32
      %get3A = arith.constant 0 : i32
      %get3A_137 = arith.index_cast %get3A : i32 to index
      %get3A_138 = arith.index_cast %mul3A_136 : i32 to index
      %get3A_139 = tpu.vector_load %arg7[%get3A_137, %get3A_138] {strides = array<i32>} : memref<10x128xi32, #tpu.memory_space<vmem>>, vector<16xi32>,
      %sub3A = arith.constant 640 : i32
      %sub3A_140 = vector.broadcast %sub3A : i32 to vector<16xi32>
      %sub3A_141 = arith.subi %get3A_139, %sub3A_140 : vector<16xi32>
      %max3A = arith.constant 0 : i32
      %max3A_142 = vector.broadcast %max3A : i32 to vector<16xi32>
      %max3A_143 = arith.maxsi %sub3A_141, %max3A_142 : vector<16xi32>
      %min3A = arith.constant 255 : i32
      %min3A_144 = vector.broadcast %min3A : i32 to vector<16xi32>
      %min3A_145 = arith.minsi %max3A_143, %min3A_144 : vector<16xi32>
      %gather3A = tpu.vector_load_idx %arg6[%min3A_145, %add3A_134] : memref<256x128xf32, #tpu.memory_space<vmem>>[vector<16xi32>, vector<16xi32>], vector<16xf32>,
      %ge3A = arith.constant 0 : i32
      %ge3A_146 = vector.broadcast %ge3A : i32 to vector<16xi32>
      %ge3A_147 = arith.cmpi sge, %sub3A_141, %ge3A_146 : vector<16xi32>
      %lt3A = arith.constant 256 : i32
      %lt3A_148 = vector.broadcast %lt3A : i32 to vector<16xi32>
      %lt3A_149 = arith.cmpi slt, %sub3A_141, %lt3A_148 : vector<16xi32>
      %and3A = arith.andi %ge3A_147, %lt3A_149 : vector<16xi1>
      %mul3A_150 = arith.constant 16 : i32
      %mul3A_151 = arith.muli %scan3A_130, %mul3A_150 : i32
      %get3A_152 = arith.constant 0 : i32
      %get3A_153 = arith.index_cast %get3A_152 : i32 to index
      %get3A_154 = arith.index_cast %mul3A_151 : i32 to index
      %get3A_155 = tpu.vector_load %arg8[%get3A_153, %get3A_154] {strides = array<i32>} : memref<10x128xf32, #tpu.memory_space<vmem>>, vector<16xf32>,
      %select_n3A = arith.select %and3A, %gather3A, %get3A_155 : vector<16xi1>, vector<16xf32>
      %mul3A_156 = arith.constant 16 : i32
      %mul3A_157 = arith.muli %scan3A_130, %mul3A_156 : i32
      %swap3A = arith.constant 0 : i32
      %swap3A_158 = arith.index_cast %swap3A : i32 to index
      %swap3A_159 = arith.index_cast %mul3A_157 : i32 to index
      %swap3A_160 = tpu.vector_load %arg8[%swap3A_158, %swap3A_159] {strides = array<i32>} : memref<10x128xf32, #tpu.memory_space<vmem>>, vector<16xf32>,
      tpu.vector_store %arg8[%swap3A_158, %swap3A_159], %select_n3A {strides = array<i32>} : memref<10x128xf32, #tpu.memory_space<vmem>>, vector<16xf32>,
      %mul3A_161 = arith.constant 16 : i32
      %mul3A_162 = arith.muli %scan3A_130, %mul3A_161 : i32
      %get3A_163 = arith.constant 1 : i32
      %get3A_164 = arith.index_cast %get3A_163 : i32 to index
      %get3A_165 = arith.index_cast %mul3A_162 : i32 to index
      %get3A_166 = tpu.vector_load %arg7[%get3A_164, %get3A_165] {strides = array<i32>} : memref<10x128xi32, #tpu.memory_space<vmem>>, vector<16xi32>,
      %sub3A_167 = arith.constant 640 : i32
      %sub3A_168 = vector.broadcast %sub3A_167 : i32 to vector<16xi32>
      %sub3A_169 = arith.subi %get3A_166, %sub3A_168 : vector<16xi32>
      %max3A_170 = arith.constant 0 : i32
      %max3A_171 = vector.broadcast %max3A_170 : i32 to vector<16xi32>
      %max3A_172 = arith.maxsi %sub3A_169, %max3A_171 : vector<16xi32>
      %min3A_173 = arith.constant 255 : i32
      %min3A_174 = vector.broadcast %min3A_173 : i32 to vector<16xi32>
      %min3A_175 = arith.minsi %max3A_172, %min3A_174 : vector<16xi32>
      %gather3A_176 = tpu.vector_load_idx %arg6[%min3A_175, %add3A_134] : memref<256x128xf32, #tpu.memory_space<vmem>>[vector<16xi32>, vector<16xi32>], vector<16xf32>,
      %ge3A_177 = arith.constant 0 : i32
      %ge3A_178 = vector.broadcast %ge3A_177 : i32 to vector<16xi32>
      %ge3A_179 = arith.cmpi sge, %sub3A_169, %ge3A_178 : vector<16xi32>
      %lt3A_180 = arith.constant 256 : i32
      %lt3A_181 = vector.broadcast %lt3A_180 : i32 to vector<16xi32>
      %lt3A_182 = arith.cmpi slt, %sub3A_169, %lt3A_181 : vector<16xi32>
      %and3A_183 = arith.andi %ge3A_179, %lt3A_182 : vector<16xi1>
      %mul3A_184 = arith.constant 16 : i32
      %mul3A_185 = arith.muli %scan3A_130, %mul3A_184 : i32
      %get3A_186 = arith.constant 1 : i32
      %get3A_187 = arith.index_cast %get3A_186 : i32 to index
      %get3A_188 = arith.index_cast %mul3A_185 : i32 to index
      %get3A_189 = tpu.vector_load %arg8[%get3A_187, %get3A_188] {strides = array<i32>} : memref<10x128xf32, #tpu.memory_space<vmem>>, vector<16xf32>,
      %select_n3A_190 = arith.select %and3A_183, %gather3A_176, %get3A_189 : vector<16xi1>, vector<16xf32>
      %mul3A_191 = arith.constant 16 : i32
      %mul3A_192 = arith.muli %scan3A_130, %mul3A_191 : i32
      %swap3A_193 = arith.constant 1 : i32
      %swap3A_194 = arith.index_cast %swap3A_193 : i32 to index
      %swap3A_195 = arith.index_cast %mul3A_192 : i32 to index
      %swap3A_196 = tpu.vector_load %arg8[%swap3A_194, %swap3A_195] {strides = array<i32>} : memref<10x128xf32, #tpu.memory_space<vmem>>, vector<16xf32>,
      tpu.vector_store %arg8[%swap3A_194, %swap3A_195], %select_n3A_190 {strides = array<i32>} : memref<10x128xf32, #tpu.memory_space<vmem>>, vector<16xf32>,
      %mul3A_197 = arith.constant 16 : i32
      %mul3A_198 = arith.muli %scan3A_130, %mul3A_197 : i32
      %get3A_199 = arith.constant 2 : i32
      %get3A_200 = arith.index_cast %get3A_199 : i32 to index
      %get3A_201 = arith.index_cast %mul3A_198 : i32 to index
      %get3A_202 = tpu.vector_load %arg7[%get3A_200, %get3A_201] {strides = array<i32>} : memref<10x128xi32, #tpu.memory_space<vmem>>, vector<16xi32>,
      %sub3A_203 = arith.constant 640 : i32
      %sub3A_204 = vector.broadcast %sub3A_203 : i32 to vector<16xi32>
      %sub3A_205 = arith.subi %get3A_202, %sub3A_204 : vector<16xi32>
      %max3A_206 = arith.constant 0 : i32
      %max3A_207 = vector.broadcast %max3A_206 : i32 to vector<16xi32>
      %max3A_208 = arith.maxsi %sub3A_205, %max3A_207 : vector<16xi32>
      %min3A_209 = arith.constant 255 : i32
      %min3A_210 = vector.broadcast %min3A_209 : i32 to vector<16xi32>
      %min3A_211 = arith.minsi %max3A_208, %min3A_210 : vector<16xi32>
      %gather3A_212 = tpu.vector_load_idx %arg6[%min3A_211, %add3A_134] : memref<256x128xf32, #tpu.memory_space<vmem>>[vector<16xi32>, vector<16xi32>], vector<16xf32>,
      %ge3A_213 = arith.constant 0 : i32
      %ge3A_214 = vector.broadcast %ge3A_213 : i32 to vector<16xi32>
      %ge3A_215 = arith.cmpi sge, %sub3A_205, %ge3A_214 : vector<16xi32>
      %lt3A_216 = arith.constant 256 : i32
      %lt3A_217 = vector.broadcast %lt3A_216 : i32 to vector<16xi32>
      %lt3A_218 = arith.cmpi slt, %sub3A_205, %lt3A_217 : vector<16xi32>
      %and3A_219 = arith.andi %ge3A_215, %lt3A_218 : vector<16xi1>
      %mul3A_220 = arith.constant 16 : i32
      %mul3A_221 = arith.muli %scan3A_130, %mul3A_220 : i32
      %get3A_222 = arith.constant 2 : i32
      %get3A_223 = arith.index_cast %get3A_222 : i32 to index
      %get3A_224 = arith.index_cast %mul3A_221 : i32 to index
      %get3A_225 = tpu.vector_load %arg8[%get3A_223, %get3A_224] {strides = array<i32>} : memref<10x128xf32, #tpu.memory_space<vmem>>, vector<16xf32>,
      %select_n3A_226 = arith.select %and3A_219, %gather3A_212, %get3A_225 : vector<16xi1>, vector<16xf32>
      %mul3A_227 = arith.constant 16 : i32
      %mul3A_228 = arith.muli %scan3A_130, %mul3A_227 : i32
      %swap3A_229 = arith.constant 2 : i32
      %swap3A_230 = arith.index_cast %swap3A_229 : i32 to index
      %swap3A_231 = arith.index_cast %mul3A_228 : i32 to index
      %swap3A_232 = tpu.vector_load %arg8[%swap3A_230, %swap3A_231] {strides = array<i32>} : memref<10x128xf32, #tpu.memory_space<vmem>>, vector<16xf32>,
      tpu.vector_store %arg8[%swap3A_230, %swap3A_231], %select_n3A_226 {strides = array<i32>} : memref<10x128xf32, #tpu.memory_space<vmem>>, vector<16xf32>,
      %mul3A_233 = arith.constant 16 : i32
      %mul3A_234 = arith.muli %scan3A_130, %mul3A_233 : i32
      %get3A_235 = arith.constant 3 : i32
      %get3A_236 = arith.index_cast %get3A_235 : i32 to index
      %get3A_237 = arith.index_cast %mul3A_234 : i32 to index
      %get3A_238 = tpu.vector_load %arg7[%get3A_236, %get3A_237] {strides = array<i32>} : memref<10x128xi32, #tpu.memory_space<vmem>>, vector<16xi32>,
      %sub3A_239 = arith.constant 640 : i32
      %sub3A_240 = vector.broadcast %sub3A_239 : i32 to vector<16xi32>
      %sub3A_241 = arith.subi %get3A_238, %sub3A_240 : vector<16xi32>
      %max3A_242 = arith.constant 0 : i32
      %max3A_243 = vector.broadcast %max3A_242 : i32 to vector<16xi32>
      %max3A_244 = arith.maxsi %sub3A_241, %max3A_243 : vector<16xi32>
      %min3A_245 = arith.constant 255 : i32
      %min3A_246 = vector.broadcast %min3A_245 : i32 to vector<16xi32>
      %min3A_247 = arith.minsi %max3A_244, %min3A_246 : vector<16xi32>
      %gather3A_248 = tpu.vector_load_idx %arg6[%min3A_247, %add3A_134] : memref<256x128xf32, #tpu.memory_space<vmem>>[vector<16xi32>, vector<16xi32>], vector<16xf32>,
      %ge3A_249 = arith.constant 0 : i32
      %ge3A_250 = vector.broadcast %ge3A_249 : i32 to vector<16xi32>
      %ge3A_251 = arith.cmpi sge, %sub3A_241, %ge3A_250 : vector<16xi32>
      %lt3A_252 = arith.constant 256 : i32
      %lt3A_253 = vector.broadcast %lt3A_252 : i32 to vector<16xi32>
      %lt3A_254 = arith.cmpi slt, %sub3A_241, %lt3A_253 : vector<16xi32>
      %and3A_255 = arith.andi %ge3A_251, %lt3A_254 : vector<16xi1>
      %mul3A_256 = arith.constant 16 : i32
      %mul3A_257 = arith.muli %scan3A_130, %mul3A_256 : i32
      %get3A_258 = arith.constant 3 : i32
      %get3A_259 = arith.index_cast %get3A_258 : i32 to index
      %get3A_260 = arith.index_cast %mul3A_257 : i32 to index
      %get3A_261 = tpu.vector_load %arg8[%get3A_259, %get3A_260] {strides = array<i32>} : memref<10x128xf32, #tpu.memory_space<vmem>>, vector<16xf32>,
      %select_n3A_262 = arith.select %and3A_255, %gather3A_248, %get3A_261 : vector<16xi1>, vector<16xf32>
      %mul3A_263 = arith.constant 16 : i32
      %mul3A_264 = arith.muli %scan3A_130, %mul3A_263 : i32
      %swap3A_265 = arith.constant 3 : i32
      %swap3A_266 = arith.index_cast %swap3A_265 : i32 to index
      %swap3A_267 = arith.index_cast %mul3A_264 : i32 to index
      %swap3A_268 = tpu.vector_load %arg8[%swap3A_266, %swap3A_267] {strides = array<i32>} : memref<10x128xf32, #tpu.memory_space<vmem>>, vector<16xf32>,
      tpu.vector_store %arg8[%swap3A_266, %swap3A_267], %select_n3A_262 {strides = array<i32>} : memref<10x128xf32, #tpu.memory_space<vmem>>, vector<16xf32>,
      %mul3A_269 = arith.constant 16 : i32
      %mul3A_270 = arith.muli %scan3A_130, %mul3A_269 : i32
      %get3A_271 = arith.constant 4 : i32
      %get3A_272 = arith.index_cast %get3A_271 : i32 to index
      %get3A_273 = arith.index_cast %mul3A_270 : i32 to index
      %get3A_274 = tpu.vector_load %arg7[%get3A_272, %get3A_273] {strides = array<i32>} : memref<10x128xi32, #tpu.memory_space<vmem>>, vector<16xi32>,
      %sub3A_275 = arith.constant 640 : i32
      %sub3A_276 = vector.broadcast %sub3A_275 : i32 to vector<16xi32>
      %sub3A_277 = arith.subi %get3A_274, %sub3A_276 : vector<16xi32>
      %max3A_278 = arith.constant 0 : i32
      %max3A_279 = vector.broadcast %max3A_278 : i32 to vector<16xi32>
      %max3A_280 = arith.maxsi %sub3A_277, %max3A_279 : vector<16xi32>
      %min3A_281 = arith.constant 255 : i32
      %min3A_282 = vector.broadcast %min3A_281 : i32 to vector<16xi32>
      %min3A_283 = arith.minsi %max3A_280, %min3A_282 : vector<16xi32>
      %gather3A_284 = tpu.vector_load_idx %arg6[%min3A_283, %add3A_134] : memref<256x128xf32, #tpu.memory_space<vmem>>[vector<16xi32>, vector<16xi32>], vector<16xf32>,
      %ge3A_285 = arith.constant 0 : i32
      %ge3A_286 = vector.broadcast %ge3A_285 : i32 to vector<16xi32>
      %ge3A_287 = arith.cmpi sge, %sub3A_277, %ge3A_286 : vector<16xi32>
      %lt3A_288 = arith.constant 256 : i32
      %lt3A_289 = vector.broadcast %lt3A_288 : i32 to vector<16xi32>
      %lt3A_290 = arith.cmpi slt, %sub3A_277, %lt3A_289 : vector<16xi32>
      %and3A_291 = arith.andi %ge3A_287, %lt3A_290 : vector<16xi1>
      %mul3A_292 = arith.constant 16 : i32
      %mul3A_293 = arith.muli %scan3A_130, %mul3A_292 : i32
      %get3A_294 = arith.constant 4 : i32
      %get3A_295 = arith.index_cast %get3A_294 : i32 to index
      %get3A_296 = arith.index_cast %mul3A_293 : i32 to index
      %get3A_297 = tpu.vector_load %arg8[%get3A_295, %get3A_296] {strides = array<i32>} : memref<10x128xf32, #tpu.memory_space<vmem>>, vector<16xf32>,
      %select_n3A_298 = arith.select %and3A_291, %gather3A_284, %get3A_297 : vector<16xi1>, vector<16xf32>
      %mul3A_299 = arith.constant 16 : i32
      %mul3A_300 = arith.muli %scan3A_130, %mul3A_299 : i32
      %swap3A_301 = arith.constant 4 : i32
      %swap3A_302 = arith.index_cast %swap3A_301 : i32 to index
      %swap3A_303 = arith.index_cast %mul3A_300 : i32 to index
      %swap3A_304 = tpu.vector_load %arg8[%swap3A_302, %swap3A_303] {strides = array<i32>} : memref<10x128xf32, #tpu.memory_space<vmem>>, vector<16xf32>,
      tpu.vector_store %arg8[%swap3A_302, %swap3A_303], %select_n3A_298 {strides = array<i32>} : memref<10x128xf32, #tpu.memory_space<vmem>>, vector<16xf32>,
      %mul3A_305 = arith.constant 16 : i32
      %mul3A_306 = arith.muli %scan3A_130, %mul3A_305 : i32
      %get3A_307 = arith.constant 5 : i32
      %get3A_308 = arith.index_cast %get3A_307 : i32 to index
      %get3A_309 = arith.index_cast %mul3A_306 : i32 to index
      %get3A_310 = tpu.vector_load %arg7[%get3A_308, %get3A_309] {strides = array<i32>} : memref<10x128xi32, #tpu.memory_space<vmem>>, vector<16xi32>,
      %sub3A_311 = arith.constant 640 : i32
      %sub3A_312 = vector.broadcast %sub3A_311 : i32 to vector<16xi32>
      %sub3A_313 = arith.subi %get3A_310, %sub3A_312 : vector<16xi32>
      %max3A_314 = arith.constant 0 : i32
      %max3A_315 = vector.broadcast %max3A_314 : i32 to vector<16xi32>
      %max3A_316 = arith.maxsi %sub3A_313, %max3A_315 : vector<16xi32>
      %min3A_317 = arith.constant 255 : i32
      %min3A_318 = vector.broadcast %min3A_317 : i32 to vector<16xi32>
      %min3A_319 = arith.minsi %max3A_316, %min3A_318 : vector<16xi32>
      %gather3A_320 = tpu.vector_load_idx %arg6[%min3A_319, %add3A_134] : memref<256x128xf32, #tpu.memory_space<vmem>>[vector<16xi32>, vector<16xi32>], vector<16xf32>,
      %ge3A_321 = arith.constant 0 : i32
      %ge3A_322 = vector.broadcast %ge3A_321 : i32 to vector<16xi32>
      %ge3A_323 = arith.cmpi sge, %sub3A_313, %ge3A_322 : vector<16xi32>
      %lt3A_324 = arith.constant 256 : i32
      %lt3A_325 = vector.broadcast %lt3A_324 : i32 to vector<16xi32>
      %lt3A_326 = arith.cmpi slt, %sub3A_313, %lt3A_325 : vector<16xi32>
      %and3A_327 = arith.andi %ge3A_323, %lt3A_326 : vector<16xi1>
      %mul3A_328 = arith.constant 16 : i32
      %mul3A_329 = arith.muli %scan3A_130, %mul3A_328 : i32
      %get3A_330 = arith.constant 5 : i32
      %get3A_331 = arith.index_cast %get3A_330 : i32 to index
      %get3A_332 = arith.index_cast %mul3A_329 : i32 to index
      %get3A_333 = tpu.vector_load %arg8[%get3A_331, %get3A_332] {strides = array<i32>} : memref<10x128xf32, #tpu.memory_space<vmem>>, vector<16xf32>,
      %select_n3A_334 = arith.select %and3A_327, %gather3A_320, %get3A_333 : vector<16xi1>, vector<16xf32>
      %mul3A_335 = arith.constant 16 : i32
      %mul3A_336 = arith.muli %scan3A_130, %mul3A_335 : i32
      %swap3A_337 = arith.constant 5 : i32
      %swap3A_338 = arith.index_cast %swap3A_337 : i32 to index
      %swap3A_339 = arith.index_cast %mul3A_336 : i32 to index
      %swap3A_340 = tpu.vector_load %arg8[%swap3A_338, %swap3A_339] {strides = array<i32>} : memref<10x128xf32, #tpu.memory_space<vmem>>, vector<16xf32>,
      tpu.vector_store %arg8[%swap3A_338, %swap3A_339], %select_n3A_334 {strides = array<i32>} : memref<10x128xf32, #tpu.memory_space<vmem>>, vector<16xf32>,
      %mul3A_341 = arith.constant 16 : i32
      %mul3A_342 = arith.muli %scan3A_130, %mul3A_341 : i32
      %get3A_343 = arith.constant 6 : i32
      %get3A_344 = arith.index_cast %get3A_343 : i32 to index
      %get3A_345 = arith.index_cast %mul3A_342 : i32 to index
      %get3A_346 = tpu.vector_load %arg7[%get3A_344, %get3A_345] {strides = array<i32>} : memref<10x128xi32, #tpu.memory_space<vmem>>, vector<16xi32>,
      %sub3A_347 = arith.constant 640 : i32
      %sub3A_348 = vector.broadcast %sub3A_347 : i32 to vector<16xi32>
      %sub3A_349 = arith.subi %get3A_346, %sub3A_348 : vector<16xi32>
      %max3A_350 = arith.constant 0 : i32
      %max3A_351 = vector.broadcast %max3A_350 : i32 to vector<16xi32>
      %max3A_352 = arith.maxsi %sub3A_349, %max3A_351 : vector<16xi32>
      %min3A_353 = arith.constant 255 : i32
      %min3A_354 = vector.broadcast %min3A_353 : i32 to vector<16xi32>
      %min3A_355 = arith.minsi %max3A_352, %min3A_354 : vector<16xi32>
      %gather3A_356 = tpu.vector_load_idx %arg6[%min3A_355, %add3A_134] : memref<256x128xf32, #tpu.memory_space<vmem>>[vector<16xi32>, vector<16xi32>], vector<16xf32>,
      %ge3A_357 = arith.constant 0 : i32
      %ge3A_358 = vector.broadcast %ge3A_357 : i32 to vector<16xi32>
      %ge3A_359 = arith.cmpi sge, %sub3A_349, %ge3A_358 : vector<16xi32>
      %lt3A_360 = arith.constant 256 : i32
      %lt3A_361 = vector.broadcast %lt3A_360 : i32 to vector<16xi32>
      %lt3A_362 = arith.cmpi slt, %sub3A_349, %lt3A_361 : vector<16xi32>
      %and3A_363 = arith.andi %ge3A_359, %lt3A_362 : vector<16xi1>
      %mul3A_364 = arith.constant 16 : i32
      %mul3A_365 = arith.muli %scan3A_130, %mul3A_364 : i32
      %get3A_366 = arith.constant 6 : i32
      %get3A_367 = arith.index_cast %get3A_366 : i32 to index
      %get3A_368 = arith.index_cast %mul3A_365 : i32 to index
      %get3A_369 = tpu.vector_load %arg8[%get3A_367, %get3A_368] {strides = array<i32>} : memref<10x128xf32, #tpu.memory_space<vmem>>, vector<16xf32>,
      %select_n3A_370 = arith.select %and3A_363, %gather3A_356, %get3A_369 : vector<16xi1>, vector<16xf32>
      %mul3A_371 = arith.constant 16 : i32
      %mul3A_372 = arith.muli %scan3A_130, %mul3A_371 : i32
      %swap3A_373 = arith.constant 6 : i32
      %swap3A_374 = arith.index_cast %swap3A_373 : i32 to index
      %swap3A_375 = arith.index_cast %mul3A_372 : i32 to index
      %swap3A_376 = tpu.vector_load %arg8[%swap3A_374, %swap3A_375] {strides = array<i32>} : memref<10x128xf32, #tpu.memory_space<vmem>>, vector<16xf32>,
      tpu.vector_store %arg8[%swap3A_374, %swap3A_375], %select_n3A_370 {strides = array<i32>} : memref<10x128xf32, #tpu.memory_space<vmem>>, vector<16xf32>,
      %mul3A_377 = arith.constant 16 : i32
      %mul3A_378 = arith.muli %scan3A_130, %mul3A_377 : i32
      %get3A_379 = arith.constant 7 : i32
      %get3A_380 = arith.index_cast %get3A_379 : i32 to index
      %get3A_381 = arith.index_cast %mul3A_378 : i32 to index
      %get3A_382 = tpu.vector_load %arg7[%get3A_380, %get3A_381] {strides = array<i32>} : memref<10x128xi32, #tpu.memory_space<vmem>>, vector<16xi32>,
      %sub3A_383 = arith.constant 640 : i32
      %sub3A_384 = vector.broadcast %sub3A_383 : i32 to vector<16xi32>
      %sub3A_385 = arith.subi %get3A_382, %sub3A_384 : vector<16xi32>
      %max3A_386 = arith.constant 0 : i32
      %max3A_387 = vector.broadcast %max3A_386 : i32 to vector<16xi32>
      %max3A_388 = arith.maxsi %sub3A_385, %max3A_387 : vector<16xi32>
      %min3A_389 = arith.constant 255 : i32
      %min3A_390 = vector.broadcast %min3A_389 : i32 to vector<16xi32>
      %min3A_391 = arith.minsi %max3A_388, %min3A_390 : vector<16xi32>
      %gather3A_392 = tpu.vector_load_idx %arg6[%min3A_391, %add3A_134] : memref<256x128xf32, #tpu.memory_space<vmem>>[vector<16xi32>, vector<16xi32>], vector<16xf32>,
      %ge3A_393 = arith.constant 0 : i32
      %ge3A_394 = vector.broadcast %ge3A_393 : i32 to vector<16xi32>
      %ge3A_395 = arith.cmpi sge, %sub3A_385, %ge3A_394 : vector<16xi32>
      %lt3A_396 = arith.constant 256 : i32
      %lt3A_397 = vector.broadcast %lt3A_396 : i32 to vector<16xi32>
      %lt3A_398 = arith.cmpi slt, %sub3A_385, %lt3A_397 : vector<16xi32>
      %and3A_399 = arith.andi %ge3A_395, %lt3A_398 : vector<16xi1>
      %mul3A_400 = arith.constant 16 : i32
      %mul3A_401 = arith.muli %scan3A_130, %mul3A_400 : i32
      %get3A_402 = arith.constant 7 : i32
      %get3A_403 = arith.index_cast %get3A_402 : i32 to index
      %get3A_404 = arith.index_cast %mul3A_401 : i32 to index
      %get3A_405 = tpu.vector_load %arg8[%get3A_403, %get3A_404] {strides = array<i32>} : memref<10x128xf32, #tpu.memory_space<vmem>>, vector<16xf32>,
      %select_n3A_406 = arith.select %and3A_399, %gather3A_392, %get3A_405 : vector<16xi1>, vector<16xf32>
      %mul3A_407 = arith.constant 16 : i32
      %mul3A_408 = arith.muli %scan3A_130, %mul3A_407 : i32
      %swap3A_409 = arith.constant 7 : i32
      %swap3A_410 = arith.index_cast %swap3A_409 : i32 to index
      %swap3A_411 = arith.index_cast %mul3A_408 : i32 to index
      %swap3A_412 = tpu.vector_load %arg8[%swap3A_410, %swap3A_411] {strides = array<i32>} : memref<10x128xf32, #tpu.memory_space<vmem>>, vector<16xf32>,
      tpu.vector_store %arg8[%swap3A_410, %swap3A_411], %select_n3A_406 {strides = array<i32>} : memref<10x128xf32, #tpu.memory_space<vmem>>, vector<16xf32>,
      %mul3A_413 = arith.constant 16 : i32
      %mul3A_414 = arith.muli %scan3A_130, %mul3A_413 : i32
      %get3A_415 = arith.constant 8 : i32
      %get3A_416 = arith.index_cast %get3A_415 : i32 to index
      %get3A_417 = arith.index_cast %mul3A_414 : i32 to index
      %get3A_418 = tpu.vector_load %arg7[%get3A_416, %get3A_417] {strides = array<i32>} : memref<10x128xi32, #tpu.memory_space<vmem>>, vector<16xi32>,
      %sub3A_419 = arith.constant 640 : i32
      %sub3A_420 = vector.broadcast %sub3A_419 : i32 to vector<16xi32>
      %sub3A_421 = arith.subi %get3A_418, %sub3A_420 : vector<16xi32>
      %max3A_422 = arith.constant 0 : i32
      %max3A_423 = vector.broadcast %max3A_422 : i32 to vector<16xi32>
      %max3A_424 = arith.maxsi %sub3A_421, %max3A_423 : vector<16xi32>
      %min3A_425 = arith.constant 255 : i32
      %min3A_426 = vector.broadcast %min3A_425 : i32 to vector<16xi32>
      %min3A_427 = arith.minsi %max3A_424, %min3A_426 : vector<16xi32>
      %gather3A_428 = tpu.vector_load_idx %arg6[%min3A_427, %add3A_134] : memref<256x128xf32, #tpu.memory_space<vmem>>[vector<16xi32>, vector<16xi32>], vector<16xf32>,
      %ge3A_429 = arith.constant 0 : i32
      %ge3A_430 = vector.broadcast %ge3A_429 : i32 to vector<16xi32>
      %ge3A_431 = arith.cmpi sge, %sub3A_421, %ge3A_430 : vector<16xi32>
      %lt3A_432 = arith.constant 256 : i32
      %lt3A_433 = vector.broadcast %lt3A_432 : i32 to vector<16xi32>
      %lt3A_434 = arith.cmpi slt, %sub3A_421, %lt3A_433 : vector<16xi32>
      %and3A_435 = arith.andi %ge3A_431, %lt3A_434 : vector<16xi1>
      %mul3A_436 = arith.constant 16 : i32
      %mul3A_437 = arith.muli %scan3A_130, %mul3A_436 : i32
      %get3A_438 = arith.constant 8 : i32
      %get3A_439 = arith.index_cast %get3A_438 : i32 to index
      %get3A_440 = arith.index_cast %mul3A_437 : i32 to index
      %get3A_441 = tpu.vector_load %arg8[%get3A_439, %get3A_440] {strides = array<i32>} : memref<10x128xf32, #tpu.memory_space<vmem>>, vector<16xf32>,
      %select_n3A_442 = arith.select %and3A_435, %gather3A_428, %get3A_441 : vector<16xi1>, vector<16xf32>
      %mul3A_443 = arith.constant 16 : i32
      %mul3A_444 = arith.muli %scan3A_130, %mul3A_443 : i32
      %swap3A_445 = arith.constant 8 : i32
      %swap3A_446 = arith.index_cast %swap3A_445 : i32 to index
      %swap3A_447 = arith.index_cast %mul3A_444 : i32 to index
      %swap3A_448 = tpu.vector_load %arg8[%swap3A_446, %swap3A_447] {strides = array<i32>} : memref<10x128xf32, #tpu.memory_space<vmem>>, vector<16xf32>,
      tpu.vector_store %arg8[%swap3A_446, %swap3A_447], %select_n3A_442 {strides = array<i32>} : memref<10x128xf32, #tpu.memory_space<vmem>>, vector<16xf32>,
      %mul3A_449 = arith.constant 16 : i32
      %mul3A_450 = arith.muli %scan3A_130, %mul3A_449 : i32
      %get3A_451 = arith.constant 9 : i32
      %get3A_452 = arith.index_cast %get3A_451 : i32 to index
      %get3A_453 = arith.index_cast %mul3A_450 : i32 to index
      %get3A_454 = tpu.vector_load %arg7[%get3A_452, %get3A_453] {strides = array<i32>} : memref<10x128xi32, #tpu.memory_space<vmem>>, vector<16xi32>,
      %sub3A_455 = arith.constant 640 : i32
      %sub3A_456 = vector.broadcast %sub3A_455 : i32 to vector<16xi32>
      %sub3A_457 = arith.subi %get3A_454, %sub3A_456 : vector<16xi32>
      %max3A_458 = arith.constant 0 : i32
      %max3A_459 = vector.broadcast %max3A_458 : i32 to vector<16xi32>
      %max3A_460 = arith.maxsi %sub3A_457, %max3A_459 : vector<16xi32>
      %min3A_461 = arith.constant 255 : i32
      %min3A_462 = vector.broadcast %min3A_461 : i32 to vector<16xi32>
      %min3A_463 = arith.minsi %max3A_460, %min3A_462 : vector<16xi32>
      %gather3A_464 = tpu.vector_load_idx %arg6[%min3A_463, %add3A_134] : memref<256x128xf32, #tpu.memory_space<vmem>>[vector<16xi32>, vector<16xi32>], vector<16xf32>,
      %ge3A_465 = arith.constant 0 : i32
      %ge3A_466 = vector.broadcast %ge3A_465 : i32 to vector<16xi32>
      %ge3A_467 = arith.cmpi sge, %sub3A_457, %ge3A_466 : vector<16xi32>
      %lt3A_468 = arith.constant 256 : i32
      %lt3A_469 = vector.broadcast %lt3A_468 : i32 to vector<16xi32>
      %lt3A_470 = arith.cmpi slt, %sub3A_457, %lt3A_469 : vector<16xi32>
      %and3A_471 = arith.andi %ge3A_467, %lt3A_470 : vector<16xi1>
      %mul3A_472 = arith.constant 16 : i32
      %mul3A_473 = arith.muli %scan3A_130, %mul3A_472 : i32
      %get3A_474 = arith.constant 9 : i32
      %get3A_475 = arith.index_cast %get3A_474 : i32 to index
      %get3A_476 = arith.index_cast %mul3A_473 : i32 to index
      %get3A_477 = tpu.vector_load %arg8[%get3A_475, %get3A_476] {strides = array<i32>} : memref<10x128xf32, #tpu.memory_space<vmem>>, vector<16xf32>,
      %select_n3A_478 = arith.select %and3A_471, %gather3A_464, %get3A_477 : vector<16xi1>, vector<16xf32>
      %mul3A_479 = arith.constant 16 : i32
      %mul3A_480 = arith.muli %scan3A_130, %mul3A_479 : i32
      %swap3A_481 = arith.constant 9 : i32
      %swap3A_482 = arith.index_cast %swap3A_481 : i32 to index
      %swap3A_483 = arith.index_cast %mul3A_480 : i32 to index
      %swap3A_484 = tpu.vector_load %arg8[%swap3A_482, %swap3A_483] {strides = array<i32>} : memref<10x128xf32, #tpu.memory_space<vmem>>, vector<16xf32>,
      tpu.vector_store %arg8[%swap3A_482, %swap3A_483], %select_n3A_478 {strides = array<i32>} : memref<10x128xf32, #tpu.memory_space<vmem>>, vector<16xf32>,
    }
    %scan3A_113 = arith.constant 8 : i32
    %dma_wait3A_114 = arith.constant 0 : i32
    %dma_wait3A_115 = arith.constant 0 : i32
    %dma_wait3A_116 = tpu.memref_slice %arg5[%dma_wait3A_114, %dma_wait3A_115] : memref<256x128xf32, #tpu.memory_space<vmem>> -> memref<104x128xf32, #tpu.memory_space<vmem>>
    %dma_wait3A_117 = arith.constant 896 : i32
    %dma_wait3A_118 = tpu.memref_slice %arg2[%dma_wait3A_117, %mul3A_2] : memref<1000x4096xf32, #tpu.memory_space<hbm>> -> memref<104x128xf32, #tpu.memory_space<hbm>>
    %dma_wait3A_119 = arith.constant 0 : i32
    %dma_wait3A_120 = arith.constant 0 : i32
    %dma_wait3A_121 = tpu.memref_slice %arg5[%dma_wait3A_119, %dma_wait3A_120] : memref<256x128xf32, #tpu.memory_space<vmem>> -> memref<104x128xf32, #tpu.memory_space<vmem>>
    %dma_wait3A_122 = arith.constant 896 : i32
    %dma_wait3A_123 = tpu.memref_slice %arg2[%dma_wait3A_122, %mul3A_2] : memref<1000x4096xf32, #tpu.memory_space<hbm>> -> memref<104x128xf32, #tpu.memory_space<hbm>>
    tpu.wait_dma2 semaphore(%arg9 : memref<!tpu.dma_semaphore, #tpu.memory_space<semaphore_mem>>) src(%dma_wait3A_123 : memref<104x128xf32, #tpu.memory_space<hbm>>) dst(%dma_wait3A_121 : memref<104x128xf32, #tpu.memory_space<vmem>>)
    %scan3A_124 = arith.constant 0 : i32
    %scan3A_125 = arith.constant 0 : i32
    %scan3A_126 = arith.constant 8 : i32
    %scan3A_127 = arith.addi %scan3A_125, %scan3A_126 : i32
    %scan3A_128 = arith.constant 1 : i32
    scf.for %scan3A_130 = %scan3A_125 to %scan3A_127 step %scan3A_128  : i32 {
      %mul3A_131 = arith.constant 16 : i32
      %mul3A_132 = arith.muli %scan3A_130, %mul3A_131 : i32
      %add3A_133 = vector.broadcast %mul3A_132 : i32 to vector<16xi32>
      %add3A_134 = arith.addi %add3A_133, %iota3A : vector<16xi32>
      %mul3A_135 = arith.constant 16 : i32
      %mul3A_136 = arith.muli %scan3A_130, %mul3A_135 : i32
      %get3A = arith.constant 0 : i32
      %get3A_137 = arith.index_cast %get3A : i32 to index
      %get3A_138 = arith.index_cast %mul3A_136 : i32 to index
      %get3A_139 = tpu.vector_load %arg7[%get3A_137, %get3A_138] {strides = array<i32>} : memref<10x128xi32, #tpu.memory_space<vmem>>, vector<16xi32>,
      %sub3A = arith.constant 896 : i32
      %sub3A_140 = vector.broadcast %sub3A : i32 to vector<16xi32>
      %sub3A_141 = arith.subi %get3A_139, %sub3A_140 : vector<16xi32>
      %max3A = arith.constant 0 : i32
      %max3A_142 = vector.broadcast %max3A : i32 to vector<16xi32>
      %max3A_143 = arith.maxsi %sub3A_141, %max3A_142 : vector<16xi32>
      %min3A = arith.constant 103 : i32
      %min3A_144 = vector.broadcast %min3A : i32 to vector<16xi32>
      %min3A_145 = arith.minsi %max3A_143, %min3A_144 : vector<16xi32>
      %gather3A = tpu.vector_load_idx %arg5[%min3A_145, %add3A_134] : memref<256x128xf32, #tpu.memory_space<vmem>>[vector<16xi32>, vector<16xi32>], vector<16xf32>,
      %ge3A = arith.constant 0 : i32
      %ge3A_146 = vector.broadcast %ge3A : i32 to vector<16xi32>
      %ge3A_147 = arith.cmpi sge, %sub3A_141, %ge3A_146 : vector<16xi32>
      %lt3A = arith.constant 104 : i32
      %lt3A_148 = vector.broadcast %lt3A : i32 to vector<16xi32>
      %lt3A_149 = arith.cmpi slt, %sub3A_141, %lt3A_148 : vector<16xi32>
      %and3A = arith.andi %ge3A_147, %lt3A_149 : vector<16xi1>
      %mul3A_150 = arith.constant 16 : i32
      %mul3A_151 = arith.muli %scan3A_130, %mul3A_150 : i32
      %get3A_152 = arith.constant 0 : i32
      %get3A_153 = arith.index_cast %get3A_152 : i32 to index
      %get3A_154 = arith.index_cast %mul3A_151 : i32 to index
      %get3A_155 = tpu.vector_load %arg8[%get3A_153, %get3A_154] {strides = array<i32>} : memref<10x128xf32, #tpu.memory_space<vmem>>, vector<16xf32>,
      %select_n3A = arith.select %and3A, %gather3A, %get3A_155 : vector<16xi1>, vector<16xf32>
      %mul3A_156 = arith.constant 16 : i32
      %mul3A_157 = arith.muli %scan3A_130, %mul3A_156 : i32
      %swap3A = arith.constant 0 : i32
      %swap3A_158 = arith.index_cast %swap3A : i32 to index
      %swap3A_159 = arith.index_cast %mul3A_157 : i32 to index
      %swap3A_160 = tpu.vector_load %arg8[%swap3A_158, %swap3A_159] {strides = array<i32>} : memref<10x128xf32, #tpu.memory_space<vmem>>, vector<16xf32>,
      tpu.vector_store %arg8[%swap3A_158, %swap3A_159], %select_n3A {strides = array<i32>} : memref<10x128xf32, #tpu.memory_space<vmem>>, vector<16xf32>,
      %mul3A_161 = arith.constant 16 : i32
      %mul3A_162 = arith.muli %scan3A_130, %mul3A_161 : i32
      %get3A_163 = arith.constant 1 : i32
      %get3A_164 = arith.index_cast %get3A_163 : i32 to index
      %get3A_165 = arith.index_cast %mul3A_162 : i32 to index
      %get3A_166 = tpu.vector_load %arg7[%get3A_164, %get3A_165] {strides = array<i32>} : memref<10x128xi32, #tpu.memory_space<vmem>>, vector<16xi32>,
      %sub3A_167 = arith.constant 896 : i32
      %sub3A_168 = vector.broadcast %sub3A_167 : i32 to vector<16xi32>
      %sub3A_169 = arith.subi %get3A_166, %sub3A_168 : vector<16xi32>
      %max3A_170 = arith.constant 0 : i32
      %max3A_171 = vector.broadcast %max3A_170 : i32 to vector<16xi32>
      %max3A_172 = arith.maxsi %sub3A_169, %max3A_171 : vector<16xi32>
      %min3A_173 = arith.constant 103 : i32
      %min3A_174 = vector.broadcast %min3A_173 : i32 to vector<16xi32>
      %min3A_175 = arith.minsi %max3A_172, %min3A_174 : vector<16xi32>
      %gather3A_176 = tpu.vector_load_idx %arg5[%min3A_175, %add3A_134] : memref<256x128xf32, #tpu.memory_space<vmem>>[vector<16xi32>, vector<16xi32>], vector<16xf32>,
      %ge3A_177 = arith.constant 0 : i32
      %ge3A_178 = vector.broadcast %ge3A_177 : i32 to vector<16xi32>
      %ge3A_179 = arith.cmpi sge, %sub3A_169, %ge3A_178 : vector<16xi32>
      %lt3A_180 = arith.constant 104 : i32
      %lt3A_181 = vector.broadcast %lt3A_180 : i32 to vector<16xi32>
      %lt3A_182 = arith.cmpi slt, %sub3A_169, %lt3A_181 : vector<16xi32>
      %and3A_183 = arith.andi %ge3A_179, %lt3A_182 : vector<16xi1>
      %mul3A_184 = arith.constant 16 : i32
      %mul3A_185 = arith.muli %scan3A_130, %mul3A_184 : i32
      %get3A_186 = arith.constant 1 : i32
      %get3A_187 = arith.index_cast %get3A_186 : i32 to index
      %get3A_188 = arith.index_cast %mul3A_185 : i32 to index
      %get3A_189 = tpu.vector_load %arg8[%get3A_187, %get3A_188] {strides = array<i32>} : memref<10x128xf32, #tpu.memory_space<vmem>>, vector<16xf32>,
      %select_n3A_190 = arith.select %and3A_183, %gather3A_176, %get3A_189 : vector<16xi1>, vector<16xf32>
      %mul3A_191 = arith.constant 16 : i32
      %mul3A_192 = arith.muli %scan3A_130, %mul3A_191 : i32
      %swap3A_193 = arith.constant 1 : i32
      %swap3A_194 = arith.index_cast %swap3A_193 : i32 to index
      %swap3A_195 = arith.index_cast %mul3A_192 : i32 to index
      %swap3A_196 = tpu.vector_load %arg8[%swap3A_194, %swap3A_195] {strides = array<i32>} : memref<10x128xf32, #tpu.memory_space<vmem>>, vector<16xf32>,
      tpu.vector_store %arg8[%swap3A_194, %swap3A_195], %select_n3A_190 {strides = array<i32>} : memref<10x128xf32, #tpu.memory_space<vmem>>, vector<16xf32>,
      %mul3A_197 = arith.constant 16 : i32
      %mul3A_198 = arith.muli %scan3A_130, %mul3A_197 : i32
      %get3A_199 = arith.constant 2 : i32
      %get3A_200 = arith.index_cast %get3A_199 : i32 to index
      %get3A_201 = arith.index_cast %mul3A_198 : i32 to index
      %get3A_202 = tpu.vector_load %arg7[%get3A_200, %get3A_201] {strides = array<i32>} : memref<10x128xi32, #tpu.memory_space<vmem>>, vector<16xi32>,
      %sub3A_203 = arith.constant 896 : i32
      %sub3A_204 = vector.broadcast %sub3A_203 : i32 to vector<16xi32>
      %sub3A_205 = arith.subi %get3A_202, %sub3A_204 : vector<16xi32>
      %max3A_206 = arith.constant 0 : i32
      %max3A_207 = vector.broadcast %max3A_206 : i32 to vector<16xi32>
      %max3A_208 = arith.maxsi %sub3A_205, %max3A_207 : vector<16xi32>
      %min3A_209 = arith.constant 103 : i32
      %min3A_210 = vector.broadcast %min3A_209 : i32 to vector<16xi32>
      %min3A_211 = arith.minsi %max3A_208, %min3A_210 : vector<16xi32>
      %gather3A_212 = tpu.vector_load_idx %arg5[%min3A_211, %add3A_134] : memref<256x128xf32, #tpu.memory_space<vmem>>[vector<16xi32>, vector<16xi32>], vector<16xf32>,
      %ge3A_213 = arith.constant 0 : i32
      %ge3A_214 = vector.broadcast %ge3A_213 : i32 to vector<16xi32>
      %ge3A_215 = arith.cmpi sge, %sub3A_205, %ge3A_214 : vector<16xi32>
      %lt3A_216 = arith.constant 104 : i32
      %lt3A_217 = vector.broadcast %lt3A_216 : i32 to vector<16xi32>
      %lt3A_218 = arith.cmpi slt, %sub3A_205, %lt3A_217 : vector<16xi32>
      %and3A_219 = arith.andi %ge3A_215, %lt3A_218 : vector<16xi1>
      %mul3A_220 = arith.constant 16 : i32
      %mul3A_221 = arith.muli %scan3A_130, %mul3A_220 : i32
      %get3A_222 = arith.constant 2 : i32
      %get3A_223 = arith.index_cast %get3A_222 : i32 to index
      %get3A_224 = arith.index_cast %mul3A_221 : i32 to index
      %get3A_225 = tpu.vector_load %arg8[%get3A_223, %get3A_224] {strides = array<i32>} : memref<10x128xf32, #tpu.memory_space<vmem>>, vector<16xf32>,
      %select_n3A_226 = arith.select %and3A_219, %gather3A_212, %get3A_225 : vector<16xi1>, vector<16xf32>
      %mul3A_227 = arith.constant 16 : i32
      %mul3A_228 = arith.muli %scan3A_130, %mul3A_227 : i32
      %swap3A_229 = arith.constant 2 : i32
      %swap3A_230 = arith.index_cast %swap3A_229 : i32 to index
      %swap3A_231 = arith.index_cast %mul3A_228 : i32 to index
      %swap3A_232 = tpu.vector_load %arg8[%swap3A_230, %swap3A_231] {strides = array<i32>} : memref<10x128xf32, #tpu.memory_space<vmem>>, vector<16xf32>,
      tpu.vector_store %arg8[%swap3A_230, %swap3A_231], %select_n3A_226 {strides = array<i32>} : memref<10x128xf32, #tpu.memory_space<vmem>>, vector<16xf32>,
      %mul3A_233 = arith.constant 16 : i32
      %mul3A_234 = arith.muli %scan3A_130, %mul3A_233 : i32
      %get3A_235 = arith.constant 3 : i32
      %get3A_236 = arith.index_cast %get3A_235 : i32 to index
      %get3A_237 = arith.index_cast %mul3A_234 : i32 to index
      %get3A_238 = tpu.vector_load %arg7[%get3A_236, %get3A_237] {strides = array<i32>} : memref<10x128xi32, #tpu.memory_space<vmem>>, vector<16xi32>,
      %sub3A_239 = arith.constant 896 : i32
      %sub3A_240 = vector.broadcast %sub3A_239 : i32 to vector<16xi32>
      %sub3A_241 = arith.subi %get3A_238, %sub3A_240 : vector<16xi32>
      %max3A_242 = arith.constant 0 : i32
      %max3A_243 = vector.broadcast %max3A_242 : i32 to vector<16xi32>
      %max3A_244 = arith.maxsi %sub3A_241, %max3A_243 : vector<16xi32>
      %min3A_245 = arith.constant 103 : i32
      %min3A_246 = vector.broadcast %min3A_245 : i32 to vector<16xi32>
      %min3A_247 = arith.minsi %max3A_244, %min3A_246 : vector<16xi32>
      %gather3A_248 = tpu.vector_load_idx %arg5[%min3A_247, %add3A_134] : memref<256x128xf32, #tpu.memory_space<vmem>>[vector<16xi32>, vector<16xi32>], vector<16xf32>,
      %ge3A_249 = arith.constant 0 : i32
      %ge3A_250 = vector.broadcast %ge3A_249 : i32 to vector<16xi32>
      %ge3A_251 = arith.cmpi sge, %sub3A_241, %ge3A_250 : vector<16xi32>
      %lt3A_252 = arith.constant 104 : i32
      %lt3A_253 = vector.broadcast %lt3A_252 : i32 to vector<16xi32>
      %lt3A_254 = arith.cmpi slt, %sub3A_241, %lt3A_253 : vector<16xi32>
      %and3A_255 = arith.andi %ge3A_251, %lt3A_254 : vector<16xi1>
      %mul3A_256 = arith.constant 16 : i32
      %mul3A_257 = arith.muli %scan3A_130, %mul3A_256 : i32
      %get3A_258 = arith.constant 3 : i32
      %get3A_259 = arith.index_cast %get3A_258 : i32 to index
      %get3A_260 = arith.index_cast %mul3A_257 : i32 to index
      %get3A_261 = tpu.vector_load %arg8[%get3A_259, %get3A_260] {strides = array<i32>} : memref<10x128xf32, #tpu.memory_space<vmem>>, vector<16xf32>,
      %select_n3A_262 = arith.select %and3A_255, %gather3A_248, %get3A_261 : vector<16xi1>, vector<16xf32>
      %mul3A_263 = arith.constant 16 : i32
      %mul3A_264 = arith.muli %scan3A_130, %mul3A_263 : i32
      %swap3A_265 = arith.constant 3 : i32
      %swap3A_266 = arith.index_cast %swap3A_265 : i32 to index
      %swap3A_267 = arith.index_cast %mul3A_264 : i32 to index
      %swap3A_268 = tpu.vector_load %arg8[%swap3A_266, %swap3A_267] {strides = array<i32>} : memref<10x128xf32, #tpu.memory_space<vmem>>, vector<16xf32>,
      tpu.vector_store %arg8[%swap3A_266, %swap3A_267], %select_n3A_262 {strides = array<i32>} : memref<10x128xf32, #tpu.memory_space<vmem>>, vector<16xf32>,
      %mul3A_269 = arith.constant 16 : i32
      %mul3A_270 = arith.muli %scan3A_130, %mul3A_269 : i32
      %get3A_271 = arith.constant 4 : i32
      %get3A_272 = arith.index_cast %get3A_271 : i32 to index
      %get3A_273 = arith.index_cast %mul3A_270 : i32 to index
      %get3A_274 = tpu.vector_load %arg7[%get3A_272, %get3A_273] {strides = array<i32>} : memref<10x128xi32, #tpu.memory_space<vmem>>, vector<16xi32>,
      %sub3A_275 = arith.constant 896 : i32
      %sub3A_276 = vector.broadcast %sub3A_275 : i32 to vector<16xi32>
      %sub3A_277 = arith.subi %get3A_274, %sub3A_276 : vector<16xi32>
      %max3A_278 = arith.constant 0 : i32
      %max3A_279 = vector.broadcast %max3A_278 : i32 to vector<16xi32>
      %max3A_280 = arith.maxsi %sub3A_277, %max3A_279 : vector<16xi32>
      %min3A_281 = arith.constant 103 : i32
      %min3A_282 = vector.broadcast %min3A_281 : i32 to vector<16xi32>
      %min3A_283 = arith.minsi %max3A_280, %min3A_282 : vector<16xi32>
      %gather3A_284 = tpu.vector_load_idx %arg5[%min3A_283, %add3A_134] : memref<256x128xf32, #tpu.memory_space<vmem>>[vector<16xi32>, vector<16xi32>], vector<16xf32>,
      %ge3A_285 = arith.constant 0 : i32
      %ge3A_286 = vector.broadcast %ge3A_285 : i32 to vector<16xi32>
      %ge3A_287 = arith.cmpi sge, %sub3A_277, %ge3A_286 : vector<16xi32>
      %lt3A_288 = arith.constant 104 : i32
      %lt3A_289 = vector.broadcast %lt3A_288 : i32 to vector<16xi32>
      %lt3A_290 = arith.cmpi slt, %sub3A_277, %lt3A_289 : vector<16xi32>
      %and3A_291 = arith.andi %ge3A_287, %lt3A_290 : vector<16xi1>
      %mul3A_292 = arith.constant 16 : i32
      %mul3A_293 = arith.muli %scan3A_130, %mul3A_292 : i32
      %get3A_294 = arith.constant 4 : i32
      %get3A_295 = arith.index_cast %get3A_294 : i32 to index
      %get3A_296 = arith.index_cast %mul3A_293 : i32 to index
      %get3A_297 = tpu.vector_load %arg8[%get3A_295, %get3A_296] {strides = array<i32>} : memref<10x128xf32, #tpu.memory_space<vmem>>, vector<16xf32>,
      %select_n3A_298 = arith.select %and3A_291, %gather3A_284, %get3A_297 : vector<16xi1>, vector<16xf32>
      %mul3A_299 = arith.constant 16 : i32
      %mul3A_300 = arith.muli %scan3A_130, %mul3A_299 : i32
      %swap3A_301 = arith.constant 4 : i32
      %swap3A_302 = arith.index_cast %swap3A_301 : i32 to index
      %swap3A_303 = arith.index_cast %mul3A_300 : i32 to index
      %swap3A_304 = tpu.vector_load %arg8[%swap3A_302, %swap3A_303] {strides = array<i32>} : memref<10x128xf32, #tpu.memory_space<vmem>>, vector<16xf32>,
      tpu.vector_store %arg8[%swap3A_302, %swap3A_303], %select_n3A_298 {strides = array<i32>} : memref<10x128xf32, #tpu.memory_space<vmem>>, vector<16xf32>,
      %mul3A_305 = arith.constant 16 : i32
      %mul3A_306 = arith.muli %scan3A_130, %mul3A_305 : i32
      %get3A_307 = arith.constant 5 : i32
      %get3A_308 = arith.index_cast %get3A_307 : i32 to index
      %get3A_309 = arith.index_cast %mul3A_306 : i32 to index
      %get3A_310 = tpu.vector_load %arg7[%get3A_308, %get3A_309] {strides = array<i32>} : memref<10x128xi32, #tpu.memory_space<vmem>>, vector<16xi32>,
      %sub3A_311 = arith.constant 896 : i32
      %sub3A_312 = vector.broadcast %sub3A_311 : i32 to vector<16xi32>
      %sub3A_313 = arith.subi %get3A_310, %sub3A_312 : vector<16xi32>
      %max3A_314 = arith.constant 0 : i32
      %max3A_315 = vector.broadcast %max3A_314 : i32 to vector<16xi32>
      %max3A_316 = arith.maxsi %sub3A_313, %max3A_315 : vector<16xi32>
      %min3A_317 = arith.constant 103 : i32
      %min3A_318 = vector.broadcast %min3A_317 : i32 to vector<16xi32>
      %min3A_319 = arith.minsi %max3A_316, %min3A_318 : vector<16xi32>
      %gather3A_320 = tpu.vector_load_idx %arg5[%min3A_319, %add3A_134] : memref<256x128xf32, #tpu.memory_space<vmem>>[vector<16xi32>, vector<16xi32>], vector<16xf32>,
      %ge3A_321 = arith.constant 0 : i32
      %ge3A_322 = vector.broadcast %ge3A_321 : i32 to vector<16xi32>
      %ge3A_323 = arith.cmpi sge, %sub3A_313, %ge3A_322 : vector<16xi32>
      %lt3A_324 = arith.constant 104 : i32
      %lt3A_325 = vector.broadcast %lt3A_324 : i32 to vector<16xi32>
      %lt3A_326 = arith.cmpi slt, %sub3A_313, %lt3A_325 : vector<16xi32>
      %and3A_327 = arith.andi %ge3A_323, %lt3A_326 : vector<16xi1>
      %mul3A_328 = arith.constant 16 : i32
      %mul3A_329 = arith.muli %scan3A_130, %mul3A_328 : i32
      %get3A_330 = arith.constant 5 : i32
      %get3A_331 = arith.index_cast %get3A_330 : i32 to index
      %get3A_332 = arith.index_cast %mul3A_329 : i32 to index
      %get3A_333 = tpu.vector_load %arg8[%get3A_331, %get3A_332] {strides = array<i32>} : memref<10x128xf32, #tpu.memory_space<vmem>>, vector<16xf32>,
      %select_n3A_334 = arith.select %and3A_327, %gather3A_320, %get3A_333 : vector<16xi1>, vector<16xf32>
      %mul3A_335 = arith.constant 16 : i32
      %mul3A_336 = arith.muli %scan3A_130, %mul3A_335 : i32
      %swap3A_337 = arith.constant 5 : i32
      %swap3A_338 = arith.index_cast %swap3A_337 : i32 to index
      %swap3A_339 = arith.index_cast %mul3A_336 : i32 to index
      %swap3A_340 = tpu.vector_load %arg8[%swap3A_338, %swap3A_339] {strides = array<i32>} : memref<10x128xf32, #tpu.memory_space<vmem>>, vector<16xf32>,
      tpu.vector_store %arg8[%swap3A_338, %swap3A_339], %select_n3A_334 {strides = array<i32>} : memref<10x128xf32, #tpu.memory_space<vmem>>, vector<16xf32>,
      %mul3A_341 = arith.constant 16 : i32
      %mul3A_342 = arith.muli %scan3A_130, %mul3A_341 : i32
      %get3A_343 = arith.constant 6 : i32
      %get3A_344 = arith.index_cast %get3A_343 : i32 to index
      %get3A_345 = arith.index_cast %mul3A_342 : i32 to index
      %get3A_346 = tpu.vector_load %arg7[%get3A_344, %get3A_345] {strides = array<i32>} : memref<10x128xi32, #tpu.memory_space<vmem>>, vector<16xi32>,
      %sub3A_347 = arith.constant 896 : i32
      %sub3A_348 = vector.broadcast %sub3A_347 : i32 to vector<16xi32>
      %sub3A_349 = arith.subi %get3A_346, %sub3A_348 : vector<16xi32>
      %max3A_350 = arith.constant 0 : i32
      %max3A_351 = vector.broadcast %max3A_350 : i32 to vector<16xi32>
      %max3A_352 = arith.maxsi %sub3A_349, %max3A_351 : vector<16xi32>
      %min3A_353 = arith.constant 103 : i32
      %min3A_354 = vector.broadcast %min3A_353 : i32 to vector<16xi32>
      %min3A_355 = arith.minsi %max3A_352, %min3A_354 : vector<16xi32>
      %gather3A_356 = tpu.vector_load_idx %arg5[%min3A_355, %add3A_134] : memref<256x128xf32, #tpu.memory_space<vmem>>[vector<16xi32>, vector<16xi32>], vector<16xf32>,
      %ge3A_357 = arith.constant 0 : i32
      %ge3A_358 = vector.broadcast %ge3A_357 : i32 to vector<16xi32>
      %ge3A_359 = arith.cmpi sge, %sub3A_349, %ge3A_358 : vector<16xi32>
      %lt3A_360 = arith.constant 104 : i32
      %lt3A_361 = vector.broadcast %lt3A_360 : i32 to vector<16xi32>
      %lt3A_362 = arith.cmpi slt, %sub3A_349, %lt3A_361 : vector<16xi32>
      %and3A_363 = arith.andi %ge3A_359, %lt3A_362 : vector<16xi1>
      %mul3A_364 = arith.constant 16 : i32
      %mul3A_365 = arith.muli %scan3A_130, %mul3A_364 : i32
      %get3A_366 = arith.constant 6 : i32
      %get3A_367 = arith.index_cast %get3A_366 : i32 to index
      %get3A_368 = arith.index_cast %mul3A_365 : i32 to index
      %get3A_369 = tpu.vector_load %arg8[%get3A_367, %get3A_368] {strides = array<i32>} : memref<10x128xf32, #tpu.memory_space<vmem>>, vector<16xf32>,
      %select_n3A_370 = arith.select %and3A_363, %gather3A_356, %get3A_369 : vector<16xi1>, vector<16xf32>
      %mul3A_371 = arith.constant 16 : i32
      %mul3A_372 = arith.muli %scan3A_130, %mul3A_371 : i32
      %swap3A_373 = arith.constant 6 : i32
      %swap3A_374 = arith.index_cast %swap3A_373 : i32 to index
      %swap3A_375 = arith.index_cast %mul3A_372 : i32 to index
      %swap3A_376 = tpu.vector_load %arg8[%swap3A_374, %swap3A_375] {strides = array<i32>} : memref<10x128xf32, #tpu.memory_space<vmem>>, vector<16xf32>,
      tpu.vector_store %arg8[%swap3A_374, %swap3A_375], %select_n3A_370 {strides = array<i32>} : memref<10x128xf32, #tpu.memory_space<vmem>>, vector<16xf32>,
      %mul3A_377 = arith.constant 16 : i32
      %mul3A_378 = arith.muli %scan3A_130, %mul3A_377 : i32
      %get3A_379 = arith.constant 7 : i32
      %get3A_380 = arith.index_cast %get3A_379 : i32 to index
      %get3A_381 = arith.index_cast %mul3A_378 : i32 to index
      %get3A_382 = tpu.vector_load %arg7[%get3A_380, %get3A_381] {strides = array<i32>} : memref<10x128xi32, #tpu.memory_space<vmem>>, vector<16xi32>,
      %sub3A_383 = arith.constant 896 : i32
      %sub3A_384 = vector.broadcast %sub3A_383 : i32 to vector<16xi32>
      %sub3A_385 = arith.subi %get3A_382, %sub3A_384 : vector<16xi32>
      %max3A_386 = arith.constant 0 : i32
      %max3A_387 = vector.broadcast %max3A_386 : i32 to vector<16xi32>
      %max3A_388 = arith.maxsi %sub3A_385, %max3A_387 : vector<16xi32>
      %min3A_389 = arith.constant 103 : i32
      %min3A_390 = vector.broadcast %min3A_389 : i32 to vector<16xi32>
      %min3A_391 = arith.minsi %max3A_388, %min3A_390 : vector<16xi32>
      %gather3A_392 = tpu.vector_load_idx %arg5[%min3A_391, %add3A_134] : memref<256x128xf32, #tpu.memory_space<vmem>>[vector<16xi32>, vector<16xi32>], vector<16xf32>,
      %ge3A_393 = arith.constant 0 : i32
      %ge3A_394 = vector.broadcast %ge3A_393 : i32 to vector<16xi32>
      %ge3A_395 = arith.cmpi sge, %sub3A_385, %ge3A_394 : vector<16xi32>
      %lt3A_396 = arith.constant 104 : i32
      %lt3A_397 = vector.broadcast %lt3A_396 : i32 to vector<16xi32>
      %lt3A_398 = arith.cmpi slt, %sub3A_385, %lt3A_397 : vector<16xi32>
      %and3A_399 = arith.andi %ge3A_395, %lt3A_398 : vector<16xi1>
      %mul3A_400 = arith.constant 16 : i32
      %mul3A_401 = arith.muli %scan3A_130, %mul3A_400 : i32
      %get3A_402 = arith.constant 7 : i32
      %get3A_403 = arith.index_cast %get3A_402 : i32 to index
      %get3A_404 = arith.index_cast %mul3A_401 : i32 to index
      %get3A_405 = tpu.vector_load %arg8[%get3A_403, %get3A_404] {strides = array<i32>} : memref<10x128xf32, #tpu.memory_space<vmem>>, vector<16xf32>,
      %select_n3A_406 = arith.select %and3A_399, %gather3A_392, %get3A_405 : vector<16xi1>, vector<16xf32>
      %mul3A_407 = arith.constant 16 : i32
      %mul3A_408 = arith.muli %scan3A_130, %mul3A_407 : i32
      %swap3A_409 = arith.constant 7 : i32
      %swap3A_410 = arith.index_cast %swap3A_409 : i32 to index
      %swap3A_411 = arith.index_cast %mul3A_408 : i32 to index
      %swap3A_412 = tpu.vector_load %arg8[%swap3A_410, %swap3A_411] {strides = array<i32>} : memref<10x128xf32, #tpu.memory_space<vmem>>, vector<16xf32>,
      tpu.vector_store %arg8[%swap3A_410, %swap3A_411], %select_n3A_406 {strides = array<i32>} : memref<10x128xf32, #tpu.memory_space<vmem>>, vector<16xf32>,
      %mul3A_413 = arith.constant 16 : i32
      %mul3A_414 = arith.muli %scan3A_130, %mul3A_413 : i32
      %get3A_415 = arith.constant 8 : i32
      %get3A_416 = arith.index_cast %get3A_415 : i32 to index
      %get3A_417 = arith.index_cast %mul3A_414 : i32 to index
      %get3A_418 = tpu.vector_load %arg7[%get3A_416, %get3A_417] {strides = array<i32>} : memref<10x128xi32, #tpu.memory_space<vmem>>, vector<16xi32>,
      %sub3A_419 = arith.constant 896 : i32
      %sub3A_420 = vector.broadcast %sub3A_419 : i32 to vector<16xi32>
      %sub3A_421 = arith.subi %get3A_418, %sub3A_420 : vector<16xi32>
      %max3A_422 = arith.constant 0 : i32
      %max3A_423 = vector.broadcast %max3A_422 : i32 to vector<16xi32>
      %max3A_424 = arith.maxsi %sub3A_421, %max3A_423 : vector<16xi32>
      %min3A_425 = arith.constant 103 : i32
      %min3A_426 = vector.broadcast %min3A_425 : i32 to vector<16xi32>
      %min3A_427 = arith.minsi %max3A_424, %min3A_426 : vector<16xi32>
      %gather3A_428 = tpu.vector_load_idx %arg5[%min3A_427, %add3A_134] : memref<256x128xf32, #tpu.memory_space<vmem>>[vector<16xi32>, vector<16xi32>], vector<16xf32>,
      %ge3A_429 = arith.constant 0 : i32
      %ge3A_430 = vector.broadcast %ge3A_429 : i32 to vector<16xi32>
      %ge3A_431 = arith.cmpi sge, %sub3A_421, %ge3A_430 : vector<16xi32>
      %lt3A_432 = arith.constant 104 : i32
      %lt3A_433 = vector.broadcast %lt3A_432 : i32 to vector<16xi32>
      %lt3A_434 = arith.cmpi slt, %sub3A_421, %lt3A_433 : vector<16xi32>
      %and3A_435 = arith.andi %ge3A_431, %lt3A_434 : vector<16xi1>
      %mul3A_436 = arith.constant 16 : i32
      %mul3A_437 = arith.muli %scan3A_130, %mul3A_436 : i32
      %get3A_438 = arith.constant 8 : i32
      %get3A_439 = arith.index_cast %get3A_438 : i32 to index
      %get3A_440 = arith.index_cast %mul3A_437 : i32 to index
      %get3A_441 = tpu.vector_load %arg8[%get3A_439, %get3A_440] {strides = array<i32>} : memref<10x128xf32, #tpu.memory_space<vmem>>, vector<16xf32>,
      %select_n3A_442 = arith.select %and3A_435, %gather3A_428, %get3A_441 : vector<16xi1>, vector<16xf32>
      %mul3A_443 = arith.constant 16 : i32
      %mul3A_444 = arith.muli %scan3A_130, %mul3A_443 : i32
      %swap3A_445 = arith.constant 8 : i32
      %swap3A_446 = arith.index_cast %swap3A_445 : i32 to index
      %swap3A_447 = arith.index_cast %mul3A_444 : i32 to index
      %swap3A_448 = tpu.vector_load %arg8[%swap3A_446, %swap3A_447] {strides = array<i32>} : memref<10x128xf32, #tpu.memory_space<vmem>>, vector<16xf32>,
      tpu.vector_store %arg8[%swap3A_446, %swap3A_447], %select_n3A_442 {strides = array<i32>} : memref<10x128xf32, #tpu.memory_space<vmem>>, vector<16xf32>,
      %mul3A_449 = arith.constant 16 : i32
      %mul3A_450 = arith.muli %scan3A_130, %mul3A_449 : i32
      %get3A_451 = arith.constant 9 : i32
      %get3A_452 = arith.index_cast %get3A_451 : i32 to index
      %get3A_453 = arith.index_cast %mul3A_450 : i32 to index
      %get3A_454 = tpu.vector_load %arg7[%get3A_452, %get3A_453] {strides = array<i32>} : memref<10x128xi32, #tpu.memory_space<vmem>>, vector<16xi32>,
      %sub3A_455 = arith.constant 896 : i32
      %sub3A_456 = vector.broadcast %sub3A_455 : i32 to vector<16xi32>
      %sub3A_457 = arith.subi %get3A_454, %sub3A_456 : vector<16xi32>
      %max3A_458 = arith.constant 0 : i32
      %max3A_459 = vector.broadcast %max3A_458 : i32 to vector<16xi32>
      %max3A_460 = arith.maxsi %sub3A_457, %max3A_459 : vector<16xi32>
      %min3A_461 = arith.constant 103 : i32
      %min3A_462 = vector.broadcast %min3A_461 : i32 to vector<16xi32>
      %min3A_463 = arith.minsi %max3A_460, %min3A_462 : vector<16xi32>
      %gather3A_464 = tpu.vector_load_idx %arg5[%min3A_463, %add3A_134] : memref<256x128xf32, #tpu.memory_space<vmem>>[vector<16xi32>, vector<16xi32>], vector<16xf32>,
      %ge3A_465 = arith.constant 0 : i32
      %ge3A_466 = vector.broadcast %ge3A_465 : i32 to vector<16xi32>
      %ge3A_467 = arith.cmpi sge, %sub3A_457, %ge3A_466 : vector<16xi32>
      %lt3A_468 = arith.constant 104 : i32
      %lt3A_469 = vector.broadcast %lt3A_468 : i32 to vector<16xi32>
      %lt3A_470 = arith.cmpi slt, %sub3A_457, %lt3A_469 : vector<16xi32>
      %and3A_471 = arith.andi %ge3A_467, %lt3A_470 : vector<16xi1>
      %mul3A_472 = arith.constant 16 : i32
      %mul3A_473 = arith.muli %scan3A_130, %mul3A_472 : i32
      %get3A_474 = arith.constant 9 : i32
      %get3A_475 = arith.index_cast %get3A_474 : i32 to index
      %get3A_476 = arith.index_cast %mul3A_473 : i32 to index
      %get3A_477 = tpu.vector_load %arg8[%get3A_475, %get3A_476] {strides = array<i32>} : memref<10x128xf32, #tpu.memory_space<vmem>>, vector<16xf32>,
      %select_n3A_478 = arith.select %and3A_471, %gather3A_464, %get3A_477 : vector<16xi1>, vector<16xf32>
      %mul3A_479 = arith.constant 16 : i32
      %mul3A_480 = arith.muli %scan3A_130, %mul3A_479 : i32
      %swap3A_481 = arith.constant 9 : i32
      %swap3A_482 = arith.index_cast %swap3A_481 : i32 to index
      %swap3A_483 = arith.index_cast %mul3A_480 : i32 to index
      %swap3A_484 = tpu.vector_load %arg8[%swap3A_482, %swap3A_483] {strides = array<i32>} : memref<10x128xf32, #tpu.memory_space<vmem>>, vector<16xf32>,
      tpu.vector_store %arg8[%swap3A_482, %swap3A_483], %select_n3A_478 {strides = array<i32>} : memref<10x128xf32, #tpu.memory_space<vmem>>, vector<16xf32>,
    }
    %scan3A_129 = arith.constant 8 : i32
    "tpu.region"() ({
      %run_scoped3A = tpu.sem_alloc : memref<!tpu.dma_semaphore, #tpu.memory_space<semaphore_mem>>
      %dma_start3A_130 = arith.constant 0 : i32
      %dma_start3A_131 = tpu.memref_slice %arg4[%dma_start3A_130, %mul3A_2] : memref<10x4096xf32, #tpu.memory_space<hbm>> -> memref<10x128xf32, #tpu.memory_space<hbm>>
      %dma_start3A_132 = arith.constant 0 : i32
      %dma_start3A_133 = tpu.memref_slice %arg4[%dma_start3A_132, %mul3A_2] : memref<10x4096xf32, #tpu.memory_space<hbm>> -> memref<10x128xf32, #tpu.memory_space<hbm>>
      tpu.enqueue_dma source(%arg8 : memref<10x128xf32, #tpu.memory_space<vmem>>) target(%dma_start3A_133 : memref<10x128xf32, #tpu.memory_space<hbm>>) target_semaphore(%run_scoped3A : memref<!tpu.dma_semaphore, #tpu.memory_space<semaphore_mem>>)
      %dma_wait3A_134 = arith.constant 0 : i32
      %dma_wait3A_135 = tpu.memref_slice %arg4[%dma_wait3A_134, %mul3A_2] : memref<10x4096xf32, #tpu.memory_space<hbm>> -> memref<10x128xf32, #tpu.memory_space<hbm>>
      %dma_wait3A_136 = arith.constant 0 : i32
      %dma_wait3A_137 = tpu.memref_slice %arg4[%dma_wait3A_136, %mul3A_2] : memref<10x4096xf32, #tpu.memory_space<hbm>> -> memref<10x128xf32, #tpu.memory_space<hbm>>
      tpu.wait_dma2 semaphore(%run_scoped3A : memref<!tpu.dma_semaphore, #tpu.memory_space<semaphore_mem>>) src(%arg8 : memref<10x128xf32, #tpu.memory_space<vmem>>) dst(%dma_wait3A_137 : memref<10x128xf32, #tpu.memory_space<hbm>>)
      tpu.yield
    }) : () -> ()
    return
  }
}

module attributes {stable_mosaic.version = 14 : i64} {
  func.func @_combine_kernel(%arg0: memref<10x4096xf32, #tpu.memory_space<vmem>>, %arg1: memref<10x4096xi32, #tpu.memory_space<vmem>>, %arg2: memref<1x4096xf32, #tpu.memory_space<vmem>>, %arg3: memref<1x1xf32, #tpu.memory_space<vmem>>) attributes {dimension_semantics = [], scalar_prefetch = 0 : i64, scratch_operands = 0 : i64, tpu.core_type = #tpu.core_type<tc>} {
    %get3A = arith.constant 0 : index
    %get3A_0 = arith.constant 0 : index
    %get3A_1 = vector.load %arg0[%get3A, %get3A_0] : memref<10x4096xf32, #tpu.memory_space<vmem>>, vector<10x4096xf32>
    %get3A_2 = arith.constant 0 : index
    %get3A_3 = arith.constant 0 : index
    %get3A_4 = vector.load %arg2[%get3A_2, %get3A_3] : memref<1x4096xf32, #tpu.memory_space<vmem>>, vector<1x4096xf32>
    %sub3A = vector.broadcast %get3A_4 : vector<1x4096xf32> to vector<10x4096xf32>
    %sub3A_5 = arith.subf %get3A_1, %sub3A : vector<10x4096xf32>
    %exp3A = math.exp %sub3A_5 : vector<10x4096xf32>
    %get3A_6 = arith.constant 0 : index
    %get3A_7 = arith.constant 0 : index
    %get3A_8 = vector.load %arg1[%get3A_6, %get3A_7] : memref<10x4096xi32, #tpu.memory_space<vmem>>, vector<10x4096xi32>
    %slice3A = vector.extract_strided_slice %exp3A {offsets = [0, 0], sizes = [1, 4096], strides = [1, 1]} : vector<10x4096xf32> to vector<1x4096xf32>
    %slice3A_9 = vector.extract_strided_slice %get3A_8 {offsets = [1, 0], sizes = [1, 4096], strides = [1, 1]} : vector<10x4096xi32> to vector<1x4096xi32>
    %slice3A_10 = vector.extract_strided_slice %get3A_8 {offsets = [0, 0], sizes = [1, 4096], strides = [1, 1]} : vector<10x4096xi32> to vector<1x4096xi32>
    %eq3A = arith.cmpi eq, %slice3A_9, %slice3A_10 : vector<1x4096xi32>
    %slice3A_11 = vector.extract_strided_slice %exp3A {offsets = [1, 0], sizes = [1, 4096], strides = [1, 1]} : vector<10x4096xf32> to vector<1x4096xf32>
    %jit3A = arith.constant 0.000000e+00 : f32
    %broadcast_in_dim3A = vector.broadcast %jit3A : f32 to vector<1x4096xf32>
    %select_n3A = arith.select %eq3A, %broadcast_in_dim3A, %slice3A_11 : vector<1x4096xi1>, vector<1x4096xf32>
    %add3A = arith.addf %slice3A, %select_n3A : vector<1x4096xf32>
    %slice3A_12 = vector.extract_strided_slice %get3A_8 {offsets = [2, 0], sizes = [1, 4096], strides = [1, 1]} : vector<10x4096xi32> to vector<1x4096xi32>
    %slice3A_13 = vector.extract_strided_slice %get3A_8 {offsets = [0, 0], sizes = [1, 4096], strides = [1, 1]} : vector<10x4096xi32> to vector<1x4096xi32>
    %eq3A_14 = arith.cmpi eq, %slice3A_12, %slice3A_13 : vector<1x4096xi32>
    %slice3A_15 = vector.extract_strided_slice %get3A_8 {offsets = [2, 0], sizes = [1, 4096], strides = [1, 1]} : vector<10x4096xi32> to vector<1x4096xi32>
    %slice3A_16 = vector.extract_strided_slice %get3A_8 {offsets = [1, 0], sizes = [1, 4096], strides = [1, 1]} : vector<10x4096xi32> to vector<1x4096xi32>
    %eq3A_17 = arith.cmpi eq, %slice3A_15, %slice3A_16 : vector<1x4096xi32>
    %or3A = arith.ori %eq3A_14, %eq3A_17 : vector<1x4096xi1>
    %slice3A_18 = vector.extract_strided_slice %exp3A {offsets = [2, 0], sizes = [1, 4096], strides = [1, 1]} : vector<10x4096xf32> to vector<1x4096xf32>
    %jit3A_19 = arith.constant 0.000000e+00 : f32
    %broadcast_in_dim3A_20 = vector.broadcast %jit3A_19 : f32 to vector<1x4096xf32>
    %select_n3A_21 = arith.select %or3A, %broadcast_in_dim3A_20, %slice3A_18 : vector<1x4096xi1>, vector<1x4096xf32>
    %add3A_22 = arith.addf %add3A, %select_n3A_21 : vector<1x4096xf32>
    %slice3A_23 = vector.extract_strided_slice %get3A_8 {offsets = [3, 0], sizes = [1, 4096], strides = [1, 1]} : vector<10x4096xi32> to vector<1x4096xi32>
    %slice3A_24 = vector.extract_strided_slice %get3A_8 {offsets = [0, 0], sizes = [1, 4096], strides = [1, 1]} : vector<10x4096xi32> to vector<1x4096xi32>
    %eq3A_25 = arith.cmpi eq, %slice3A_23, %slice3A_24 : vector<1x4096xi32>
    %slice3A_26 = vector.extract_strided_slice %get3A_8 {offsets = [3, 0], sizes = [1, 4096], strides = [1, 1]} : vector<10x4096xi32> to vector<1x4096xi32>
    %slice3A_27 = vector.extract_strided_slice %get3A_8 {offsets = [1, 0], sizes = [1, 4096], strides = [1, 1]} : vector<10x4096xi32> to vector<1x4096xi32>
    %eq3A_28 = arith.cmpi eq, %slice3A_26, %slice3A_27 : vector<1x4096xi32>
    %or3A_29 = arith.ori %eq3A_25, %eq3A_28 : vector<1x4096xi1>
    %slice3A_30 = vector.extract_strided_slice %get3A_8 {offsets = [3, 0], sizes = [1, 4096], strides = [1, 1]} : vector<10x4096xi32> to vector<1x4096xi32>
    %slice3A_31 = vector.extract_strided_slice %get3A_8 {offsets = [2, 0], sizes = [1, 4096], strides = [1, 1]} : vector<10x4096xi32> to vector<1x4096xi32>
    %eq3A_32 = arith.cmpi eq, %slice3A_30, %slice3A_31 : vector<1x4096xi32>
    %or3A_33 = arith.ori %or3A_29, %eq3A_32 : vector<1x4096xi1>
    %slice3A_34 = vector.extract_strided_slice %exp3A {offsets = [3, 0], sizes = [1, 4096], strides = [1, 1]} : vector<10x4096xf32> to vector<1x4096xf32>
    %jit3A_35 = arith.constant 0.000000e+00 : f32
    %broadcast_in_dim3A_36 = vector.broadcast %jit3A_35 : f32 to vector<1x4096xf32>
    %select_n3A_37 = arith.select %or3A_33, %broadcast_in_dim3A_36, %slice3A_34 : vector<1x4096xi1>, vector<1x4096xf32>
    %add3A_38 = arith.addf %add3A_22, %select_n3A_37 : vector<1x4096xf32>
    %slice3A_39 = vector.extract_strided_slice %get3A_8 {offsets = [4, 0], sizes = [1, 4096], strides = [1, 1]} : vector<10x4096xi32> to vector<1x4096xi32>
    %slice3A_40 = vector.extract_strided_slice %get3A_8 {offsets = [0, 0], sizes = [1, 4096], strides = [1, 1]} : vector<10x4096xi32> to vector<1x4096xi32>
    %eq3A_41 = arith.cmpi eq, %slice3A_39, %slice3A_40 : vector<1x4096xi32>
    %slice3A_42 = vector.extract_strided_slice %get3A_8 {offsets = [4, 0], sizes = [1, 4096], strides = [1, 1]} : vector<10x4096xi32> to vector<1x4096xi32>
    %slice3A_43 = vector.extract_strided_slice %get3A_8 {offsets = [1, 0], sizes = [1, 4096], strides = [1, 1]} : vector<10x4096xi32> to vector<1x4096xi32>
    %eq3A_44 = arith.cmpi eq, %slice3A_42, %slice3A_43 : vector<1x4096xi32>
    %or3A_45 = arith.ori %eq3A_41, %eq3A_44 : vector<1x4096xi1>
    %slice3A_46 = vector.extract_strided_slice %get3A_8 {offsets = [4, 0], sizes = [1, 4096], strides = [1, 1]} : vector<10x4096xi32> to vector<1x4096xi32>
    %slice3A_47 = vector.extract_strided_slice %get3A_8 {offsets = [2, 0], sizes = [1, 4096], strides = [1, 1]} : vector<10x4096xi32> to vector<1x4096xi32>
    %eq3A_48 = arith.cmpi eq, %slice3A_46, %slice3A_47 : vector<1x4096xi32>
    %or3A_49 = arith.ori %or3A_45, %eq3A_48 : vector<1x4096xi1>
    %slice3A_50 = vector.extract_strided_slice %get3A_8 {offsets = [4, 0], sizes = [1, 4096], strides = [1, 1]} : vector<10x4096xi32> to vector<1x4096xi32>
    %slice3A_51 = vector.extract_strided_slice %get3A_8 {offsets = [3, 0], sizes = [1, 4096], strides = [1, 1]} : vector<10x4096xi32> to vector<1x4096xi32>
    %eq3A_52 = arith.cmpi eq, %slice3A_50, %slice3A_51 : vector<1x4096xi32>
    %or3A_53 = arith.ori %or3A_49, %eq3A_52 : vector<1x4096xi1>
    %slice3A_54 = vector.extract_strided_slice %exp3A {offsets = [4, 0], sizes = [1, 4096], strides = [1, 1]} : vector<10x4096xf32> to vector<1x4096xf32>
    %jit3A_55 = arith.constant 0.000000e+00 : f32
    %broadcast_in_dim3A_56 = vector.broadcast %jit3A_55 : f32 to vector<1x4096xf32>
    %select_n3A_57 = arith.select %or3A_53, %broadcast_in_dim3A_56, %slice3A_54 : vector<1x4096xi1>, vector<1x4096xf32>
    %add3A_58 = arith.addf %add3A_38, %select_n3A_57 : vector<1x4096xf32>
    %slice3A_59 = vector.extract_strided_slice %get3A_8 {offsets = [5, 0], sizes = [1, 4096], strides = [1, 1]} : vector<10x4096xi32> to vector<1x4096xi32>
    %slice3A_60 = vector.extract_strided_slice %get3A_8 {offsets = [0, 0], sizes = [1, 4096], strides = [1, 1]} : vector<10x4096xi32> to vector<1x4096xi32>
    %eq3A_61 = arith.cmpi eq, %slice3A_59, %slice3A_60 : vector<1x4096xi32>
    %slice3A_62 = vector.extract_strided_slice %get3A_8 {offsets = [5, 0], sizes = [1, 4096], strides = [1, 1]} : vector<10x4096xi32> to vector<1x4096xi32>
    %slice3A_63 = vector.extract_strided_slice %get3A_8 {offsets = [1, 0], sizes = [1, 4096], strides = [1, 1]} : vector<10x4096xi32> to vector<1x4096xi32>
    %eq3A_64 = arith.cmpi eq, %slice3A_62, %slice3A_63 : vector<1x4096xi32>
    %or3A_65 = arith.ori %eq3A_61, %eq3A_64 : vector<1x4096xi1>
    %slice3A_66 = vector.extract_strided_slice %get3A_8 {offsets = [5, 0], sizes = [1, 4096], strides = [1, 1]} : vector<10x4096xi32> to vector<1x4096xi32>
    %slice3A_67 = vector.extract_strided_slice %get3A_8 {offsets = [2, 0], sizes = [1, 4096], strides = [1, 1]} : vector<10x4096xi32> to vector<1x4096xi32>
    %eq3A_68 = arith.cmpi eq, %slice3A_66, %slice3A_67 : vector<1x4096xi32>
    %or3A_69 = arith.ori %or3A_65, %eq3A_68 : vector<1x4096xi1>
    %slice3A_70 = vector.extract_strided_slice %get3A_8 {offsets = [5, 0], sizes = [1, 4096], strides = [1, 1]} : vector<10x4096xi32> to vector<1x4096xi32>
    %slice3A_71 = vector.extract_strided_slice %get3A_8 {offsets = [3, 0], sizes = [1, 4096], strides = [1, 1]} : vector<10x4096xi32> to vector<1x4096xi32>
    %eq3A_72 = arith.cmpi eq, %slice3A_70, %slice3A_71 : vector<1x4096xi32>
    %or3A_73 = arith.ori %or3A_69, %eq3A_72 : vector<1x4096xi1>
    %slice3A_74 = vector.extract_strided_slice %get3A_8 {offsets = [5, 0], sizes = [1, 4096], strides = [1, 1]} : vector<10x4096xi32> to vector<1x4096xi32>
    %slice3A_75 = vector.extract_strided_slice %get3A_8 {offsets = [4, 0], sizes = [1, 4096], strides = [1, 1]} : vector<10x4096xi32> to vector<1x4096xi32>
    %eq3A_76 = arith.cmpi eq, %slice3A_74, %slice3A_75 : vector<1x4096xi32>
    %or3A_77 = arith.ori %or3A_73, %eq3A_76 : vector<1x4096xi1>
    %slice3A_78 = vector.extract_strided_slice %exp3A {offsets = [5, 0], sizes = [1, 4096], strides = [1, 1]} : vector<10x4096xf32> to vector<1x4096xf32>
    %jit3A_79 = arith.constant 0.000000e+00 : f32
    %broadcast_in_dim3A_80 = vector.broadcast %jit3A_79 : f32 to vector<1x4096xf32>
    %select_n3A_81 = arith.select %or3A_77, %broadcast_in_dim3A_80, %slice3A_78 : vector<1x4096xi1>, vector<1x4096xf32>
    %add3A_82 = arith.addf %add3A_58, %select_n3A_81 : vector<1x4096xf32>
    %slice3A_83 = vector.extract_strided_slice %get3A_8 {offsets = [6, 0], sizes = [1, 4096], strides = [1, 1]} : vector<10x4096xi32> to vector<1x4096xi32>
    %slice3A_84 = vector.extract_strided_slice %get3A_8 {offsets = [0, 0], sizes = [1, 4096], strides = [1, 1]} : vector<10x4096xi32> to vector<1x4096xi32>
    %eq3A_85 = arith.cmpi eq, %slice3A_83, %slice3A_84 : vector<1x4096xi32>
    %slice3A_86 = vector.extract_strided_slice %get3A_8 {offsets = [6, 0], sizes = [1, 4096], strides = [1, 1]} : vector<10x4096xi32> to vector<1x4096xi32>
    %slice3A_87 = vector.extract_strided_slice %get3A_8 {offsets = [1, 0], sizes = [1, 4096], strides = [1, 1]} : vector<10x4096xi32> to vector<1x4096xi32>
    %eq3A_88 = arith.cmpi eq, %slice3A_86, %slice3A_87 : vector<1x4096xi32>
    %or3A_89 = arith.ori %eq3A_85, %eq3A_88 : vector<1x4096xi1>
    %slice3A_90 = vector.extract_strided_slice %get3A_8 {offsets = [6, 0], sizes = [1, 4096], strides = [1, 1]} : vector<10x4096xi32> to vector<1x4096xi32>
    %slice3A_91 = vector.extract_strided_slice %get3A_8 {offsets = [2, 0], sizes = [1, 4096], strides = [1, 1]} : vector<10x4096xi32> to vector<1x4096xi32>
    %eq3A_92 = arith.cmpi eq, %slice3A_90, %slice3A_91 : vector<1x4096xi32>
    %or3A_93 = arith.ori %or3A_89, %eq3A_92 : vector<1x4096xi1>
    %slice3A_94 = vector.extract_strided_slice %get3A_8 {offsets = [6, 0], sizes = [1, 4096], strides = [1, 1]} : vector<10x4096xi32> to vector<1x4096xi32>
    %slice3A_95 = vector.extract_strided_slice %get3A_8 {offsets = [3, 0], sizes = [1, 4096], strides = [1, 1]} : vector<10x4096xi32> to vector<1x4096xi32>
    %eq3A_96 = arith.cmpi eq, %slice3A_94, %slice3A_95 : vector<1x4096xi32>
    %or3A_97 = arith.ori %or3A_93, %eq3A_96 : vector<1x4096xi1>
    %slice3A_98 = vector.extract_strided_slice %get3A_8 {offsets = [6, 0], sizes = [1, 4096], strides = [1, 1]} : vector<10x4096xi32> to vector<1x4096xi32>
    %slice3A_99 = vector.extract_strided_slice %get3A_8 {offsets = [4, 0], sizes = [1, 4096], strides = [1, 1]} : vector<10x4096xi32> to vector<1x4096xi32>
    %eq3A_100 = arith.cmpi eq, %slice3A_98, %slice3A_99 : vector<1x4096xi32>
    %or3A_101 = arith.ori %or3A_97, %eq3A_100 : vector<1x4096xi1>
    %slice3A_102 = vector.extract_strided_slice %get3A_8 {offsets = [6, 0], sizes = [1, 4096], strides = [1, 1]} : vector<10x4096xi32> to vector<1x4096xi32>
    %slice3A_103 = vector.extract_strided_slice %get3A_8 {offsets = [5, 0], sizes = [1, 4096], strides = [1, 1]} : vector<10x4096xi32> to vector<1x4096xi32>
    %eq3A_104 = arith.cmpi eq, %slice3A_102, %slice3A_103 : vector<1x4096xi32>
    %or3A_105 = arith.ori %or3A_101, %eq3A_104 : vector<1x4096xi1>
    %slice3A_106 = vector.extract_strided_slice %exp3A {offsets = [6, 0], sizes = [1, 4096], strides = [1, 1]} : vector<10x4096xf32> to vector<1x4096xf32>
    %jit3A_107 = arith.constant 0.000000e+00 : f32
    %broadcast_in_dim3A_108 = vector.broadcast %jit3A_107 : f32 to vector<1x4096xf32>
    %select_n3A_109 = arith.select %or3A_105, %broadcast_in_dim3A_108, %slice3A_106 : vector<1x4096xi1>, vector<1x4096xf32>
    %add3A_110 = arith.addf %add3A_82, %select_n3A_109 : vector<1x4096xf32>
    %slice3A_111 = vector.extract_strided_slice %get3A_8 {offsets = [7, 0], sizes = [1, 4096], strides = [1, 1]} : vector<10x4096xi32> to vector<1x4096xi32>
    %slice3A_112 = vector.extract_strided_slice %get3A_8 {offsets = [0, 0], sizes = [1, 4096], strides = [1, 1]} : vector<10x4096xi32> to vector<1x4096xi32>
    %eq3A_113 = arith.cmpi eq, %slice3A_111, %slice3A_112 : vector<1x4096xi32>
    %slice3A_114 = vector.extract_strided_slice %get3A_8 {offsets = [7, 0], sizes = [1, 4096], strides = [1, 1]} : vector<10x4096xi32> to vector<1x4096xi32>
    %slice3A_115 = vector.extract_strided_slice %get3A_8 {offsets = [1, 0], sizes = [1, 4096], strides = [1, 1]} : vector<10x4096xi32> to vector<1x4096xi32>
    %eq3A_116 = arith.cmpi eq, %slice3A_114, %slice3A_115 : vector<1x4096xi32>
    %or3A_117 = arith.ori %eq3A_113, %eq3A_116 : vector<1x4096xi1>
    %slice3A_118 = vector.extract_strided_slice %get3A_8 {offsets = [7, 0], sizes = [1, 4096], strides = [1, 1]} : vector<10x4096xi32> to vector<1x4096xi32>
    %slice3A_119 = vector.extract_strided_slice %get3A_8 {offsets = [2, 0], sizes = [1, 4096], strides = [1, 1]} : vector<10x4096xi32> to vector<1x4096xi32>
    %eq3A_120 = arith.cmpi eq, %slice3A_118, %slice3A_119 : vector<1x4096xi32>
    %or3A_121 = arith.ori %or3A_117, %eq3A_120 : vector<1x4096xi1>
    %slice3A_122 = vector.extract_strided_slice %get3A_8 {offsets = [7, 0], sizes = [1, 4096], strides = [1, 1]} : vector<10x4096xi32> to vector<1x4096xi32>
    %slice3A_123 = vector.extract_strided_slice %get3A_8 {offsets = [3, 0], sizes = [1, 4096], strides = [1, 1]} : vector<10x4096xi32> to vector<1x4096xi32>
    %eq3A_124 = arith.cmpi eq, %slice3A_122, %slice3A_123 : vector<1x4096xi32>
    %or3A_125 = arith.ori %or3A_121, %eq3A_124 : vector<1x4096xi1>
    %slice3A_126 = vector.extract_strided_slice %get3A_8 {offsets = [7, 0], sizes = [1, 4096], strides = [1, 1]} : vector<10x4096xi32> to vector<1x4096xi32>
    %slice3A_127 = vector.extract_strided_slice %get3A_8 {offsets = [4, 0], sizes = [1, 4096], strides = [1, 1]} : vector<10x4096xi32> to vector<1x4096xi32>
    %eq3A_128 = arith.cmpi eq, %slice3A_126, %slice3A_127 : vector<1x4096xi32>
    %or3A_129 = arith.ori %or3A_125, %eq3A_128 : vector<1x4096xi1>
    %slice3A_130 = vector.extract_strided_slice %get3A_8 {offsets = [7, 0], sizes = [1, 4096], strides = [1, 1]} : vector<10x4096xi32> to vector<1x4096xi32>
    %slice3A_131 = vector.extract_strided_slice %get3A_8 {offsets = [5, 0], sizes = [1, 4096], strides = [1, 1]} : vector<10x4096xi32> to vector<1x4096xi32>
    %eq3A_132 = arith.cmpi eq, %slice3A_130, %slice3A_131 : vector<1x4096xi32>
    %or3A_133 = arith.ori %or3A_129, %eq3A_132 : vector<1x4096xi1>
    %slice3A_134 = vector.extract_strided_slice %get3A_8 {offsets = [7, 0], sizes = [1, 4096], strides = [1, 1]} : vector<10x4096xi32> to vector<1x4096xi32>
    %slice3A_135 = vector.extract_strided_slice %get3A_8 {offsets = [6, 0], sizes = [1, 4096], strides = [1, 1]} : vector<10x4096xi32> to vector<1x4096xi32>
    %eq3A_136 = arith.cmpi eq, %slice3A_134, %slice3A_135 : vector<1x4096xi32>
    %or3A_137 = arith.ori %or3A_133, %eq3A_136 : vector<1x4096xi1>
    %slice3A_138 = vector.extract_strided_slice %exp3A {offsets = [7, 0], sizes = [1, 4096], strides = [1, 1]} : vector<10x4096xf32> to vector<1x4096xf32>
    %jit3A_139 = arith.constant 0.000000e+00 : f32
    %broadcast_in_dim3A_140 = vector.broadcast %jit3A_139 : f32 to vector<1x4096xf32>
    %select_n3A_141 = arith.select %or3A_137, %broadcast_in_dim3A_140, %slice3A_138 : vector<1x4096xi1>, vector<1x4096xf32>
    %add3A_142 = arith.addf %add3A_110, %select_n3A_141 : vector<1x4096xf32>
    %slice3A_143 = vector.extract_strided_slice %get3A_8 {offsets = [8, 0], sizes = [1, 4096], strides = [1, 1]} : vector<10x4096xi32> to vector<1x4096xi32>
    %slice3A_144 = vector.extract_strided_slice %get3A_8 {offsets = [0, 0], sizes = [1, 4096], strides = [1, 1]} : vector<10x4096xi32> to vector<1x4096xi32>
    %eq3A_145 = arith.cmpi eq, %slice3A_143, %slice3A_144 : vector<1x4096xi32>
    %slice3A_146 = vector.extract_strided_slice %get3A_8 {offsets = [8, 0], sizes = [1, 4096], strides = [1, 1]} : vector<10x4096xi32> to vector<1x4096xi32>
    %slice3A_147 = vector.extract_strided_slice %get3A_8 {offsets = [1, 0], sizes = [1, 4096], strides = [1, 1]} : vector<10x4096xi32> to vector<1x4096xi32>
    %eq3A_148 = arith.cmpi eq, %slice3A_146, %slice3A_147 : vector<1x4096xi32>
    %or3A_149 = arith.ori %eq3A_145, %eq3A_148 : vector<1x4096xi1>
    %slice3A_150 = vector.extract_strided_slice %get3A_8 {offsets = [8, 0], sizes = [1, 4096], strides = [1, 1]} : vector<10x4096xi32> to vector<1x4096xi32>
    %slice3A_151 = vector.extract_strided_slice %get3A_8 {offsets = [2, 0], sizes = [1, 4096], strides = [1, 1]} : vector<10x4096xi32> to vector<1x4096xi32>
    %eq3A_152 = arith.cmpi eq, %slice3A_150, %slice3A_151 : vector<1x4096xi32>
    %or3A_153 = arith.ori %or3A_149, %eq3A_152 : vector<1x4096xi1>
    %slice3A_154 = vector.extract_strided_slice %get3A_8 {offsets = [8, 0], sizes = [1, 4096], strides = [1, 1]} : vector<10x4096xi32> to vector<1x4096xi32>
    %slice3A_155 = vector.extract_strided_slice %get3A_8 {offsets = [3, 0], sizes = [1, 4096], strides = [1, 1]} : vector<10x4096xi32> to vector<1x4096xi32>
    %eq3A_156 = arith.cmpi eq, %slice3A_154, %slice3A_155 : vector<1x4096xi32>
    %or3A_157 = arith.ori %or3A_153, %eq3A_156 : vector<1x4096xi1>
    %slice3A_158 = vector.extract_strided_slice %get3A_8 {offsets = [8, 0], sizes = [1, 4096], strides = [1, 1]} : vector<10x4096xi32> to vector<1x4096xi32>
    %slice3A_159 = vector.extract_strided_slice %get3A_8 {offsets = [4, 0], sizes = [1, 4096], strides = [1, 1]} : vector<10x4096xi32> to vector<1x4096xi32>
    %eq3A_160 = arith.cmpi eq, %slice3A_158, %slice3A_159 : vector<1x4096xi32>
    %or3A_161 = arith.ori %or3A_157, %eq3A_160 : vector<1x4096xi1>
    %slice3A_162 = vector.extract_strided_slice %get3A_8 {offsets = [8, 0], sizes = [1, 4096], strides = [1, 1]} : vector<10x4096xi32> to vector<1x4096xi32>
    %slice3A_163 = vector.extract_strided_slice %get3A_8 {offsets = [5, 0], sizes = [1, 4096], strides = [1, 1]} : vector<10x4096xi32> to vector<1x4096xi32>
    %eq3A_164 = arith.cmpi eq, %slice3A_162, %slice3A_163 : vector<1x4096xi32>
    %or3A_165 = arith.ori %or3A_161, %eq3A_164 : vector<1x4096xi1>
    %slice3A_166 = vector.extract_strided_slice %get3A_8 {offsets = [8, 0], sizes = [1, 4096], strides = [1, 1]} : vector<10x4096xi32> to vector<1x4096xi32>
    %slice3A_167 = vector.extract_strided_slice %get3A_8 {offsets = [6, 0], sizes = [1, 4096], strides = [1, 1]} : vector<10x4096xi32> to vector<1x4096xi32>
    %eq3A_168 = arith.cmpi eq, %slice3A_166, %slice3A_167 : vector<1x4096xi32>
    %or3A_169 = arith.ori %or3A_165, %eq3A_168 : vector<1x4096xi1>
    %slice3A_170 = vector.extract_strided_slice %get3A_8 {offsets = [8, 0], sizes = [1, 4096], strides = [1, 1]} : vector<10x4096xi32> to vector<1x4096xi32>
    %slice3A_171 = vector.extract_strided_slice %get3A_8 {offsets = [7, 0], sizes = [1, 4096], strides = [1, 1]} : vector<10x4096xi32> to vector<1x4096xi32>
    %eq3A_172 = arith.cmpi eq, %slice3A_170, %slice3A_171 : vector<1x4096xi32>
    %or3A_173 = arith.ori %or3A_169, %eq3A_172 : vector<1x4096xi1>
    %slice3A_174 = vector.extract_strided_slice %exp3A {offsets = [8, 0], sizes = [1, 4096], strides = [1, 1]} : vector<10x4096xf32> to vector<1x4096xf32>
    %jit3A_175 = arith.constant 0.000000e+00 : f32
    %broadcast_in_dim3A_176 = vector.broadcast %jit3A_175 : f32 to vector<1x4096xf32>
    %select_n3A_177 = arith.select %or3A_173, %broadcast_in_dim3A_176, %slice3A_174 : vector<1x4096xi1>, vector<1x4096xf32>
    %add3A_178 = arith.addf %add3A_142, %select_n3A_177 : vector<1x4096xf32>
    %slice3A_179 = vector.extract_strided_slice %get3A_8 {offsets = [9, 0], sizes = [1, 4096], strides = [1, 1]} : vector<10x4096xi32> to vector<1x4096xi32>
    %slice3A_180 = vector.extract_strided_slice %get3A_8 {offsets = [0, 0], sizes = [1, 4096], strides = [1, 1]} : vector<10x4096xi32> to vector<1x4096xi32>
    %eq3A_181 = arith.cmpi eq, %slice3A_179, %slice3A_180 : vector<1x4096xi32>
    %slice3A_182 = vector.extract_strided_slice %get3A_8 {offsets = [9, 0], sizes = [1, 4096], strides = [1, 1]} : vector<10x4096xi32> to vector<1x4096xi32>
    %slice3A_183 = vector.extract_strided_slice %get3A_8 {offsets = [1, 0], sizes = [1, 4096], strides = [1, 1]} : vector<10x4096xi32> to vector<1x4096xi32>
    %eq3A_184 = arith.cmpi eq, %slice3A_182, %slice3A_183 : vector<1x4096xi32>
    %or3A_185 = arith.ori %eq3A_181, %eq3A_184 : vector<1x4096xi1>
    %slice3A_186 = vector.extract_strided_slice %get3A_8 {offsets = [9, 0], sizes = [1, 4096], strides = [1, 1]} : vector<10x4096xi32> to vector<1x4096xi32>
    %slice3A_187 = vector.extract_strided_slice %get3A_8 {offsets = [2, 0], sizes = [1, 4096], strides = [1, 1]} : vector<10x4096xi32> to vector<1x4096xi32>
    %eq3A_188 = arith.cmpi eq, %slice3A_186, %slice3A_187 : vector<1x4096xi32>
    %or3A_189 = arith.ori %or3A_185, %eq3A_188 : vector<1x4096xi1>
    %slice3A_190 = vector.extract_strided_slice %get3A_8 {offsets = [9, 0], sizes = [1, 4096], strides = [1, 1]} : vector<10x4096xi32> to vector<1x4096xi32>
    %slice3A_191 = vector.extract_strided_slice %get3A_8 {offsets = [3, 0], sizes = [1, 4096], strides = [1, 1]} : vector<10x4096xi32> to vector<1x4096xi32>
    %eq3A_192 = arith.cmpi eq, %slice3A_190, %slice3A_191 : vector<1x4096xi32>
    %or3A_193 = arith.ori %or3A_189, %eq3A_192 : vector<1x4096xi1>
    %slice3A_194 = vector.extract_strided_slice %get3A_8 {offsets = [9, 0], sizes = [1, 4096], strides = [1, 1]} : vector<10x4096xi32> to vector<1x4096xi32>
    %slice3A_195 = vector.extract_strided_slice %get3A_8 {offsets = [4, 0], sizes = [1, 4096], strides = [1, 1]} : vector<10x4096xi32> to vector<1x4096xi32>
    %eq3A_196 = arith.cmpi eq, %slice3A_194, %slice3A_195 : vector<1x4096xi32>
    %or3A_197 = arith.ori %or3A_193, %eq3A_196 : vector<1x4096xi1>
    %slice3A_198 = vector.extract_strided_slice %get3A_8 {offsets = [9, 0], sizes = [1, 4096], strides = [1, 1]} : vector<10x4096xi32> to vector<1x4096xi32>
    %slice3A_199 = vector.extract_strided_slice %get3A_8 {offsets = [5, 0], sizes = [1, 4096], strides = [1, 1]} : vector<10x4096xi32> to vector<1x4096xi32>
    %eq3A_200 = arith.cmpi eq, %slice3A_198, %slice3A_199 : vector<1x4096xi32>
    %or3A_201 = arith.ori %or3A_197, %eq3A_200 : vector<1x4096xi1>
    %slice3A_202 = vector.extract_strided_slice %get3A_8 {offsets = [9, 0], sizes = [1, 4096], strides = [1, 1]} : vector<10x4096xi32> to vector<1x4096xi32>
    %slice3A_203 = vector.extract_strided_slice %get3A_8 {offsets = [6, 0], sizes = [1, 4096], strides = [1, 1]} : vector<10x4096xi32> to vector<1x4096xi32>
    %eq3A_204 = arith.cmpi eq, %slice3A_202, %slice3A_203 : vector<1x4096xi32>
    %or3A_205 = arith.ori %or3A_201, %eq3A_204 : vector<1x4096xi1>
    %slice3A_206 = vector.extract_strided_slice %get3A_8 {offsets = [9, 0], sizes = [1, 4096], strides = [1, 1]} : vector<10x4096xi32> to vector<1x4096xi32>
    %slice3A_207 = vector.extract_strided_slice %get3A_8 {offsets = [7, 0], sizes = [1, 4096], strides = [1, 1]} : vector<10x4096xi32> to vector<1x4096xi32>
    %eq3A_208 = arith.cmpi eq, %slice3A_206, %slice3A_207 : vector<1x4096xi32>
    %or3A_209 = arith.ori %or3A_205, %eq3A_208 : vector<1x4096xi1>
    %slice3A_210 = vector.extract_strided_slice %get3A_8 {offsets = [9, 0], sizes = [1, 4096], strides = [1, 1]} : vector<10x4096xi32> to vector<1x4096xi32>
    %slice3A_211 = vector.extract_strided_slice %get3A_8 {offsets = [8, 0], sizes = [1, 4096], strides = [1, 1]} : vector<10x4096xi32> to vector<1x4096xi32>
    %eq3A_212 = arith.cmpi eq, %slice3A_210, %slice3A_211 : vector<1x4096xi32>
    %or3A_213 = arith.ori %or3A_209, %eq3A_212 : vector<1x4096xi1>
    %slice3A_214 = vector.extract_strided_slice %exp3A {offsets = [9, 0], sizes = [1, 4096], strides = [1, 1]} : vector<10x4096xf32> to vector<1x4096xf32>
    %jit3A_215 = arith.constant 0.000000e+00 : f32
    %broadcast_in_dim3A_216 = vector.broadcast %jit3A_215 : f32 to vector<1x4096xf32>
    %select_n3A_217 = arith.select %or3A_213, %broadcast_in_dim3A_216, %slice3A_214 : vector<1x4096xi1>, vector<1x4096xf32>
    %add3A_218 = arith.addf %add3A_178, %select_n3A_217 : vector<1x4096xf32>
    %sub3A_219 = arith.constant 1.000000e+00 : f32
    %sub3A_220 = vector.broadcast %sub3A_219 : f32 to vector<1x4096xf32>
    %sub3A_221 = arith.subf %sub3A_220, %add3A_218 : vector<1x4096xf32>
    %add3A_222 = arith.constant 1.000000e-07 : f32
    %add3A_223 = vector.broadcast %add3A_222 : f32 to vector<1x4096xf32>
    %add3A_224 = arith.addf %sub3A_221, %add3A_223 : vector<1x4096xf32>
    %log3A = math.log %add3A_224 : vector<1x4096xf32>
    %neg3A = arith.constant 0.000000e+00 : f32
    %neg3A_225 = vector.broadcast %neg3A : f32 to vector<1x4096xf32>
    %neg3A_226 = arith.subf %neg3A_225, %log3A : vector<1x4096xf32>
    %reduce_sum3A = vector.shape_cast %neg3A_226 : vector<1x4096xf32> to vector<1x1x4096xf32>
    %reduce_sum3A_227 = arith.constant dense<0.000000e+00> : vector<1xf32>
    %reduce_sum3A_228 = vector.multi_reduction <add>, %reduce_sum3A, %reduce_sum3A_227 [1, 2] : vector<1x1x4096xf32> to vector<1xf32>
    %reduce_sum3A_229 = vector.shape_cast %reduce_sum3A_228 : vector<1xf32> to vector<1x1x1xf32>
    %reduce_sum3A_230 = vector.extract %reduce_sum3A_229[0, 0, 0] : f32 from vector<1x1x1xf32>
    %mul3A = arith.constant 2.44140625E-4 : f32
    %mul3A_231 = arith.mulf %reduce_sum3A_230, %mul3A : f32
    %reshape3A = vector.broadcast %mul3A_231 : f32 to vector<1x1xf32>
    %swap3A = arith.constant 0 : index
    %swap3A_232 = arith.constant 0 : index
    %swap3A_233 = vector.load %arg3[%swap3A, %swap3A_232] : memref<1x1xf32, #tpu.memory_space<vmem>>, vector<1x1xf32>
    tpu.vector_store %arg3[%swap3A, %swap3A_232], %reshape3A {strides = array<i32>} : memref<1x1xf32, #tpu.memory_space<vmem>>, vector<1x1xf32>,
    return
  }
}

module attributes {stable_mosaic.version = 14 : i64} {
  func.func @_lse_kernel(%arg0: i32, %arg1: memref<1000x1024xf32, #tpu.memory_space<vmem>>, %arg2: memref<1x1024xf32, #tpu.memory_space<vmem>>) attributes {dimension_semantics = [#tpu.dimension_semantics<arbitrary>], iteration_bounds = array<i64: 4>, scalar_prefetch = 0 : i64, scratch_operands = 0 : i64, tpu.core_type = #tpu.core_type<tc>, window_params = [{transform_indices = @transform_0, window_bounds = array<i64: 1000, 1024>}, {transform_indices = @transform_1, window_bounds = array<i64: 1, 1024>}]} {
    %get3A = arith.constant 0 : index
    %get3A_0 = arith.constant 0 : index
    %get3A_1 = vector.load %arg1[%get3A, %get3A_0] : memref<1000x1024xf32, #tpu.memory_space<vmem>>, vector<1000x1024xf32>
    %reduce_max3A = arith.constant dense<0xFF800000> : vector<1024xf32>
    %reduce_max3A_2 = vector.multi_reduction <maximumf>, %get3A_1, %reduce_max3A [0] : vector<1000x1024xf32> to vector<1024xf32>
    %broadcast_in_dim3A = vector.shape_cast %reduce_max3A_2 : vector<1024xf32> to vector<1x1024xf32>
    %sub3A = vector.broadcast %broadcast_in_dim3A : vector<1x1024xf32> to vector<1000x1024xf32>
    %sub3A_3 = arith.subf %get3A_1, %sub3A : vector<1000x1024xf32>
    %exp3A = math.exp %sub3A_3 : vector<1000x1024xf32>
    %reduce_sum3A = arith.constant dense<0.000000e+00> : vector<1024xf32>
    %reduce_sum3A_4 = vector.multi_reduction <add>, %exp3A, %reduce_sum3A [0] : vector<1000x1024xf32> to vector<1024xf32>
    %log3A = math.log %reduce_sum3A_4 : vector<1024xf32>
    %add3A = arith.addf %reduce_max3A_2, %log3A : vector<1024xf32>
    %swap3A = arith.constant 0 : index
    %swap3A_5 = arith.constant 0 : index
    %swap3A_6 = vector.load %arg2[%swap3A, %swap3A_5] : memref<1x1024xf32, #tpu.memory_space<vmem>>, vector<1x1024xf32>
    %swap3A_7 = vector.shape_cast %swap3A_6 : vector<1x1024xf32> to vector<1024xf32>
    %swap3A_8 = vector.shape_cast %add3A : vector<1024xf32> to vector<1x1024xf32>
    tpu.vector_store %arg2[%swap3A, %swap3A_5], %swap3A_8 {strides = array<i32>} : memref<1x1024xf32, #tpu.memory_space<vmem>>, vector<1x1024xf32>,
    return
  }
  func.func @transform_0(%arg0: i32) -> (i32, i32) {
    %c0_i32 = arith.constant 0 : i32
    %c0_i32_0 = arith.constant 0 : i32
    return %c0_i32, %arg0 : i32, i32
  }
  func.func @transform_1(%arg0: i32) -> (i32, i32) {
    %c0_i32 = arith.constant 0 : i32
    %c0_i32_0 = arith.constant 0 : i32
    return %c0_i32, %arg0 : i32, i32
  }
}

</mosaic_0001>

<sc_bundles>
// kernel: kernel.5.cloned.1.call-start
scs
__scs_entry_jumppad:
0x0: {  	(pc) =	sbr.rel $0x88, $3  }
0x1: {  	(tag) =	ssettag $0x0;
	lr =	simm.s32 $0x1  }
0x2: {  	[smem:$0x3F9F] =	sst lr;
	_ =	strace $0xD0000000  }
0x3: {  	_ = 	snop  }
0x4: {  	_ = 	snop  }
0x5: {  	_ = 	snop  }
0x6: {  	_ = 	snop  }
0x7: {  	_ = 	snop  }
__scs_overlays_trampoline_lowered:
0x8: {  	[smem:$0x3FAE] =	sst s0  }
0x9: {  	[smem:$0x3FAF] =	sst s1  }
0xa: {  	[smem:$0x3FB0] =	sst s2  }
0xb: {  	[smem:$0x3FB1] =	sst s3  }
0xc: {  	[smem:$0x3FB2] =	sst s4  }
0xd: {  	[smem:$0x3FB3] =	sst s5  }
0xe: {  	[smem:$0x3FB4] =	sst s6  }
0xf: {  	[smem:$0x3FB5] =	sst s7  }
0x10: {  	[smem:$0x3FB6] =	sst s8  }
0x11: {  	[smem:$0x3FB7] =	sst s9;
	s0 =	simm.s32 @!p0 $0x0  }
0x12: {  	s1 =	sld [smem:$0x3F9D];
	s0 =	simm.s32 @p0 $0x1  }
0x13: {  	[smem:$0x3FB8] =	sst s0;
	s0 =	simm.s32 @!p1 $0x0  }
0x14: {  	s2 =	sld [smem:$0x3F9C];
	s0 =	simm.s32 @p1 $0x1  }
0x15: {  	[smem:$0x3FB9] =	sst s0;
	s0 =	simm.s32 @!p2 $0x0  }
0x16: {  	s3 =	sld [smem:$0x3FDB];
	s0 =	simm.s32 @p2 $0x1  }
0x17: {  	s4 =	simm.s32 $0x1BF5;
	[smem:$0x3FBB] =	sst s0  }
0x18: {  	s0 =	sld [smem:$0x3F9E];
	_ =	swait.ge [sflag:s4], $0x0  }
0x19: {  	s7 =	sld [smem:$0x3F9F]  }
0x1a: {  	s8 =	sadd.s32 $0xFFFFE003, lr  }
0x1b: {  	s9 =	sadd.s32 $0xFFFFFEF7, lr;
	s5 =	simm.s32 $0xFFFFFFFF;
	p2 =	slt.u32 s8, $0xFFFFF086  }
0x1c: {  	p1 =	slt.u32 s9, $0xF7A;
	s5 =	simm.s32 @!p2 $0x0  }
0x1d: {  	s5 =	simm.s32 @p1 $0x1;
	p0 =	seq.s32 s7, s2  }
0x1e: {  	s7 =	smul.u32 @!p0 $0xF7A, s2;
	p2 =	seq.s32 @!p0 s5, $0x0  }
0x1f: {  	s9 =	smul.u32 $0xF7A, s1;
	s8 =	simm.s32 @!p0 $0x1BF5;
	p2 =	por !p2, p0  }
0x20: {  	[sflag:s8] =	ssyncset.s32 @!p0 $0xFFFFF086;
	s6 =	sadd.s32 @!p0 s3, s7;
	s7 =	simm.s32 @!p0 $0x108  }
0x21: {  	s3 =	sadd.s32 s3, s9;
	s6 =	sadd.s32 @!p0 $0x88, s6;
	s7 =	simm.s32 @p2 $0x1082  }
0x22: {  	[simem:s7], [sflag:s8] =	dma.local @!p0 [hbm:s6], $0xF7A  }
0x23: {  	s9 =	sor.u32 $0xD0000000, s2;
	s6 =	simm.s32 $0x108;
	_ =	swait.ge @!p0 [sflag:s8], $0x0  }
0x24: {  	s3 =	sadd.s32 $0x88, s3;
	s6 =	simm.s32 @!p1 $0x1082;
	[sflag:s4] =	ssyncset.s32 $0xFFFFF086  }
0x25: {  	[simem:s6], [sflag:s4] =	dma.local [hbm:s3], $0xF7A  }
0x26: {  	[smem:$0x3F9F] =	sst s1;
	(tag) =	ssettag s2;
	_ =	strace s9  }
0x27: {  	s1 =	sld [smem:$0x3FAF]  }
0x28: {  	s2 =	sld [smem:$0x3FB0]  }
0x29: {  	s4 =	sld [smem:$0x3FB2]  }
0x2a: {  	p0 =	seq.s32 s5, $0x0;
	s5 =	sld [smem:$0x3FB3]  }
0x2b: {  	s6 =	sld [smem:$0x3FB4]  }
0x2c: {  	s7 =	sld [smem:$0x3FB5]  }
0x2d: {  	s3 =	simm.s32 $0x108;
	s8 =	sld [smem:$0x3FB6]  }
0x2e: {  	s3 =	simm.s32 @!p0 $0x1082;
	s9 =	sld [smem:$0x3FB7]  }
0x2f: {  	lr =	sadd.s32 s0, s3;
	s0 =	sld [smem:$0x3FAE]  }
0x30: {  	s3 =	sld [smem:$0x3FB1]  }
0x31: {  	[smem:$0x3FBA] =	sst s10  }
0x32: {  	s10 =	sld [smem:$0x3FB8];
	_ =	sdelay $0x3  }
0x33: {  	p0 =	seq.s32 s10, $0x1;
	s10 =	sld [smem:$0x3FBA];
	_ =	sdelay $0x3  }
0x34: {  	[smem:$0x3FBA] =	sst s10  }
0x35: {  	s10 =	sld [smem:$0x3FB9];
	_ =	sdelay $0x3  }
0x36: {  	p1 =	seq.s32 s10, $0x1;
	s10 =	sld [smem:$0x3FBA];
	_ =	sdelay $0x3  }
0x37: {  	[smem:$0x3FBA] =	sst s10  }
0x38: {  	s10 =	sld [smem:$0x3FBB]  }
0x39: {  	_ = 	snop;
	(pc) =	sbr.ind lr, $3  }
0x3a: {  	_ = 	snop  }
0x3b: {  	_ = 	snop  }
0x3c: {  	p2 =	seq.s32 s10, $0x1;
	s10 =	sld [smem:$0x3FBA]  }
0x3d: {  	_ =	shalt  }
0x3e: {  	_ =	shalt  }
0x3f: {  	_ =	shalt  }
0x40: {  	_ =	shalt  }
0x41: {  	_ =	shalt  }
0x42: {  	_ =	shalt  }
0x43: {  	_ =	shalt  }
0x44: {  	_ =	shalt  }
0x45: {  	_ =	shalt  }
0x46: {  	_ =	shalt  }
0x47: {  	_ =	shalt  }
0x48: {  	_ =	shalt  }
0x49: {  	_ =	shalt  }
0x4a: {  	_ =	shalt  }
0x4b: {  	_ =	shalt  }
0x4c: {  	_ =	shalt  }
0x4d: {  	_ =	shalt  }
0x4e: {  	_ =	shalt  }
0x4f: {  	_ =	shalt  }
0x50: {  	_ =	shalt  }
0x51: {  	_ =	shalt  }
0x52: {  	_ =	shalt  }
0x53: {  	_ =	shalt  }
0x54: {  	_ =	shalt  }
0x55: {  	_ =	shalt  }
0x56: {  	_ =	shalt  }
0x57: {  	_ =	shalt  }
0x58: {  	_ =	shalt  }
0x59: {  	_ =	shalt  }
0x5a: {  	_ =	shalt  }
0x5b: {  	_ =	shalt  }
0x5c: {  	_ =	shalt  }
0x5d: {  	_ =	shalt  }
0x5e: {  	_ =	shalt  }
0x5f: {  	_ =	shalt  }
0x60: {  	_ =	shalt  }
0x61: {  	_ =	shalt  }
0x62: {  	_ =	shalt  }
0x63: {  	_ =	shalt  }
0x64: {  	_ =	shalt  }
0x65: {  	_ =	shalt  }
0x66: {  	_ =	shalt  }
0x67: {  	_ =	shalt  }
0x68: {  	_ =	shalt  }
0x69: {  	_ =	shalt  }
0x6a: {  	_ =	shalt  }
0x6b: {  	_ =	shalt  }
0x6c: {  	_ =	shalt  }
0x6d: {  	_ =	shalt  }
0x6e: {  	_ =	shalt  }
0x6f: {  	_ =	shalt  }
0x70: {  	_ =	shalt  }
0x71: {  	_ =	shalt  }
0x72: {  	_ =	shalt  }
0x73: {  	_ =	shalt  }
0x74: {  	_ =	shalt  }
0x75: {  	_ =	shalt  }
0x76: {  	_ =	shalt  }
0x77: {  	_ =	shalt  }
0x78: {  	_ =	shalt  }
0x79: {  	_ =	shalt  }
0x7a: {  	_ =	shalt  }
0x7b: {  	_ =	shalt  }
0x7c: {  	_ =	shalt  }
0x7d: {  	_ =	shalt  }
0x7e: {  	_ =	shalt  }
0x7f: {  	_ =	shalt  }
0x80: {  	_ =	shalt  }
0x81: {  	_ =	shalt  }
0x82: {  	_ =	shalt  }
0x83: {  	_ =	shalt  }
0x84: {  	_ =	shalt  }
0x85: {  	_ =	shalt  }
0x86: {  	_ =	shalt  }
0x87: {  	_ =	shalt  }
.Lfunc_end0:
.L_simem_size_0:
called_computation_lowered:
.L_overlay_start_0:
0x88: {  	s2 =	sld [smem:$0x3FD9]  }
0x89: {  	s3 =	sld [smem:$0x3FFE];
	_ =	sdelay $0x1  }
0x8a: {  	s1 =	srdreg.scid  }
0x8b: {  	s0 =	sand.u32 $0x1, s1  }
0x8c: {  	s17 =	sshll.u32 s0, $0xA;
	s2 =	sadd.s32 s3, s2  }
0x8d: {  	s2 =	sadd.s32 s2, s17  }
0x8e: {  	[smem:$0x3FC6] =	sst s2  }
0x8f: {  	_ = 	snop  }
0x90: {  	s2 =	sld [smem:$0x3FC9]  }
0x91: {  	s18 =	sld [smem:$0x3FC8];
	(tm) =	ssettm $0x1  }
0x92: {  	s4 =	sld [smem:$0x3FFB];
	_ =	sdelay $0x3  }
0x93: {  	_ =	strace s4  }
0x94: {  	s4 =	sld [smem:$0x3FFC];
	_ =	sdelay $0x3  }
0x95: {  	_ =	strace s4  }
0x96: {  	s4 =	sld [smem:$0x3FFD];
	_ =	sdelay $0x3  }
0x97: {  	_ =	strace s4  }
0x98: {  	_ =	strace $0x8FFFFFFF  }
0x99: {  	s19 =	sld [smem:$0x3FDB];
	_ =	sdelay $0x1  }
0x9a: {  	s5 =	simm.s32 $_scs_section_size  }
0x9b: {  	s6 =	simm.s32 $_size__tile_overlayer_lowered;
	s7 =	simm.s32 $_tile_overlayer_lowered  }
0x9c: {  	s22 =	simm.s32 $0x1BFF;
	s21 =	sshll.u32 s7, $0x1;
	s4 =	sadd.s32 s5, s19  }
0x9d: {  	s8 =	simm.s32 $0x0;
	s20 =	sshll.u32 s6, $0x1;
	s6 =	sadd.s32 s21, s4  }
0x9e: {  	[timem:s8], [sflag:s22] =	dma.local [hbm:s6], s20  }
0x9f: {  	_ =	swait.ge [sflag:s22], s20  }
0xa0: {  	s5 =	ssub.s32 $0x0, s20;
	[sflag:s22] =	ssyncset.done $0x0  }
0xa1: {  	[sflag:s22] =	ssyncadd.s32 s5;
	_ =	sdelay $0x1  }
0xa2: {  	s23 =	simm.s32 $0x1B8B  }
0xa3: {  	_ =	swait.ge [sflag:s23], $0x1  }
0xa4: {  	[sflag:s23] =	ssyncset.done $0x0  }
0xa5: {  	s25 =	simm.s32 $0x1B8E;
	s24 =	sld [smem:$0x3FFE];
	[sflag:s23] =	ssyncadd.s32 $0xFFFFFFFF  }
0xa6: {  	s26 =	simm.s32 $execute0_lowered;
	[smem:$0x3FD2] =	sst s25  }
0xa7: {  	s6 =	sshll.u32 s26, $0x1;
	_ =	strace $0x80000046;
	[dreg:$0x1] =	wrdreg $0xFFFFFFFF  }
0xa8: {  	s28 =	simm.s32 $_size_execute0_lowered;
	s4 =	sadd.s32 s4, s6;
	[dreg:$0x0] =	wrdreg $0x0  }
0xa9: {  	s6 =	sshll.u32 s28, $0x1;
	[dreg:$0x2] =	wrdreg s4  }
0xaa: {  	[dreg:$0x3] =	wrdreg s6  }
0xab: {  	[dreg:$0x4] =	wrdreg $0xC0  }
0xac: {  	_ =	task [dreg:s8], $0x5FFFF  }
0xad: {  	[dreg:$0x1] =	wrdreg $0xFFFFFFFF  }
0xae: {  	[dreg:$0x0] =	wrdreg $0x60  }
0xaf: {  	[dreg:$0x2] =	wrdreg s2  }
0xb0: {  	[dreg:$0x3] =	wrdreg s18  }
0xb1: {  	[dreg:$0x4] =	wrdreg s24  }
0xb2: {  	[dreg:$0x5] =	wrdreg $0x9  }
0xb3: {  	_ =	task.clear_ibuf [dreg:s8], $0x6FFFF;
	_ =	strace $0x90000046  }
0xb4: {  	s29 =	simm.s32 $0x9;
	_ =	strace $0x80000048  }
0xb5: {  	_ =	swait.ge [sflag:s29], $0x1  }
0xb6: {  	[sflag:s29] =	ssyncadd.s32 $0xFFFFFFFF  }
0xb7: {  	_ =	strace $0x90000048  }
0xb8: {  	_ =	sfence  }
0xb9: {  	s30 =	sld [smem:$0x0];
	_ =	sdelay $0x2  }
0xba: {  	s31 =	sshll.u32 s1, $0xD;
	s1 =	sshrl.u32 s1, $0x2  }
0xbb: {  	s3 =	sand.u32 $0x4000, s31;
	s1 =	sadd.s32 s1, s30  }
0xbc: {  	s0 =	sor.u32 s3, s0;
	s1 =	sshll.u32 s1, $0x11  }
0xbd: {  	s0 =	sor.u32 s1, s0  }
0xbe: {  	s0 =	sadd.s32 $0x8F2B, s0  }
0xbf: {  	[sflag:s0] =	ssyncadd.remote.s32 $0x1  }
0xc0: {  	_ =	sfence.sel $0xFFFF  }
0xc1: {  	[dreg:$0x0] =	wrdreg $0xFFFFFFFF;
	(pc) =	sbr.abs _section_cstart, $3  }
0xc2: {  	[dreg:$0x1] =	wrdreg $0xFFFFFFFF  }
0xc3: {  	_ =	task.clear_ibuf [dreg:s8], $0x2FFFF;
	_ =	strace $0x9FFFFFFF  }
0xc4: {  	(tm) =	ssettm $0x7FFFFFFF  }
0xc5: {  	_ =	shalt  }
tec
execute0_lowered:
.L_overlay_start_1:
0x0: {  	(tag) =	ssettag $0x1  }
0x1: {  	s3 =	rddreg [dreg:$0x0]  }
0x2: {  	s4 =	rddreg [dreg:$0x1]  }
0x3: {  	s5 =	rddreg [dreg:$0x2];
	s2 =	srdreg.scid  }
0x4: {  	s0 =	rddreg [dreg:$0x3];
	s1 =	stileid.u32  }
0x5: {  	s12 =	simm.s32 $0x400;
	s13 =	simm.s32 $0x8000;
	s14 =	simm.s32 $0x10000  }
0x6: {  	s15 =	simm.s32 $0x10400;
	s16 =	simm.s32 $0x3;
	s17 =	simm.s32 $0x1  }
0x7: {  	s18 =	simm.s32 $0x2;
	s19 =	simm.s32 $0x10800;
	s20 =	simm.s32 $0x10C00  }
0x8: {  	s21 =	simm.s32 $0x0;
	s6 =	sand.u32 $0x1, s2;
	s2 =	simm.s32 $0x0  }
0x9: {  	s8 =	sshll.u32 s1, $0x7;
	s7 =	sshll.u32 s6, $0xB;
	[smem:$0x7FF] =	sst s2  }
0xa: {  	s31 =	ssub.s32 $0x2, s6;
	s7 =	sor.u32 s8, s7;
	_ =	strace $0x80000047  }
0xb: {  	s6 =	sshrl.u32 s31, $0x1;
	s10 =	sadd.s32 s7, s5;
	s4 =	sadd.s32 s4, s7  }
0xc: {  	s3 =	sadd.s32 s3, s7;
	s11 =	ssub.s32 s31, s6;
	s5 =	sadd.s32 $0x1000, s4  }
0xd: {  	s6 =	sadd.s32 $0x10000, s3;
	s7 =	sadd.s32 $0x30000, s3;
	s8 =	sadd.s32 $0x50000, s3  }
0xe: {  	v0 =	vlaneseq.u32;
	s9 =	sadd.s32 $0x70000, s3;
	s10 =	sadd.s32 $0x800, s10;
	s11 =	smax.u32 s11, $0x1  }
.LBB2_1:
0xf: {  	[tilespmem:s2], [sflag:$0x1] =	stream.strided.gather [hbm4b:s3+s12], $0x4000, s13, s12, $0x38;
	[tilespmem:$0x11000] =	vst v63  }
0x10: {  	_ = 	snop  }
0x11: {  	[tilespmem:s14], [sflag:$0x3] =	stream.linear.gather [hbm4b:s4+s2], $0x400, $0x38;
	[tilespmem:$0x11000] =	vst v63  }
0x12: {  	_ = 	snop  }
0x13: {  	[tilespmem:s15], [sflag:$0x3] =	stream.linear.gather [hbm4b:s5+s2], $0x100, $0x38;
	[tilespmem:$0x11000] =	vst v63  }
0x14: {  	_ =	swait.ge [sflag:s16], $0x500  }
0x15: {  	[sflag:s16] =	ssyncset.done $0x0  }
0x16: {  	[sflag:s16] =	ssyncadd.s32 $0xFFFFFB00  }
0x17: {  	[tilespmem:s13], [sflag:$0x2] =	stream.strided.gather [hbm4b:s6+s12], $0x8000, s13, s12, $0x38;
	[tilespmem:$0x11000] =	vst v63  }
0x18: {  	_ =	swait.ge [sflag:s17], $0x4000  }
0x19: {  	s22 =	simm.s32 $0x10A80;
	[sflag:s17] =	ssyncset.done $0x0  }
0x1a: {  	s23 =	simm.s32 $0x10280;
	s24 =	simm.s32 $0x0;
	[sflag:s17] =	ssyncadd.s32 $0xFFFFC000  }
.LBB2_2:
0x1b: {  	v1 =	vld [tilespmem:s23+$0xFFFFFD80];
	_ =	sdelay $0x4  }
0x1c: {  	vm0 =	vgt.s32 v1, $0x0  }
0x1d: {  	v2 =	vnsel vm0, $0x0, v1  }
0x1e: {  	v2 =	vmin.u32 v2, $0x7F  }
0x1f: {  	v3 =	vor.u32 s24, v0;
	v2 =	vshll.u32 v2, $0x7  }
0x20: {  	v2 =	vadd.s32 v3, v2;
	_ =	sdelay $0x4  }
0x21: {  	v2 =	vld.idx.msk [tilespmem:v2+s2+$0x0], $0xffff;
	_ =	sdelay $0x3  }
0x22: {  	vm9 =	vlt.u32 v1, $0x80  }
0x23: {  	v1 =	vnsel vm9, $0x0, v2  }
0x24: {  	[tilespmem:s22+$0xFFFFFD80] =	vst v1  }
0x25: {  	v1 =	vld [tilespmem:s23+$0xFFFFFE00];
	_ =	sdelay $0x4  }
0x26: {  	vm10 =	vgt.s32 v1, $0x0  }
0x27: {  	v2 =	vnsel vm10, $0x0, v1  }
0x28: {  	v2 =	vmin.u32 v2, $0x7F  }
0x29: {  	v2 =	vshll.u32 v2, $0x7  }
0x2a: {  	v2 =	vadd.s32 v3, v2;
	_ =	sdelay $0x4  }
0x2b: {  	v2 =	vld.idx.msk [tilespmem:v2+s2+$0x0], $0xffff;
	_ =	sdelay $0x3  }
0x2c: {  	vm11 =	vlt.u32 v1, $0x80  }
0x2d: {  	v1 =	vnsel vm11, $0x0, v2  }
0x2e: {  	[tilespmem:s22+$0xFFFFFE00] =	vst v1  }
0x2f: {  	v1 =	vld [tilespmem:s23+$0xFFFFFE80];
	_ =	sdelay $0x4  }
0x30: {  	vm12 =	vgt.s32 v1, $0x0  }
0x31: {  	v2 =	vnsel vm12, $0x0, v1  }
0x32: {  	v2 =	vmin.u32 v2, $0x7F  }
0x33: {  	v2 =	vshll.u32 v2, $0x7  }
0x34: {  	v2 =	vadd.s32 v3, v2;
	_ =	sdelay $0x4  }
0x35: {  	v2 =	vld.idx.msk [tilespmem:v2+s2+$0x0], $0xffff;
	_ =	sdelay $0x3  }
0x36: {  	vm13 =	vlt.u32 v1, $0x80  }
0x37: {  	v1 =	vnsel vm13, $0x0, v2  }
0x38: {  	[tilespmem:s22+$0xFFFFFE80] =	vst v1  }
0x39: {  	v1 =	vld [tilespmem:s23+$0xFFFFFF00];
	_ =	sdelay $0x4  }
0x3a: {  	vm14 =	vgt.s32 v1, $0x0  }
0x3b: {  	v2 =	vnsel vm14, $0x0, v1  }
0x3c: {  	v2 =	vmin.u32 v2, $0x7F  }
0x3d: {  	v2 =	vshll.u32 v2, $0x7  }
0x3e: {  	v2 =	vadd.s32 v3, v2;
	_ =	sdelay $0x4  }
0x3f: {  	v2 =	vld.idx.msk [tilespmem:v2+s2+$0x0], $0xffff;
	_ =	sdelay $0x3  }
0x40: {  	vm15 =	vlt.u32 v1, $0x80  }
0x41: {  	v1 =	vnsel vm15, $0x0, v2  }
0x42: {  	[tilespmem:s22+$0xFFFFFF00] =	vst v1  }
0x43: {  	v1 =	vld [tilespmem:s23+$0xFFFFFF80];
	_ =	sdelay $0x4  }
0x44: {  	vm4 =	vgt.s32 v1, $0x0  }
0x45: {  	v2 =	vnsel vm4, $0x0, v1  }
0x46: {  	v2 =	vmin.u32 v2, $0x7F  }
0x47: {  	v2 =	vshll.u32 v2, $0x7  }
0x48: {  	v2 =	vadd.s32 v3, v2;
	_ =	sdelay $0x4  }
0x49: {  	v2 =	vld.idx.msk [tilespmem:v2+s2+$0x0], $0xffff;
	_ =	sdelay $0x3  }
0x4a: {  	vm5 =	vlt.u32 v1, $0x80  }
0x4b: {  	v1 =	vnsel vm5, $0x0, v2  }
0x4c: {  	[tilespmem:s22+$0xFFFFFF80] =	vst v1  }
0x4d: {  	v1 =	vld [tilespmem:s23+$0x0];
	_ =	sdelay $0x4  }
0x4e: {  	vm6 =	vgt.s32 v1, $0x0  }
0x4f: {  	v2 =	vnsel vm6, $0x0, v1  }
0x50: {  	v2 =	vmin.u32 v2, $0x7F  }
0x51: {  	v2 =	vshll.u32 v2, $0x7  }
0x52: {  	v2 =	vadd.s32 v3, v2;
	_ =	sdelay $0x4  }
0x53: {  	v2 =	vld.idx.msk [tilespmem:v2+s2+$0x0], $0xffff;
	_ =	sdelay $0x3  }
0x54: {  	vm7 =	vlt.u32 v1, $0x80  }
0x55: {  	v1 =	vnsel vm7, $0x0, v2  }
0x56: {  	[tilespmem:s22+$0x0] =	vst v1  }
0x57: {  	v1 =	vld [tilespmem:s23+$0x80];
	_ =	sdelay $0x4  }
0x58: {  	vm8 =	vgt.s32 v1, $0x0  }
0x59: {  	v2 =	vnsel vm8, $0x0, v1  }
0x5a: {  	v2 =	vmin.u32 v2, $0x7F  }
0x5b: {  	v2 =	vshll.u32 v2, $0x7  }
0x5c: {  	v2 =	vadd.s32 v3, v2;
	_ =	sdelay $0x4  }
0x5d: {  	v2 =	vld.idx.msk [tilespmem:v2+s2+$0x0], $0xffff;
	_ =	sdelay $0x3  }
0x5e: {  	vm9 =	vlt.u32 v1, $0x80  }
0x5f: {  	v1 =	vnsel vm9, $0x0, v2  }
0x60: {  	[tilespmem:s22+$0x80] =	vst v1  }
0x61: {  	v1 =	vld [tilespmem:s23+$0x100];
	_ =	sdelay $0x4  }
0x62: {  	vm10 =	vgt.s32 v1, $0x0  }
0x63: {  	v2 =	vnsel vm10, $0x0, v1  }
0x64: {  	v2 =	vmin.u32 v2, $0x7F  }
0x65: {  	v2 =	vshll.u32 v2, $0x7  }
0x66: {  	v2 =	vadd.s32 v3, v2;
	_ =	sdelay $0x4  }
0x67: {  	v2 =	vld.idx.msk [tilespmem:v2+s2+$0x0], $0xffff;
	_ =	sdelay $0x3  }
0x68: {  	vm11 =	vlt.u32 v1, $0x80  }
0x69: {  	v1 =	vnsel vm11, $0x0, v2  }
0x6a: {  	[tilespmem:s22+$0x100] =	vst v1  }
0x6b: {  	v1 =	vld [tilespmem:s23+$0x180];
	_ =	sdelay $0x4  }
0x6c: {  	vm12 =	vgt.s32 v1, $0x0  }
0x6d: {  	v2 =	vnsel vm12, $0x0, v1  }
0x6e: {  	v2 =	vmin.u32 v2, $0x7F  }
0x6f: {  	v2 =	vshll.u32 v2, $0x7  }
0x70: {  	v2 =	vadd.s32 v3, v2;
	_ =	sdelay $0x4  }
0x71: {  	v2 =	vld.idx.msk [tilespmem:v2+s2+$0x0], $0xffff;
	_ =	sdelay $0x3  }
0x72: {  	vm13 =	vlt.u32 v1, $0x80  }
0x73: {  	v1 =	vnsel vm13, $0x0, v2  }
0x74: {  	[tilespmem:s22+$0x180] =	vst v1  }
0x75: {  	v1 =	vld [tilespmem:s23+$0x200];
	_ =	sdelay $0x4  }
0x76: {  	vm14 =	vgt.s32 v1, $0x0  }
0x77: {  	v2 =	vnsel vm14, $0x0, v1  }
0x78: {  	v2 =	vmin.u32 v2, $0x7F  }
0x79: {  	v2 =	vshll.u32 v2, $0x7  }
0x7a: {  	v2 =	vadd.s32 v3, v2;
	_ =	sdelay $0x4  }
0x7b: {  	v2 =	vld.idx.msk [tilespmem:v2+s2+$0x0], $0xffff  }
0x7c: {  	p0 =	sne.s32 s24, $0x70  }
.Ltmp0:
0x7d: {  	_ = 	snop;
	(pc) =	sbr.rel @p0 .LBB2_2-.Ltmp0, $4  }
0x7e: {  	_ = 	snop  }
0x7f: {  	vm15 =	vlt.u32 v1, $0x80  }
0x80: {  	v1 =	vnsel vm15, $0x0, v2  }
0x81: {  	s24 =	sadd.s32 $0x10, s24;
	s23 =	sadd.s32 $0x10, s23;
	[tilespmem:s22+$0x200] =	vst v1;
	s22 =	sadd.s32 $0x10, s22  }
0x82: {  	s22 =	simm.s32 $0x0  }
0x83: {  	[tilespmem:s22], [sflag:$0x1] =	stream.strided.gather [hbm4b:s7+s12], $0x8000, s13, s12, $0x38;
	[tilespmem:$0x11000] =	vst v63  }
0x84: {  	_ =	swait.ge [sflag:s18], $0x8000  }
0x85: {  	[sflag:s18] =	ssyncset.done $0x0  }
0x86: {  	s23 =	simm.s32 $0x10A80;
	s24 =	simm.s32 $0x10280;
	[sflag:s18] =	ssyncadd.s32 $0xFFFF8000  }
.LBB2_4:
0x87: {  	v1 =	vld [tilespmem:s24+$0xFFFFFD80];
	_ =	sdelay $0x4  }
0x88: {  	v1 =	vadd.s32 $0xFFFFFF80, v1  }
0x89: {  	vm0 =	vgt.s32 v1, $0x0  }
0x8a: {  	v2 =	vnsel vm0, $0x0, v1  }
0x8b: {  	v2 =	vmin.u32 v2, $0xFF  }
0x8c: {  	v3 =	vor.u32 s22, v0;
	v2 =	vshll.u32 v2, $0x7  }
0x8d: {  	v2 =	vadd.s32 v3, v2;
	_ =	sdelay $0x3  }
0x8e: {  	v4 =	vld [tilespmem:s23+$0xFFFFFD80]  }
0x8f: {  	v2 =	vld.idx.msk [tilespmem:v2+s13+$0x0], $0xffff;
	_ =	sdelay $0x3  }
0x90: {  	vm9 =	vlt.u32 v1, $0x100  }
0x91: {  	v1 =	vsel vm9, v2, v4  }
0x92: {  	[tilespmem:s23+$0xFFFFFD80] =	vst v1  }
0x93: {  	v1 =	vld [tilespmem:s24+$0xFFFFFE00];
	_ =	sdelay $0x4  }
0x94: {  	v1 =	vadd.s32 $0xFFFFFF80, v1  }
0x95: {  	vm10 =	vgt.s32 v1, $0x0  }
0x96: {  	v2 =	vnsel vm10, $0x0, v1  }
0x97: {  	v2 =	vmin.u32 v2, $0xFF  }
0x98: {  	v2 =	vshll.u32 v2, $0x7  }
0x99: {  	v2 =	vadd.s32 v3, v2;
	_ =	sdelay $0x3  }
0x9a: {  	v56 =	vld [tilespmem:s23+$0xFFFFFE00]  }
0x9b: {  	v2 =	vld.idx.msk [tilespmem:v2+s13+$0x0], $0xffff;
	_ =	sdelay $0x3  }
0x9c: {  	vm11 =	vlt.u32 v1, $0x100  }
0x9d: {  	v1 =	vsel vm11, v2, v56  }
0x9e: {  	[tilespmem:s23+$0xFFFFFE00] =	vst v1  }
0x9f: {  	v1 =	vld [tilespmem:s24+$0xFFFFFE80];
	_ =	sdelay $0x4  }
0xa0: {  	v1 =	vadd.s32 $0xFFFFFF80, v1  }
0xa1: {  	vm12 =	vgt.s32 v1, $0x0  }
0xa2: {  	v2 =	vnsel vm12, $0x0, v1  }
0xa3: {  	v2 =	vmin.u32 v2, $0xFF  }
0xa4: {  	v2 =	vshll.u32 v2, $0x7  }
0xa5: {  	v2 =	vadd.s32 v3, v2;
	_ =	sdelay $0x3  }
0xa6: {  	v57 =	vld [tilespmem:s23+$0xFFFFFE80]  }
0xa7: {  	v2 =	vld.idx.msk [tilespmem:v2+s13+$0x0], $0xffff;
	_ =	sdelay $0x3  }
0xa8: {  	vm13 =	vlt.u32 v1, $0x100  }
0xa9: {  	v1 =	vsel vm13, v2, v57  }
0xaa: {  	[tilespmem:s23+$0xFFFFFE80] =	vst v1  }
0xab: {  	v1 =	vld [tilespmem:s24+$0xFFFFFF00];
	_ =	sdelay $0x4  }
0xac: {  	v1 =	vadd.s32 $0xFFFFFF80, v1  }
0xad: {  	vm14 =	vgt.s32 v1, $0x0  }
0xae: {  	v2 =	vnsel vm14, $0x0, v1  }
0xaf: {  	v2 =	vmin.u32 v2, $0xFF  }
0xb0: {  	v2 =	vshll.u32 v2, $0x7  }
0xb1: {  	v2 =	vadd.s32 v3, v2;
	_ =	sdelay $0x3  }
0xb2: {  	v58 =	vld [tilespmem:s23+$0xFFFFFF00]  }
0xb3: {  	v2 =	vld.idx.msk [tilespmem:v2+s13+$0x0], $0xffff;
	_ =	sdelay $0x3  }
0xb4: {  	vm15 =	vlt.u32 v1, $0x100  }
0xb5: {  	v1 =	vsel vm15, v2, v58  }
0xb6: {  	[tilespmem:s23+$0xFFFFFF00] =	vst v1  }
0xb7: {  	v1 =	vld [tilespmem:s24+$0xFFFFFF80];
	_ =	sdelay $0x4  }
0xb8: {  	v1 =	vadd.s32 $0xFFFFFF80, v1  }
0xb9: {  	vm4 =	vgt.s32 v1, $0x0  }
0xba: {  	v2 =	vnsel vm4, $0x0, v1  }
0xbb: {  	v2 =	vmin.u32 v2, $0xFF  }
0xbc: {  	v2 =	vshll.u32 v2, $0x7  }
0xbd: {  	v2 =	vadd.s32 v3, v2;
	_ =	sdelay $0x3  }
0xbe: {  	v59 =	vld [tilespmem:s23+$0xFFFFFF80]  }
0xbf: {  	v2 =	vld.idx.msk [tilespmem:v2+s13+$0x0], $0xffff;
	_ =	sdelay $0x3  }
0xc0: {  	vm5 =	vlt.u32 v1, $0x100  }
0xc1: {  	v1 =	vsel vm5, v2, v59  }
0xc2: {  	[tilespmem:s23+$0xFFFFFF80] =	vst v1  }
0xc3: {  	v1 =	vld [tilespmem:s24+$0x0];
	_ =	sdelay $0x4  }
0xc4: {  	v1 =	vadd.s32 $0xFFFFFF80, v1  }
0xc5: {  	vm6 =	vgt.s32 v1, $0x0  }
0xc6: {  	v2 =	vnsel vm6, $0x0, v1  }
0xc7: {  	v2 =	vmin.u32 v2, $0xFF  }
0xc8: {  	v2 =	vshll.u32 v2, $0x7  }
0xc9: {  	v2 =	vadd.s32 v3, v2;
	_ =	sdelay $0x3  }
0xca: {  	v60 =	vld [tilespmem:s23+$0x0]  }
0xcb: {  	v2 =	vld.idx.msk [tilespmem:v2+s13+$0x0], $0xffff;
	_ =	sdelay $0x3  }
0xcc: {  	vm7 =	vlt.u32 v1, $0x100  }
0xcd: {  	v1 =	vsel vm7, v2, v60  }
0xce: {  	[tilespmem:s23+$0x0] =	vst v1  }
0xcf: {  	v1 =	vld [tilespmem:s24+$0x80];
	_ =	sdelay $0x4  }
0xd0: {  	v1 =	vadd.s32 $0xFFFFFF80, v1  }
0xd1: {  	vm8 =	vgt.s32 v1, $0x0  }
0xd2: {  	v2 =	vnsel vm8, $0x0, v1  }
0xd3: {  	v2 =	vmin.u32 v2, $0xFF  }
0xd4: {  	v2 =	vshll.u32 v2, $0x7  }
0xd5: {  	v2 =	vadd.s32 v3, v2;
	_ =	sdelay $0x3  }
0xd6: {  	v61 =	vld [tilespmem:s23+$0x80]  }
0xd7: {  	v2 =	vld.idx.msk [tilespmem:v2+s13+$0x0], $0xffff;
	_ =	sdelay $0x3  }
0xd8: {  	vm9 =	vlt.u32 v1, $0x100  }
0xd9: {  	v1 =	vsel vm9, v2, v61  }
0xda: {  	[tilespmem:s23+$0x80] =	vst v1  }
0xdb: {  	v1 =	vld [tilespmem:s24+$0x100];
	_ =	sdelay $0x4  }
0xdc: {  	v1 =	vadd.s32 $0xFFFFFF80, v1  }
0xdd: {  	vm10 =	vgt.s32 v1, $0x0  }
0xde: {  	v2 =	vnsel vm10, $0x0, v1  }
0xdf: {  	v2 =	vmin.u32 v2, $0xFF  }
0xe0: {  	v2 =	vshll.u32 v2, $0x7  }
0xe1: {  	v2 =	vadd.s32 v3, v2;
	_ =	sdelay $0x3  }
0xe2: {  	v62 =	vld [tilespmem:s23+$0x100]  }
0xe3: {  	v2 =	vld.idx.msk [tilespmem:v2+s13+$0x0], $0xffff;
	_ =	sdelay $0x3  }
0xe4: {  	vm11 =	vlt.u32 v1, $0x100  }
0xe5: {  	v1 =	vsel vm11, v2, v62  }
0xe6: {  	[tilespmem:s23+$0x100] =	vst v1  }
0xe7: {  	v1 =	vld [tilespmem:s24+$0x180];
	_ =	sdelay $0x4  }
0xe8: {  	v1 =	vadd.s32 $0xFFFFFF80, v1  }
0xe9: {  	vm12 =	vgt.s32 v1, $0x0  }
0xea: {  	v2 =	vnsel vm12, $0x0, v1  }
0xeb: {  	v2 =	vmin.u32 v2, $0xFF  }
0xec: {  	v2 =	vshll.u32 v2, $0x7  }
0xed: {  	v2 =	vadd.s32 v3, v2;
	_ =	sdelay $0x3  }
0xee: {  	v63 =	vld [tilespmem:s23+$0x180]  }
0xef: {  	v2 =	vld.idx.msk [tilespmem:v2+s13+$0x0], $0xffff;
	_ =	sdelay $0x3  }
0xf0: {  	vm13 =	vlt.u32 v1, $0x100  }
0xf1: {  	v1 =	vsel vm13, v2, v63  }
0xf2: {  	[tilespmem:s23+$0x180] =	vst v1  }
0xf3: {  	v1 =	vld [tilespmem:s24+$0x200];
	_ =	sdelay $0x4  }
0xf4: {  	v1 =	vadd.s32 $0xFFFFFF80, v1  }
0xf5: {  	vm14 =	vgt.s32 v1, $0x0  }
0xf6: {  	v2 =	vnsel vm14, $0x0, v1  }
0xf7: {  	v2 =	vmin.u32 v2, $0xFF  }
0xf8: {  	v2 =	vshll.u32 v2, $0x7  }
0xf9: {  	v2 =	vadd.s32 v3, v2;
	_ =	sdelay $0x3  }
0xfa: {  	v3 =	vld [tilespmem:s23+$0x200]  }
0xfb: {  	v2 =	vld.idx.msk [tilespmem:v2+s13+$0x0], $0xffff  }
0xfc: {  	p0 =	sne.s32 s22, $0x70  }
.Ltmp1:
0xfd: {  	_ = 	snop;
	(pc) =	sbr.rel @p0 .LBB2_4-.Ltmp1, $4  }
0xfe: {  	_ = 	snop  }
0xff: {  	vm15 =	vlt.u32 v1, $0x100  }
0x100: {  	v1 =	vsel vm15, v2, v3  }
0x101: {  	s22 =	sadd.s32 $0x10, s22;
	s24 =	sadd.s32 $0x10, s24;
	[tilespmem:s23+$0x200] =	vst v1;
	s23 =	sadd.s32 $0x10, s23  }
0x102: {  	[tilespmem:s13], [sflag:$0x2] =	stream.strided.gather [hbm4b:s8+s12], $0x8000, s13, s12, $0x38;
	[tilespmem:$0x11000] =	vst v63  }
0x103: {  	_ =	swait.ge [sflag:s17], $0x8000  }
0x104: {  	s22 =	simm.s32 $0x0;
	[sflag:s17] =	ssyncset.done $0x0  }
0x105: {  	s23 =	simm.s32 $0x10A80;
	s24 =	simm.s32 $0x10280;
	[sflag:s17] =	ssyncadd.s32 $0xFFFF8000  }
.LBB2_6:
0x106: {  	v1 =	vld [tilespmem:s24+$0xFFFFFD80];
	_ =	sdelay $0x4  }
0x107: {  	v1 =	vadd.s32 $0xFFFFFE80, v1  }
0x108: {  	vm0 =	vgt.s32 v1, $0x0  }
0x109: {  	v2 =	vnsel vm0, $0x0, v1  }
0x10a: {  	v2 =	vmin.u32 v2, $0xFF  }
0x10b: {  	v3 =	vor.u32 s22, v0;
	v2 =	vshll.u32 v2, $0x7  }
0x10c: {  	v2 =	vadd.s32 v3, v2;
	_ =	sdelay $0x3  }
0x10d: {  	v4 =	vld [tilespmem:s23+$0xFFFFFD80]  }
0x10e: {  	v2 =	vld.idx.msk [tilespmem:v2+s2+$0x0], $0xffff;
	_ =	sdelay $0x3  }
0x10f: {  	vm9 =	vlt.u32 v1, $0x100  }
0x110: {  	v1 =	vsel vm9, v2, v4  }
0x111: {  	[tilespmem:s23+$0xFFFFFD80] =	vst v1  }
0x112: {  	v1 =	vld [tilespmem:s24+$0xFFFFFE00];
	_ =	sdelay $0x4  }
0x113: {  	v1 =	vadd.s32 $0xFFFFFE80, v1  }
0x114: {  	vm10 =	vgt.s32 v1, $0x0  }
0x115: {  	v2 =	vnsel vm10, $0x0, v1  }
0x116: {  	v2 =	vmin.u32 v2, $0xFF  }
0x117: {  	v2 =	vshll.u32 v2, $0x7  }
0x118: {  	v2 =	vadd.s32 v3, v2;
	_ =	sdelay $0x3  }
0x119: {  	v56 =	vld [tilespmem:s23+$0xFFFFFE00]  }
0x11a: {  	v2 =	vld.idx.msk [tilespmem:v2+s2+$0x0], $0xffff;
	_ =	sdelay $0x3  }
0x11b: {  	vm11 =	vlt.u32 v1, $0x100  }
0x11c: {  	v1 =	vsel vm11, v2, v56  }
0x11d: {  	[tilespmem:s23+$0xFFFFFE00] =	vst v1  }
0x11e: {  	v1 =	vld [tilespmem:s24+$0xFFFFFE80];
	_ =	sdelay $0x4  }
0x11f: {  	v1 =	vadd.s32 $0xFFFFFE80, v1  }
0x120: {  	vm12 =	vgt.s32 v1, $0x0  }
0x121: {  	v2 =	vnsel vm12, $0x0, v1  }
0x122: {  	v2 =	vmin.u32 v2, $0xFF  }
0x123: {  	v2 =	vshll.u32 v2, $0x7  }
0x124: {  	v2 =	vadd.s32 v3, v2;
	_ =	sdelay $0x3  }
0x125: {  	v57 =	vld [tilespmem:s23+$0xFFFFFE80]  }
0x126: {  	v2 =	vld.idx.msk [tilespmem:v2+s2+$0x0], $0xffff;
	_ =	sdelay $0x3  }
0x127: {  	vm13 =	vlt.u32 v1, $0x100  }
0x128: {  	v1 =	vsel vm13, v2, v57  }
0x129: {  	[tilespmem:s23+$0xFFFFFE80] =	vst v1  }
0x12a: {  	v1 =	vld [tilespmem:s24+$0xFFFFFF00];
	_ =	sdelay $0x4  }
0x12b: {  	v1 =	vadd.s32 $0xFFFFFE80, v1  }
0x12c: {  	vm14 =	vgt.s32 v1, $0x0  }
0x12d: {  	v2 =	vnsel vm14, $0x0, v1  }
0x12e: {  	v2 =	vmin.u32 v2, $0xFF  }
0x12f: {  	v2 =	vshll.u32 v2, $0x7  }
0x130: {  	v2 =	vadd.s32 v3, v2;
	_ =	sdelay $0x3  }
0x131: {  	v58 =	vld [tilespmem:s23+$0xFFFFFF00]  }
0x132: {  	v2 =	vld.idx.msk [tilespmem:v2+s2+$0x0], $0xffff;
	_ =	sdelay $0x3  }
0x133: {  	vm15 =	vlt.u32 v1, $0x100  }
0x134: {  	v1 =	vsel vm15, v2, v58  }
0x135: {  	[tilespmem:s23+$0xFFFFFF00] =	vst v1  }
0x136: {  	v1 =	vld [tilespmem:s24+$0xFFFFFF80];
	_ =	sdelay $0x4  }
0x137: {  	v1 =	vadd.s32 $0xFFFFFE80, v1  }
0x138: {  	vm4 =	vgt.s32 v1, $0x0  }
0x139: {  	v2 =	vnsel vm4, $0x0, v1  }
0x13a: {  	v2 =	vmin.u32 v2, $0xFF  }
0x13b: {  	v2 =	vshll.u32 v2, $0x7  }
0x13c: {  	v2 =	vadd.s32 v3, v2;
	_ =	sdelay $0x3  }
0x13d: {  	v59 =	vld [tilespmem:s23+$0xFFFFFF80]  }
0x13e: {  	v2 =	vld.idx.msk [tilespmem:v2+s2+$0x0], $0xffff;
	_ =	sdelay $0x3  }
0x13f: {  	vm5 =	vlt.u32 v1, $0x100  }
0x140: {  	v1 =	vsel vm5, v2, v59  }
0x141: {  	[tilespmem:s23+$0xFFFFFF80] =	vst v1  }
0x142: {  	v1 =	vld [tilespmem:s24+$0x0];
	_ =	sdelay $0x4  }
0x143: {  	v1 =	vadd.s32 $0xFFFFFE80, v1  }
0x144: {  	vm6 =	vgt.s32 v1, $0x0  }
0x145: {  	v2 =	vnsel vm6, $0x0, v1  }
0x146: {  	v2 =	vmin.u32 v2, $0xFF  }
0x147: {  	v2 =	vshll.u32 v2, $0x7  }
0x148: {  	v2 =	vadd.s32 v3, v2;
	_ =	sdelay $0x3  }
0x149: {  	v60 =	vld [tilespmem:s23+$0x0]  }
0x14a: {  	v2 =	vld.idx.msk [tilespmem:v2+s2+$0x0], $0xffff;
	_ =	sdelay $0x3  }
0x14b: {  	vm7 =	vlt.u32 v1, $0x100  }
0x14c: {  	v1 =	vsel vm7, v2, v60  }
0x14d: {  	[tilespmem:s23+$0x0] =	vst v1  }
0x14e: {  	v1 =	vld [tilespmem:s24+$0x80];
	_ =	sdelay $0x4  }
0x14f: {  	v1 =	vadd.s32 $0xFFFFFE80, v1  }
0x150: {  	vm8 =	vgt.s32 v1, $0x0  }
0x151: {  	v2 =	vnsel vm8, $0x0, v1  }
0x152: {  	v2 =	vmin.u32 v2, $0xFF  }
0x153: {  	v2 =	vshll.u32 v2, $0x7  }
0x154: {  	v2 =	vadd.s32 v3, v2;
	_ =	sdelay $0x3  }
0x155: {  	v61 =	vld [tilespmem:s23+$0x80]  }
0x156: {  	v2 =	vld.idx.msk [tilespmem:v2+s2+$0x0], $0xffff;
	_ =	sdelay $0x3  }
0x157: {  	vm9 =	vlt.u32 v1, $0x100  }
0x158: {  	v1 =	vsel vm9, v2, v61  }
0x159: {  	[tilespmem:s23+$0x80] =	vst v1  }
0x15a: {  	v1 =	vld [tilespmem:s24+$0x100];
	_ =	sdelay $0x4  }
0x15b: {  	v1 =	vadd.s32 $0xFFFFFE80, v1  }
0x15c: {  	vm10 =	vgt.s32 v1, $0x0  }
0x15d: {  	v2 =	vnsel vm10, $0x0, v1  }
0x15e: {  	v2 =	vmin.u32 v2, $0xFF  }
0x15f: {  	v2 =	vshll.u32 v2, $0x7  }
0x160: {  	v2 =	vadd.s32 v3, v2;
	_ =	sdelay $0x3  }
0x161: {  	v62 =	vld [tilespmem:s23+$0x100]  }
0x162: {  	v2 =	vld.idx.msk [tilespmem:v2+s2+$0x0], $0xffff;
	_ =	sdelay $0x3  }
0x163: {  	vm11 =	vlt.u32 v1, $0x100  }
0x164: {  	v1 =	vsel vm11, v2, v62  }
0x165: {  	[tilespmem:s23+$0x100] =	vst v1  }
0x166: {  	v1 =	vld [tilespmem:s24+$0x180];
	_ =	sdelay $0x4  }
0x167: {  	v1 =	vadd.s32 $0xFFFFFE80, v1  }
0x168: {  	vm12 =	vgt.s32 v1, $0x0  }
0x169: {  	v2 =	vnsel vm12, $0x0, v1  }
0x16a: {  	v2 =	vmin.u32 v2, $0xFF  }
0x16b: {  	v2 =	vshll.u32 v2, $0x7  }
0x16c: {  	v2 =	vadd.s32 v3, v2;
	_ =	sdelay $0x3  }
0x16d: {  	v63 =	vld [tilespmem:s23+$0x180]  }
0x16e: {  	v2 =	vld.idx.msk [tilespmem:v2+s2+$0x0], $0xffff;
	_ =	sdelay $0x3  }
0x16f: {  	vm13 =	vlt.u32 v1, $0x100  }
0x170: {  	v1 =	vsel vm13, v2, v63  }
0x171: {  	[tilespmem:s23+$0x180] =	vst v1  }
0x172: {  	v1 =	vld [tilespmem:s24+$0x200];
	_ =	sdelay $0x4  }
0x173: {  	v1 =	vadd.s32 $0xFFFFFE80, v1  }
0x174: {  	vm14 =	vgt.s32 v1, $0x0  }
0x175: {  	v2 =	vnsel vm14, $0x0, v1  }
0x176: {  	v2 =	vmin.u32 v2, $0xFF  }
0x177: {  	v2 =	vshll.u32 v2, $0x7  }
0x178: {  	v2 =	vadd.s32 v3, v2;
	_ =	sdelay $0x3  }
0x179: {  	v3 =	vld [tilespmem:s23+$0x200]  }
0x17a: {  	v2 =	vld.idx.msk [tilespmem:v2+s2+$0x0], $0xffff  }
0x17b: {  	p0 =	sne.s32 s22, $0x70  }
.Ltmp2:
0x17c: {  	_ = 	snop;
	(pc) =	sbr.rel @p0 .LBB2_6-.Ltmp2, $4  }
0x17d: {  	_ = 	snop  }
0x17e: {  	vm15 =	vlt.u32 v1, $0x100  }
0x17f: {  	v1 =	vsel vm15, v2, v3  }
0x180: {  	s22 =	sadd.s32 $0x10, s22;
	s24 =	sadd.s32 $0x10, s24;
	[tilespmem:s23+$0x200] =	vst v1;
	s23 =	sadd.s32 $0x10, s23  }
0x181: {  	s22 =	simm.s32 $0x0  }
0x182: {  	[tilespmem:s22], [sflag:$0x1] =	stream.strided.gather [hbm4b:s9+s12], $0x3400, s13, s12, $0x38;
	[tilespmem:$0x11000] =	vst v63  }
0x183: {  	_ =	swait.ge [sflag:s18], $0x8000  }
0x184: {  	[sflag:s18] =	ssyncset.done $0x0  }
0x185: {  	s23 =	simm.s32 $0x10A80;
	s24 =	simm.s32 $0x10280;
	[sflag:s18] =	ssyncadd.s32 $0xFFFF8000  }
.LBB2_8:
0x186: {  	v1 =	vld [tilespmem:s24+$0xFFFFFD80];
	_ =	sdelay $0x4  }
0x187: {  	v1 =	vadd.s32 $0xFFFFFD80, v1  }
0x188: {  	vm0 =	vgt.s32 v1, $0x0  }
0x189: {  	v2 =	vnsel vm0, $0x0, v1  }
0x18a: {  	v2 =	vmin.u32 v2, $0xFF  }
0x18b: {  	v3 =	vor.u32 s22, v0;
	v2 =	vshll.u32 v2, $0x7  }
0x18c: {  	v2 =	vadd.s32 v3, v2;
	_ =	sdelay $0x3  }
0x18d: {  	v4 =	vld [tilespmem:s23+$0xFFFFFD80]  }
0x18e: {  	v2 =	vld.idx.msk [tilespmem:v2+s13+$0x0], $0xffff;
	_ =	sdelay $0x3  }
0x18f: {  	vm9 =	vlt.u32 v1, $0x100  }
0x190: {  	v1 =	vsel vm9, v2, v4  }
0x191: {  	[tilespmem:s23+$0xFFFFFD80] =	vst v1  }
0x192: {  	v1 =	vld [tilespmem:s24+$0xFFFFFE00];
	_ =	sdelay $0x4  }
0x193: {  	v1 =	vadd.s32 $0xFFFFFD80, v1  }
0x194: {  	vm10 =	vgt.s32 v1, $0x0  }
0x195: {  	v2 =	vnsel vm10, $0x0, v1  }
0x196: {  	v2 =	vmin.u32 v2, $0xFF  }
0x197: {  	v2 =	vshll.u32 v2, $0x7  }
0x198: {  	v2 =	vadd.s32 v3, v2;
	_ =	sdelay $0x3  }
0x199: {  	v56 =	vld [tilespmem:s23+$0xFFFFFE00]  }
0x19a: {  	v2 =	vld.idx.msk [tilespmem:v2+s13+$0x0], $0xffff;
	_ =	sdelay $0x3  }
0x19b: {  	vm11 =	vlt.u32 v1, $0x100  }
0x19c: {  	v1 =	vsel vm11, v2, v56  }
0x19d: {  	[tilespmem:s23+$0xFFFFFE00] =	vst v1  }
0x19e: {  	v1 =	vld [tilespmem:s24+$0xFFFFFE80];
	_ =	sdelay $0x4  }
0x19f: {  	v1 =	vadd.s32 $0xFFFFFD80, v1  }
0x1a0: {  	vm12 =	vgt.s32 v1, $0x0  }
0x1a1: {  	v2 =	vnsel vm12, $0x0, v1  }
0x1a2: {  	v2 =	vmin.u32 v2, $0xFF  }
0x1a3: {  	v2 =	vshll.u32 v2, $0x7  }
0x1a4: {  	v2 =	vadd.s32 v3, v2;
	_ =	sdelay $0x3  }
0x1a5: {  	v57 =	vld [tilespmem:s23+$0xFFFFFE80]  }
0x1a6: {  	v2 =	vld.idx.msk [tilespmem:v2+s13+$0x0], $0xffff;
	_ =	sdelay $0x3  }
0x1a7: {  	vm13 =	vlt.u32 v1, $0x100  }
0x1a8: {  	v1 =	vsel vm13, v2, v57  }
0x1a9: {  	[tilespmem:s23+$0xFFFFFE80] =	vst v1  }
0x1aa: {  	v1 =	vld [tilespmem:s24+$0xFFFFFF00];
	_ =	sdelay $0x4  }
0x1ab: {  	v1 =	vadd.s32 $0xFFFFFD80, v1  }
0x1ac: {  	vm14 =	vgt.s32 v1, $0x0  }
0x1ad: {  	v2 =	vnsel vm14, $0x0, v1  }
0x1ae: {  	v2 =	vmin.u32 v2, $0xFF  }
0x1af: {  	v2 =	vshll.u32 v2, $0x7  }
0x1b0: {  	v2 =	vadd.s32 v3, v2;
	_ =	sdelay $0x3  }
0x1b1: {  	v58 =	vld [tilespmem:s23+$0xFFFFFF00]  }
0x1b2: {  	v2 =	vld.idx.msk [tilespmem:v2+s13+$0x0], $0xffff;
	_ =	sdelay $0x3  }
0x1b3: {  	vm15 =	vlt.u32 v1, $0x100  }
0x1b4: {  	v1 =	vsel vm15, v2, v58  }
0x1b5: {  	[tilespmem:s23+$0xFFFFFF00] =	vst v1  }
0x1b6: {  	v1 =	vld [tilespmem:s24+$0xFFFFFF80];
	_ =	sdelay $0x4  }
0x1b7: {  	v1 =	vadd.s32 $0xFFFFFD80, v1  }
0x1b8: {  	vm4 =	vgt.s32 v1, $0x0  }
0x1b9: {  	v2 =	vnsel vm4, $0x0, v1  }
0x1ba: {  	v2 =	vmin.u32 v2, $0xFF  }
0x1bb: {  	v2 =	vshll.u32 v2, $0x7  }
0x1bc: {  	v2 =	vadd.s32 v3, v2;
	_ =	sdelay $0x3  }
0x1bd: {  	v59 =	vld [tilespmem:s23+$0xFFFFFF80]  }
0x1be: {  	v2 =	vld.idx.msk [tilespmem:v2+s13+$0x0], $0xffff;
	_ =	sdelay $0x3  }
0x1bf: {  	vm5 =	vlt.u32 v1, $0x100  }
0x1c0: {  	v1 =	vsel vm5, v2, v59  }
0x1c1: {  	[tilespmem:s23+$0xFFFFFF80] =	vst v1  }
0x1c2: {  	v1 =	vld [tilespmem:s24+$0x0];
	_ =	sdelay $0x4  }
0x1c3: {  	v1 =	vadd.s32 $0xFFFFFD80, v1  }
0x1c4: {  	vm6 =	vgt.s32 v1, $0x0  }
0x1c5: {  	v2 =	vnsel vm6, $0x0, v1  }
0x1c6: {  	v2 =	vmin.u32 v2, $0xFF  }
0x1c7: {  	v2 =	vshll.u32 v2, $0x7  }
0x1c8: {  	v2 =	vadd.s32 v3, v2;
	_ =	sdelay $0x3  }
0x1c9: {  	v60 =	vld [tilespmem:s23+$0x0]  }
0x1ca: {  	v2 =	vld.idx.msk [tilespmem:v2+s13+$0x0], $0xffff;
	_ =	sdelay $0x3  }
0x1cb: {  	vm7 =	vlt.u32 v1, $0x100  }
0x1cc: {  	v1 =	vsel vm7, v2, v60  }
0x1cd: {  	[tilespmem:s23+$0x0] =	vst v1  }
0x1ce: {  	v1 =	vld [tilespmem:s24+$0x80];
	_ =	sdelay $0x4  }
0x1cf: {  	v1 =	vadd.s32 $0xFFFFFD80, v1  }
0x1d0: {  	vm8 =	vgt.s32 v1, $0x0  }
0x1d1: {  	v2 =	vnsel vm8, $0x0, v1  }
0x1d2: {  	v2 =	vmin.u32 v2, $0xFF  }
0x1d3: {  	v2 =	vshll.u32 v2, $0x7  }
0x1d4: {  	v2 =	vadd.s32 v3, v2;
	_ =	sdelay $0x3  }
0x1d5: {  	v61 =	vld [tilespmem:s23+$0x80]  }
0x1d6: {  	v2 =	vld.idx.msk [tilespmem:v2+s13+$0x0], $0xffff;
	_ =	sdelay $0x3  }
0x1d7: {  	vm9 =	vlt.u32 v1, $0x100  }
0x1d8: {  	v1 =	vsel vm9, v2, v61  }
0x1d9: {  	[tilespmem:s23+$0x80] =	vst v1  }
0x1da: {  	v1 =	vld [tilespmem:s24+$0x100];
	_ =	sdelay $0x4  }
0x1db: {  	v1 =	vadd.s32 $0xFFFFFD80, v1  }
0x1dc: {  	vm10 =	vgt.s32 v1, $0x0  }
0x1dd: {  	v2 =	vnsel vm10, $0x0, v1  }
0x1de: {  	v2 =	vmin.u32 v2, $0xFF  }
0x1df: {  	v2 =	vshll.u32 v2, $0x7  }
0x1e0: {  	v2 =	vadd.s32 v3, v2;
	_ =	sdelay $0x3  }
0x1e1: {  	v62 =	vld [tilespmem:s23+$0x100]  }
0x1e2: {  	v2 =	vld.idx.msk [tilespmem:v2+s13+$0x0], $0xffff;
	_ =	sdelay $0x3  }
0x1e3: {  	vm11 =	vlt.u32 v1, $0x100  }
0x1e4: {  	v1 =	vsel vm11, v2, v62  }
0x1e5: {  	[tilespmem:s23+$0x100] =	vst v1  }
0x1e6: {  	v1 =	vld [tilespmem:s24+$0x180];
	_ =	sdelay $0x4  }
0x1e7: {  	v1 =	vadd.s32 $0xFFFFFD80, v1  }
0x1e8: {  	vm12 =	vgt.s32 v1, $0x0  }
0x1e9: {  	v2 =	vnsel vm12, $0x0, v1  }
0x1ea: {  	v2 =	vmin.u32 v2, $0xFF  }
0x1eb: {  	v2 =	vshll.u32 v2, $0x7  }
0x1ec: {  	v2 =	vadd.s32 v3, v2;
	_ =	sdelay $0x3  }
0x1ed: {  	v63 =	vld [tilespmem:s23+$0x180]  }
0x1ee: {  	v2 =	vld.idx.msk [tilespmem:v2+s13+$0x0], $0xffff;
	_ =	sdelay $0x3  }
0x1ef: {  	vm13 =	vlt.u32 v1, $0x100  }
0x1f0: {  	v1 =	vsel vm13, v2, v63  }
0x1f1: {  	[tilespmem:s23+$0x180] =	vst v1  }
0x1f2: {  	v1 =	vld [tilespmem:s24+$0x200];
	_ =	sdelay $0x4  }
0x1f3: {  	v1 =	vadd.s32 $0xFFFFFD80, v1  }
0x1f4: {  	vm14 =	vgt.s32 v1, $0x0  }
0x1f5: {  	v2 =	vnsel vm14, $0x0, v1  }
0x1f6: {  	v2 =	vmin.u32 v2, $0xFF  }
0x1f7: {  	v2 =	vshll.u32 v2, $0x7  }
0x1f8: {  	v2 =	vadd.s32 v3, v2;
	_ =	sdelay $0x3  }
0x1f9: {  	v3 =	vld [tilespmem:s23+$0x200]  }
0x1fa: {  	v2 =	vld.idx.msk [tilespmem:v2+s13+$0x0], $0xffff  }
0x1fb: {  	p0 =	sne.s32 s22, $0x70  }
.Ltmp3:
0x1fc: {  	_ = 	snop;
	(pc) =	sbr.rel @p0 .LBB2_8-.Ltmp3, $4  }
0x1fd: {  	_ = 	snop  }
0x1fe: {  	vm15 =	vlt.u32 v1, $0x100  }
0x1ff: {  	v1 =	vsel vm15, v2, v3  }
0x200: {  	s22 =	sadd.s32 $0x10, s22;
	s24 =	sadd.s32 $0x10, s24;
	[tilespmem:s23+$0x200] =	vst v1;
	s23 =	sadd.s32 $0x10, s23  }
0x201: {  	_ =	swait.ge [sflag:s17], $0x3400  }
0x202: {  	s22 =	simm.s32 $0x0;
	[sflag:s17] =	ssyncset.done $0x0  }
0x203: {  	s23 =	simm.s32 $0x10A80;
	s24 =	simm.s32 $0x10280;
	[sflag:s17] =	ssyncadd.s32 $0xFFFFCC00  }
.LBB2_10:
0x204: {  	v1 =	vld [tilespmem:s24+$0xFFFFFD80];
	_ =	sdelay $0x4  }
0x205: {  	v1 =	vadd.s32 $0xFFFFFC80, v1  }
0x206: {  	vm0 =	vgt.s32 v1, $0x0  }
0x207: {  	v2 =	vnsel vm0, $0x0, v1  }
0x208: {  	v2 =	vmin.u32 v2, $0x67  }
0x209: {  	v3 =	vor.u32 s22, v0;
	v2 =	vshll.u32 v2, $0x7  }
0x20a: {  	v2 =	vadd.s32 v3, v2;
	_ =	sdelay $0x3  }
0x20b: {  	v4 =	vld [tilespmem:s23+$0xFFFFFD80]  }
0x20c: {  	v2 =	vld.idx.msk [tilespmem:v2+s2+$0x0], $0xffff;
	_ =	sdelay $0x3  }
0x20d: {  	vm9 =	vlt.u32 v1, $0x68  }
0x20e: {  	v1 =	vsel vm9, v2, v4  }
0x20f: {  	[tilespmem:s23+$0xFFFFFD80] =	vst v1  }
0x210: {  	v1 =	vld [tilespmem:s24+$0xFFFFFE00];
	_ =	sdelay $0x4  }
0x211: {  	v1 =	vadd.s32 $0xFFFFFC80, v1  }
0x212: {  	vm10 =	vgt.s32 v1, $0x0  }
0x213: {  	v2 =	vnsel vm10, $0x0, v1  }
0x214: {  	v2 =	vmin.u32 v2, $0x67  }
0x215: {  	v2 =	vshll.u32 v2, $0x7  }
0x216: {  	v2 =	vadd.s32 v3, v2;
	_ =	sdelay $0x3  }
0x217: {  	v56 =	vld [tilespmem:s23+$0xFFFFFE00]  }
0x218: {  	v2 =	vld.idx.msk [tilespmem:v2+s2+$0x0], $0xffff;
	_ =	sdelay $0x3  }
0x219: {  	vm11 =	vlt.u32 v1, $0x68  }
0x21a: {  	v1 =	vsel vm11, v2, v56  }
0x21b: {  	[tilespmem:s23+$0xFFFFFE00] =	vst v1  }
0x21c: {  	v1 =	vld [tilespmem:s24+$0xFFFFFE80];
	_ =	sdelay $0x4  }
0x21d: {  	v1 =	vadd.s32 $0xFFFFFC80, v1  }
0x21e: {  	vm12 =	vgt.s32 v1, $0x0  }
0x21f: {  	v2 =	vnsel vm12, $0x0, v1  }
0x220: {  	v2 =	vmin.u32 v2, $0x67  }
0x221: {  	v2 =	vshll.u32 v2, $0x7  }
0x222: {  	v2 =	vadd.s32 v3, v2;
	_ =	sdelay $0x3  }
0x223: {  	v57 =	vld [tilespmem:s23+$0xFFFFFE80]  }
0x224: {  	v2 =	vld.idx.msk [tilespmem:v2+s2+$0x0], $0xffff;
	_ =	sdelay $0x3  }
0x225: {  	vm13 =	vlt.u32 v1, $0x68  }
0x226: {  	v1 =	vsel vm13, v2, v57  }
0x227: {  	[tilespmem:s23+$0xFFFFFE80] =	vst v1  }
0x228: {  	v1 =	vld [tilespmem:s24+$0xFFFFFF00];
	_ =	sdelay $0x4  }
0x229: {  	v1 =	vadd.s32 $0xFFFFFC80, v1  }
0x22a: {  	vm14 =	vgt.s32 v1, $0x0  }
0x22b: {  	v2 =	vnsel vm14, $0x0, v1  }
0x22c: {  	v2 =	vmin.u32 v2, $0x67  }
0x22d: {  	v2 =	vshll.u32 v2, $0x7  }
0x22e: {  	v2 =	vadd.s32 v3, v2;
	_ =	sdelay $0x3  }
0x22f: {  	v58 =	vld [tilespmem:s23+$0xFFFFFF00]  }
0x230: {  	v2 =	vld.idx.msk [tilespmem:v2+s2+$0x0], $0xffff;
	_ =	sdelay $0x3  }
0x231: {  	vm15 =	vlt.u32 v1, $0x68  }
0x232: {  	v1 =	vsel vm15, v2, v58  }
0x233: {  	[tilespmem:s23+$0xFFFFFF00] =	vst v1  }
0x234: {  	v1 =	vld [tilespmem:s24+$0xFFFFFF80];
	_ =	sdelay $0x4  }
0x235: {  	v1 =	vadd.s32 $0xFFFFFC80, v1  }
0x236: {  	vm4 =	vgt.s32 v1, $0x0  }
0x237: {  	v2 =	vnsel vm4, $0x0, v1  }
0x238: {  	v2 =	vmin.u32 v2, $0x67  }
0x239: {  	v2 =	vshll.u32 v2, $0x7  }
0x23a: {  	v2 =	vadd.s32 v3, v2;
	_ =	sdelay $0x3  }
0x23b: {  	v59 =	vld [tilespmem:s23+$0xFFFFFF80]  }
0x23c: {  	v2 =	vld.idx.msk [tilespmem:v2+s2+$0x0], $0xffff;
	_ =	sdelay $0x3  }
0x23d: {  	vm5 =	vlt.u32 v1, $0x68  }
0x23e: {  	v1 =	vsel vm5, v2, v59  }
0x23f: {  	[tilespmem:s23+$0xFFFFFF80] =	vst v1  }
0x240: {  	v1 =	vld [tilespmem:s24+$0x0];
	_ =	sdelay $0x4  }
0x241: {  	v1 =	vadd.s32 $0xFFFFFC80, v1  }
0x242: {  	vm6 =	vgt.s32 v1, $0x0  }
0x243: {  	v2 =	vnsel vm6, $0x0, v1  }
0x244: {  	v2 =	vmin.u32 v2, $0x67  }
0x245: {  	v2 =	vshll.u32 v2, $0x7  }
0x246: {  	v2 =	vadd.s32 v3, v2;
	_ =	sdelay $0x3  }
0x247: {  	v60 =	vld [tilespmem:s23+$0x0]  }
0x248: {  	v2 =	vld.idx.msk [tilespmem:v2+s2+$0x0], $0xffff;
	_ =	sdelay $0x3  }
0x249: {  	vm7 =	vlt.u32 v1, $0x68  }
0x24a: {  	v1 =	vsel vm7, v2, v60  }
0x24b: {  	[tilespmem:s23+$0x0] =	vst v1  }
0x24c: {  	v1 =	vld [tilespmem:s24+$0x80];
	_ =	sdelay $0x4  }
0x24d: {  	v1 =	vadd.s32 $0xFFFFFC80, v1  }
0x24e: {  	vm8 =	vgt.s32 v1, $0x0  }
0x24f: {  	v2 =	vnsel vm8, $0x0, v1  }
0x250: {  	v2 =	vmin.u32 v2, $0x67  }
0x251: {  	v2 =	vshll.u32 v2, $0x7  }
0x252: {  	v2 =	vadd.s32 v3, v2;
	_ =	sdelay $0x3  }
0x253: {  	v61 =	vld [tilespmem:s23+$0x80]  }
0x254: {  	v2 =	vld.idx.msk [tilespmem:v2+s2+$0x0], $0xffff;
	_ =	sdelay $0x3  }
0x255: {  	vm9 =	vlt.u32 v1, $0x68  }
0x256: {  	v1 =	vsel vm9, v2, v61  }
0x257: {  	[tilespmem:s23+$0x80] =	vst v1  }
0x258: {  	v1 =	vld [tilespmem:s24+$0x100];
	_ =	sdelay $0x4  }
0x259: {  	v1 =	vadd.s32 $0xFFFFFC80, v1  }
0x25a: {  	vm10 =	vgt.s32 v1, $0x0  }
0x25b: {  	v2 =	vnsel vm10, $0x0, v1  }
0x25c: {  	v2 =	vmin.u32 v2, $0x67  }
0x25d: {  	v2 =	vshll.u32 v2, $0x7  }
0x25e: {  	v2 =	vadd.s32 v3, v2;
	_ =	sdelay $0x3  }
0x25f: {  	v62 =	vld [tilespmem:s23+$0x100]  }
0x260: {  	v2 =	vld.idx.msk [tilespmem:v2+s2+$0x0], $0xffff;
	_ =	sdelay $0x3  }
0x261: {  	vm11 =	vlt.u32 v1, $0x68  }
0x262: {  	v1 =	vsel vm11, v2, v62  }
0x263: {  	[tilespmem:s23+$0x100] =	vst v1  }
0x264: {  	v1 =	vld [tilespmem:s24+$0x180];
	_ =	sdelay $0x4  }
0x265: {  	v1 =	vadd.s32 $0xFFFFFC80, v1  }
0x266: {  	vm12 =	vgt.s32 v1, $0x0  }
0x267: {  	v2 =	vnsel vm12, $0x0, v1  }
0x268: {  	v2 =	vmin.u32 v2, $0x67  }
0x269: {  	v2 =	vshll.u32 v2, $0x7  }
0x26a: {  	v2 =	vadd.s32 v3, v2;
	_ =	sdelay $0x3  }
0x26b: {  	v63 =	vld [tilespmem:s23+$0x180]  }
0x26c: {  	v2 =	vld.idx.msk [tilespmem:v2+s2+$0x0], $0xffff;
	_ =	sdelay $0x3  }
0x26d: {  	vm13 =	vlt.u32 v1, $0x68  }
0x26e: {  	v1 =	vsel vm13, v2, v63  }
0x26f: {  	[tilespmem:s23+$0x180] =	vst v1  }
0x270: {  	v1 =	vld [tilespmem:s24+$0x200];
	_ =	sdelay $0x4  }
0x271: {  	v1 =	vadd.s32 $0xFFFFFC80, v1  }
0x272: {  	vm14 =	vgt.s32 v1, $0x0  }
0x273: {  	v2 =	vnsel vm14, $0x0, v1  }
0x274: {  	v2 =	vmin.u32 v2, $0x67  }
0x275: {  	v2 =	vshll.u32 v2, $0x7  }
0x276: {  	v2 =	vadd.s32 v3, v2;
	_ =	sdelay $0x3  }
0x277: {  	v3 =	vld [tilespmem:s23+$0x200]  }
0x278: {  	v2 =	vld.idx.msk [tilespmem:v2+s2+$0x0], $0xffff  }
0x279: {  	p0 =	sne.s32 s22, $0x70  }
.Ltmp4:
0x27a: {  	_ = 	snop;
	(pc) =	sbr.rel @p0 .LBB2_10-.Ltmp4, $4  }
0x27b: {  	_ = 	snop  }
0x27c: {  	vm15 =	vlt.u32 v1, $0x68  }
0x27d: {  	v1 =	vsel vm15, v2, v3  }
0x27e: {  	s22 =	sadd.s32 $0x10, s22;
	s24 =	sadd.s32 $0x10, s24;
	[tilespmem:s23+$0x200] =	vst v1;
	s23 =	sadd.s32 $0x10, s23  }
0x27f: {  	[hbm4b:s10+s2] =	stream.linear.scatter [tilespmem:s19], [sflag:$0x3], $0x400, $0x38;
	[tilespmem:$0x11000] =	vst v63  }
0x280: {  	s21 =	sadd.s32 $0x1, s21  }
0x281: {  	p0 =	sne.s32 s21, s11  }
.Ltmp5:
0x282: {  	s22 =	sadd.s32 $0x1000, s10;
	(pc) =	sbr.rel @p0 .LBB2_1-.Ltmp5, $4  }
0x283: {  	[hbm4b:s22+s2] =	stream.linear.scatter [tilespmem:s20], [sflag:$0x3], $0x100, $0x38;
	[tilespmem:$0x11000] =	vst v63  }
0x284: {  	_ =	swait.ge [sflag:s16], $0x500  }
0x285: {  	[sflag:s16] =	ssyncset.done $0x0  }
0x286: {  	[sflag:s16] =	ssyncadd.s32 $0xFFFFFB00  }
0x287: {  	_ =	sfence.sel $0x180000  }
0x288: {  	[bflag:$0x0] =	sbarrier.arrive $0xFFFF  }
0x289: {  	p0 =	sne.s32 s1, $0x0;
	_ =	strace $0x90000047  }
0x28a: {  	s0 =	sadd.s32 @!p0 $0x100000, s0;
	[bflag:$0x2] =	sbarrier.arrive $0xFFFF  }
0x28b: {  	[sflag:s0] =	ssyncadd.tile.s32 @!p0 $0x1;
	_ =	shalt  }
.Lfunc_end2:
_tile_overlayer_lowered:
.L_overlay_start_2:
0x28c: {  	(tag) =	ssettag $0x2  }
0x28d: {  	s0 =	rddreg [dreg:$0x0];
	s2 =	stileid.u32  }
0x28e: {  	s1 =	rddreg [dreg:$0x1];
	p0 =	sne.s32 s2, $0x0  }
0x28f: {  	s3 =	rddreg [dreg:$0x2];
	[bflag:$0x3] =	sbarrier.arrive $0xFFFF;
	s2 =	simm.s32 @!p0 $0x1C03  }
0x290: {  	[timem:s3], [sflag:s2] =	dma.local @!p0 [hbm:s0], s1  }
0x291: {  	s0 =	simm.s32 @!p0 $0x3  }
0x292: {  	_ =	swait.ge @!p0 [sflag:s0], s1  }
0x293: {  	s1 =	ssub.s32 @!p0 $0x0, s1;
	[sflag:s0] =	ssyncset.done @!p0 $0x0  }
0x294: {  	[sflag:s0] =	ssyncadd.s32 @!p0 s1  }
0x295: {  	[bflag:$0x3] =	sbarrier.arrive $0xFFFF  }
0x296: {  	_ =	shalt  }

</sc_bundles>
